<compile_context>
chip_gen: v7x
topology: tpu7x:2x2x1
jax: 0.10.2.dev20260603
libtpu: 0.0.44.dev20260713+nightly
codegen_flags: <defaults>
</compile_context>

<pallas_src>
import functools

import jax
import jax.numpy as jnp
from jax import lax
from jax.experimental import pallas as pl
from jax.experimental.pallas import tpu as pltpu
from jax.experimental.pallas import tpu_sc as plsc

N = 10000
NPAD = 10240
D_IN = 128
H = 64
D_OUT = 64
E = 320000
ETOT = E + N

NC = 2
NS = 16
NW = NC * NS
CHUNK = 128
CHUNKS = 82
CHUNKS_A = 84
TPW = CHUNK * CHUNKS_A
EPAD = NW * TPW
ROWS_PER_TILE = NPAD // NS

RB = 1024
NB = NPAD // RB

_NEG = 0.2


def _leaky(v):
    return jnp.where(v >= 0, v, _NEG * v)


def _proj_body(h_ref, W_ref, b_ref, as_ref, ad_ref,
               z_ref, s_ref, d_ref, m_ref, acc_ref):
    i = pl.program_id(0)
    z = jnp.dot(h_ref[...], W_ref[...], preferred_element_type=jnp.float32)
    z = z + b_ref[...]
    z_ref[...] = z
    s = jnp.dot(z, as_ref[...], preferred_element_type=jnp.float32)
    d = jnp.dot(z, ad_ref[...], preferred_element_type=jnp.float32)
    s_ref[...] = s
    d_ref[...] = d
    bs, bd = jnp.max(s), jnp.max(d)
    ps = jnp.where(i == 0, -jnp.inf, acc_ref[0])
    pd = jnp.where(i == 0, -jnp.inf, acc_ref[1])
    acc_ref[0] = jnp.maximum(ps, bs)
    acc_ref[1] = jnp.maximum(pd, bd)

    @pl.when(i == NB - 1)
    def _():
        m_ref[...] = jnp.full((1, 1), _leaky(acc_ref[0] + acc_ref[1]),
                              jnp.float32)


def _proj(h, W, b, a_s, a_d):
    k = h.shape[1]
    return pl.pallas_call(
        _proj_body,
        grid=(NB,),
        in_specs=[
            pl.BlockSpec((RB, k), lambda i: (i, 0)),
            pl.BlockSpec((k, H), lambda i: (0, 0)),
            pl.BlockSpec((1, H), lambda i: (0, 0)),
            pl.BlockSpec((H, 1), lambda i: (0, 0)),
            pl.BlockSpec((H, 1), lambda i: (0, 0)),
        ],
        out_specs=[
            pl.BlockSpec((RB, H), lambda i: (i, 0)),
            pl.BlockSpec((RB, 1), lambda i: (i, 0)),
            pl.BlockSpec((RB, 1), lambda i: (i, 0)),
            pl.BlockSpec((1, 1), lambda i: (0, 0)),
        ],
        out_shape=[
            jax.ShapeDtypeStruct((NPAD, H), jnp.float32),
            jax.ShapeDtypeStruct((NPAD, 1), jnp.float32),
            jax.ShapeDtypeStruct((NPAD, 1), jnp.float32),
            jax.ShapeDtypeStruct((1, 1), jnp.float32),
        ],
        scratch_shapes=[pltpu.SMEM((2,), jnp.float32)],
    )(h, W, b.reshape(1, H), a_s.reshape(H, 1), a_d.reshape(H, 1))


def _comb_body(num_ref, den_ref, x_ref):
    nsum = num_ref[0] + num_ref[1]
    dsum = den_ref[0, :] + den_ref[1, :]
    x_ref[...] = nsum / (dsum[:, None] + 1e-16)


def _combine(num, den):
    return pl.pallas_call(
        _comb_body,
        grid=(NB,),
        in_specs=[
            pl.BlockSpec((NC, RB, H), lambda i: (0, i, 0)),
            pl.BlockSpec((2, RB), lambda i: (0, i)),
        ],
        out_specs=pl.BlockSpec((RB, H), lambda i: (i, 0)),
        out_shape=jax.ShapeDtypeStruct((NPAD, H), jnp.float32),
    )(num, den)


def _inproj_body(x_ref, W_ref, b_ref, o_ref):
    o_ref[...] = jnp.dot(x_ref[...], W_ref[...],
                         preferred_element_type=jnp.float32) + b_ref[...]


def _inproj(x, W, b):
    return pl.pallas_call(
        _inproj_body,
        grid=(NB,),
        in_specs=[
            pl.BlockSpec((RB, D_IN), lambda i: (i, 0)),
            pl.BlockSpec((D_IN, H), lambda i: (0, 0)),
            pl.BlockSpec((1, H), lambda i: (0, 0)),
        ],
        out_specs=pl.BlockSpec((RB, H), lambda i: (i, 0)),
        out_shape=jax.ShapeDtypeStruct((NPAD, H), jnp.float32),
    )(x, W, b.reshape(1, H))


def _outproj_body(x1_ref, x2_ref, x3_ref, W_ref, b_ref, o_ref):
    Wo = W_ref[...]
    acc = jnp.dot(x1_ref[...], Wo[0:H], preferred_element_type=jnp.float32)
    acc += jnp.dot(x2_ref[...], Wo[H:2 * H], preferred_element_type=jnp.float32)
    acc += jnp.dot(x3_ref[...], Wo[2 * H:], preferred_element_type=jnp.float32)
    o_ref[...] = acc + b_ref[...]


def _outproj(x1, x2, x3, W, b):
    return pl.pallas_call(
        _outproj_body,
        grid=(NB,),
        in_specs=[
            pl.BlockSpec((RB, H), lambda i: (i, 0)),
            pl.BlockSpec((RB, H), lambda i: (i, 0)),
            pl.BlockSpec((RB, H), lambda i: (i, 0)),
            pl.BlockSpec((3 * H, D_OUT), lambda i: (0, 0)),
            pl.BlockSpec((1, D_OUT), lambda i: (0, 0)),
        ],
        out_specs=pl.BlockSpec((RB, D_OUT), lambda i: (i, 0)),
        out_shape=jax.ShapeDtypeStruct((NPAD, D_OUT), jnp.float32),
    )(x1, x2, x3, W, b.reshape(1, D_OUT))


def _sc_edge_body(z_hbm, s_hbm, d_hbm, m_hbm, src_hbm, dst_hbm, w_hbm,
                  num_out, den_out,
                  s_tab, d_tab, m_v, src_t, dst_t, w_t,
                  ex0, zr0, zr1,
                  zerob, zerod, num_acc, den_acc,
                  g0, g1):
    c = lax.axis_index("c")
    sid = lax.axis_index("s")
    wid = sid * NC + c
    zrb = (zr0, zr1)
    gsem = (g0, g1)

    def _zb(i, _):
        for q in range(4):
            zerob[i, pl.ds(q * 16, 16)] = jnp.zeros((16,), jnp.float32)
        return 0
    lax.fori_loop(0, 16, _zb, 0)

    def _zd(i, _):
        zerod[pl.ds(i * 16, 16)] = jnp.zeros((16,), jnp.float32)
        return 0
    lax.fori_loop(0, ROWS_PER_TILE // 16, _zd, 0)

    for r in range(ROWS_PER_TILE // 16):
        pltpu.sync_copy(zerob, num_acc.at[pl.ds(sid * ROWS_PER_TILE + r * 16, 16)])
    pltpu.sync_copy(zerod, den_acc.at[pl.ds(sid * ROWS_PER_TILE, ROWS_PER_TILE)])

    pltpu.sync_copy(s_hbm, s_tab)
    pltpu.sync_copy(d_hbm, d_tab)
    pltpu.sync_copy(m_hbm, m_v)
    pltpu.sync_copy(src_hbm.at[wid], src_t)
    pltpu.sync_copy(dst_hbm.at[wid], dst_t)
    pltpu.sync_copy(w_hbm.at[wid], w_t)
    plsc.subcore_barrier()

    mv = m_v[...]

    for b in range(2):
        pltpu.async_copy(z_hbm.at[src_t.at[b]], zrb[b], gsem[b])

    def _pair(k, _):
        for b in range(2):
            ci = 2 * k + b
            pltpu.make_async_copy(z_hbm.at[src_t.at[ci]], zrb[b],
                                  gsem[b]).wait()

            for j in range(CHUNK // 16):
                sj = src_t[ci, pl.ds(j * 16, 16)]
                dj = dst_t[ci, pl.ds(j * 16, 16)]
                sv = plsc.load_gather(s_tab, [sj])
                dv = plsc.load_gather(d_tab, [dj])
                e = _leaky(sv + dv)
                ex = jnp.exp(e - mv) * w_t[ci, pl.ds(j * 16, 16)]
                ex0[pl.ds(j * 16, 16)] = ex

            def _row(i, _):
                exi = plsc.load_gather(ex0, [jnp.full((16,), i, jnp.int32)])
                for q in range(4):
                    zrb[b][i, pl.ds(q * 16, 16)] = (
                        zrb[b][i, pl.ds(q * 16, 16)] * exi)
                return 0
            lax.fori_loop(0, CHUNK, _row, 0)

            pltpu.sync_copy(zrb[b], num_acc.at[dst_t.at[ci]], add=True)
            pltpu.sync_copy(ex0, den_acc.at[dst_t.at[ci]], add=True)
            pltpu.async_copy(z_hbm.at[src_t.at[ci + 2]], zrb[b], gsem[b])
        return 0

    lax.fori_loop(0, CHUNKS // 2, _pair, 0)
    for b in range(2):
        pltpu.make_async_copy(z_hbm.at[src_t.at[b]], zrb[b],
                              gsem[b]).wait()
    plsc.subcore_barrier()

    row0 = sid * ROWS_PER_TILE
    pltpu.sync_copy(num_acc.at[pl.ds(row0, ROWS_PER_TILE)],
                    num_out.at[c, pl.ds(row0, ROWS_PER_TILE)])
    pltpu.sync_copy(den_acc.at[pl.ds(row0, ROWS_PER_TILE)],
                    den_out.at[c, pl.ds(row0, ROWS_PER_TILE)])


@functools.partial(jax.jit, static_argnames=())
def _sc_edge(z, s, d, m, src, dst, w):
    mesh = plsc.VectorSubcoreMesh(core_axis_name="c", subcore_axis_name="s")
    f = pl.kernel(
        _sc_edge_body,
        out_type=[
            jax.ShapeDtypeStruct((NC, NPAD, H), jnp.float32),
            jax.ShapeDtypeStruct((NC, NPAD), jnp.float32),
        ],
        mesh=mesh,
        compiler_params=pltpu.CompilerParams(needs_layout_passes=False,
                                             use_tc_tiling_on_sc=False),
        scratch_types=[
            pltpu.VMEM((NPAD,), jnp.float32),
            pltpu.VMEM((NPAD,), jnp.float32),
            pltpu.VMEM((16,), jnp.float32),
            pltpu.VMEM((CHUNKS_A, CHUNK), jnp.int32),
            pltpu.VMEM((CHUNKS_A, CHUNK), jnp.int32),
            pltpu.VMEM((CHUNKS_A, CHUNK), jnp.float32),
            pltpu.VMEM((CHUNK,), jnp.float32),
            pltpu.VMEM((CHUNK, H), jnp.float32),
            pltpu.VMEM((CHUNK, H), jnp.float32),
            pltpu.VMEM((16, H), jnp.float32),
            pltpu.VMEM((ROWS_PER_TILE,), jnp.float32),
            pltpu.VMEM_SHARED((NPAD, H), jnp.float32),
            pltpu.VMEM_SHARED((NPAD,), jnp.float32),
            pltpu.SemaphoreType.DMA,
            pltpu.SemaphoreType.DMA,
        ],
    )
    return f(z, s, d, m, src, dst, w)


def kernel(x, ei, ew, W_in, b_in, W1, b1, a1s, a1d, W2, b2, a2s, a2d,
           W_out, b_out):
    loop = jnp.arange(N, dtype=ei.dtype)
    pad = NW * CHUNKS * CHUNK - ETOT
    xtr = CHUNKS_A - CHUNKS

    def _elay(a, fill):
        a = jnp.concatenate([a, jnp.full((pad,), fill, a.dtype)])
        a = a.reshape(NW, CHUNKS, CHUNK)
        return jnp.concatenate(
            [a, jnp.full((NW, xtr, CHUNK), fill, a.dtype)], axis=1)

    src = _elay(jnp.concatenate([ei[0], loop]), 0).astype(jnp.int32)
    dst = _elay(jnp.concatenate([ei[1], loop]), 0).astype(jnp.int32)
    w = _elay(jnp.concatenate([ew, jnp.ones((N,), ew.dtype)]), 0.0)

    xp = jnp.pad(x, ((0, NPAD - N), (0, 0)))
    x1 = _inproj(xp, W_in, b_in)

    z1, s1, d1, m1 = _proj(x1, W1, b1, a1s, a1d)
    m1v = jnp.broadcast_to(m1.reshape(()), (16,))
    num1, den1 = _sc_edge(z1, s1.reshape(NPAD), d1.reshape(NPAD), m1v,
                          src, dst, w)
    x2 = _combine(num1, den1)

    z2, s2, d2, m2 = _proj(x2, W2, b2, a2s, a2d)
    m2v = jnp.broadcast_to(m2.reshape(()), (16,))
    num2, den2 = _sc_edge(z2, s2.reshape(NPAD), d2.reshape(NPAD), m2v,
                          src, dst, w)
    x3 = _combine(num2, den2)

    y = _outproj(x1, x2, x3, W_out, b_out)
    return y[:N]

# --- scband reference (transcript-rebuilt; emitter-appended) ---
"""Pipeline reference for scband-gcnencoder-77154792506013 (READ-ONLY COPY).

The authoritative reference and input builder live on the scoring server;
editing this copy changes nothing except your own understanding.
"""

import jax, jax.numpy as jnp
import numpy as np

N = 10000
E = 320000
D_IN = 128
H = 64
D_OUT = 64

def setup_inputs(seed: int = 0):
    key = jax.random.key(seed)
    ks = jax.random.split(key, 16)
    x = jax.random.normal(ks[0], (N, D_IN), dtype=jnp.float32)
    ei = jax.random.randint(ks[1], (2, E), 0, N, dtype=jnp.int32)
    ew = jax.random.uniform(ks[2], (E,), dtype=jnp.float32)
    def lin(k, fan_in, shape):
        return jax.random.uniform(k, shape, dtype=jnp.float32, minval=-1.0, maxval=1.0) / np.sqrt(fan_in)
    W_in = lin(ks[3], D_IN, (D_IN, H)); b_in = jnp.zeros((H,), jnp.float32)
    W1 = lin(ks[4], H, (H, H)); b1 = jnp.zeros((H,), jnp.float32)
    a1s = lin(ks[5], H, (H,)); a1d = lin(ks[6], H, (H,))
    W2 = lin(ks[7], H, (H, H)); b2 = jnp.zeros((H,), jnp.float32)
    a2s = lin(ks[8], H, (H,)); a2d = lin(ks[9], H, (H,))
    W_out = lin(ks[10], 3 * H, (3 * H, D_OUT)); b_out = jnp.zeros((D_OUT,), jnp.float32)
    return {"x": x, "ei": ei, "ew": ew, "W_in": W_in, "b_in": b_in, "W1": W1, "b1": b1, "a1s": a1s, "a1d": a1d, "W2": W2, "b2": b2, "a2s": a2s, "a2d": a2d, "W_out": W_out, "b_out": b_out}

def _gat(h, src, dst, w, W, b, a_s, a_d, n):
    z = h @ W + b
    logit = (z @ a_s)[src] + (z @ a_d)[dst]
    e = jax.nn.leaky_relu(logit, negative_slope=0.2)
    m = jax.lax.stop_gradient(jax.ops.segment_max(e, dst, num_segments=n))
    m = jnp.where(jnp.isfinite(m), m, 0.0)
    ex = jnp.exp(e - m[dst]) * w
    denom = jax.ops.segment_sum(ex, dst, num_segments=n)
    alpha = ex / (denom[dst] + 1e-16)
    return jax.ops.segment_sum(alpha[:, None] * z[src], dst, num_segments=n)

def reference(x, ei, ew, W_in, b_in, W1, b1, a1s, a1d, W2, b2, a2s, a2d, W_out, b_out):
    n = x.shape[0]
    loop = jnp.arange(n, dtype=ei.dtype)
    src = jnp.concatenate([ei[0], loop])
    dst = jnp.concatenate([ei[1], loop])
    w = jnp.concatenate([ew, jnp.ones((n,), dtype=ew.dtype)])
    x1 = x @ W_in + b_in
    x2 = _gat(x1, src, dst, w, W1, b1, a1s, a1d, n)
    x3 = _gat(x2, src, dst, w, W2, b2, a2s, a2d, n)
    x_all = jnp.concatenate([x1, x2, x3], axis=1)
    return x_all @ W_out + b_out

if __name__ == "__main__":
    import jax
    _d = setup_inputs()
    print(jax.jit(kernel)(*tuple(_d.values())))

</pallas_src>

<mosaic_0001>
#map = affine_map<(d0, d1) -> (0, 0)>
#map1 = affine_map<(d0, d1) -> (0)>
#map2 = affine_map<(d0, d1) -> (0, 0, 0)>
module attributes {stable_mosaic.version = 14 : i64} {
  func.func @_sc_edge_body(%arg0: i32, %arg1: i32, %arg2: memref<10240x64xf32, #tpu.memory_space<hbm>>, %arg3: memref<10240xf32, #tpu.memory_space<hbm>>, %arg4: memref<10240xf32, #tpu.memory_space<hbm>>, %arg5: memref<16xf32, #tpu.memory_space<hbm>>, %arg6: memref<32x84x128xi32, #tpu.memory_space<hbm>>, %arg7: memref<32x84x128xi32, #tpu.memory_space<hbm>>, %arg8: memref<32x84x128xf32, #tpu.memory_space<hbm>>, %arg9: memref<2x10240x64xf32, #tpu.memory_space<hbm>>, %arg10: memref<2x10240xf32, #tpu.memory_space<hbm>>, %arg11: memref<10240xf32, #tpu.memory_space<vmem>>, %arg12: memref<10240xf32, #tpu.memory_space<vmem>>, %arg13: memref<16xf32, #tpu.memory_space<vmem>>, %arg14: memref<84x128xi32, #tpu.memory_space<vmem>>, %arg15: memref<84x128xi32, #tpu.memory_space<vmem>>, %arg16: memref<84x128xf32, #tpu.memory_space<vmem>>, %arg17: memref<128xf32, #tpu.memory_space<vmem>>, %arg18: memref<128x64xf32, #tpu.memory_space<vmem>>, %arg19: memref<128x64xf32, #tpu.memory_space<vmem>>, %arg20: memref<16x64xf32, #tpu.memory_space<vmem>>, %arg21: memref<640xf32, #tpu.memory_space<vmem>>, %arg22: memref<10240x64xf32, #tpu.memory_space<vmem_shared>>, %arg23: memref<10240xf32, #tpu.memory_space<vmem_shared>>, %arg24: memref<!tpu.dma_semaphore, #tpu.memory_space<semaphore_mem>>, %arg25: memref<!tpu.dma_semaphore, #tpu.memory_space<semaphore_mem>>) attributes {dimension_semantics = [#tpu.dimension_semantics<core_parallel>, #tpu.dimension_semantics<subcore_parallel>], iteration_bounds = array<i64: 2, 16>, scalar_prefetch = 0 : i64, scratch_operands = 15 : i64, tpu.core_type = #tpu.core_type<sc_vector_subcore>, window_params = [{transform_indices = #map}, {transform_indices = #map1}, {transform_indices = #map1}, {transform_indices = #map1}, {transform_indices = #map2}, {transform_indices = #map2}, {transform_indices = #map2}, {transform_indices = #map2}, {transform_indices = #map}]} {
    %mul3A = arith.constant 2 : i32
    %mul3A_0 = arith.muli %arg1, %mul3A : i32
    %add3A = arith.addi %mul3A_0, %arg0 : i32
    %scan3A = arith.constant 0 : i32
    %scan3A_1 = arith.constant 0 : i32
    %scan3A_2 = arith.constant 16 : i32
    %scan3A_3 = arith.addi %scan3A_1, %scan3A_2 : i32
    %scan3A_4 = arith.constant 1 : i32
    %scan3A_5 = scf.for %scan3A_213 = %scan3A_1 to %scan3A_3 step %scan3A_4 iter_args(%scan3A_214 = %scan3A) -> (i32)  : i32 {
      %broadcast_in_dim3A = arith.constant 0.000000e+00 : f32
      %broadcast_in_dim3A_215 = vector.broadcast %broadcast_in_dim3A : f32 to vector<16xf32>
      %swap3A = arith.index_cast %scan3A_213 : i32 to index
      %swap3A_216 = arith.constant 0 : index
      %swap3A_217 = tpu.vector_load %arg20[%swap3A, %swap3A_216] {strides = array<i32>} : memref<16x64xf32, #tpu.memory_space<vmem>>, vector<16xf32>,
      tpu.vector_store %arg20[%swap3A, %swap3A_216], %broadcast_in_dim3A_215 {strides = array<i32>} : memref<16x64xf32, #tpu.memory_space<vmem>>, vector<16xf32>,
      %broadcast_in_dim3A_218 = arith.constant 0.000000e+00 : f32
      %broadcast_in_dim3A_219 = vector.broadcast %broadcast_in_dim3A_218 : f32 to vector<16xf32>
      %swap3A_220 = arith.index_cast %scan3A_213 : i32 to index
      %swap3A_221 = arith.constant 16 : index
      %swap3A_222 = tpu.vector_load %arg20[%swap3A_220, %swap3A_221] {strides = array<i32>} : memref<16x64xf32, #tpu.memory_space<vmem>>, vector<16xf32>,
      tpu.vector_store %arg20[%swap3A_220, %swap3A_221], %broadcast_in_dim3A_219 {strides = array<i32>} : memref<16x64xf32, #tpu.memory_space<vmem>>, vector<16xf32>,
      %broadcast_in_dim3A_223 = arith.constant 0.000000e+00 : f32
      %broadcast_in_dim3A_224 = vector.broadcast %broadcast_in_dim3A_223 : f32 to vector<16xf32>
      %swap3A_225 = arith.index_cast %scan3A_213 : i32 to index
      %swap3A_226 = arith.constant 32 : index
      %swap3A_227 = tpu.vector_load %arg20[%swap3A_225, %swap3A_226] {strides = array<i32>} : memref<16x64xf32, #tpu.memory_space<vmem>>, vector<16xf32>,
      tpu.vector_store %arg20[%swap3A_225, %swap3A_226], %broadcast_in_dim3A_224 {strides = array<i32>} : memref<16x64xf32, #tpu.memory_space<vmem>>, vector<16xf32>,
      %broadcast_in_dim3A_228 = arith.constant 0.000000e+00 : f32
      %broadcast_in_dim3A_229 = vector.broadcast %broadcast_in_dim3A_228 : f32 to vector<16xf32>
      %swap3A_230 = arith.index_cast %scan3A_213 : i32 to index
      %swap3A_231 = arith.constant 48 : index
      %swap3A_232 = tpu.vector_load %arg20[%swap3A_230, %swap3A_231] {strides = array<i32>} : memref<16x64xf32, #tpu.memory_space<vmem>>, vector<16xf32>,
      tpu.vector_store %arg20[%swap3A_230, %swap3A_231], %broadcast_in_dim3A_229 {strides = array<i32>} : memref<16x64xf32, #tpu.memory_space<vmem>>, vector<16xf32>,
      %scan3A_233 = arith.constant 0 : i32
      scf.yield %scan3A_233 : i32
    }
    %scan3A_6 = arith.constant 16 : i32
    %scan3A_7 = arith.constant 0 : i32
    %scan3A_8 = arith.constant 0 : i32
    %scan3A_9 = arith.constant 40 : i32
    %scan3A_10 = arith.addi %scan3A_8, %scan3A_9 : i32
    %scan3A_11 = arith.constant 1 : i32
    %scan3A_12 = scf.for %scan3A_213 = %scan3A_8 to %scan3A_10 step %scan3A_11 iter_args(%scan3A_214 = %scan3A_7) -> (i32)  : i32 {
      %broadcast_in_dim3A = arith.constant 0.000000e+00 : f32
      %broadcast_in_dim3A_215 = vector.broadcast %broadcast_in_dim3A : f32 to vector<16xf32>
      %mul3A_216 = arith.constant 16 : i32
      %mul3A_217 = arith.muli %scan3A_213, %mul3A_216 : i32
      %swap3A = arith.index_cast %mul3A_217 : i32 to index
      %swap3A_218 = tpu.vector_load %arg21[%swap3A] {strides = array<i32>} : memref<640xf32, #tpu.memory_space<vmem>>, vector<16xf32>,
      tpu.vector_store %arg21[%swap3A], %broadcast_in_dim3A_215 {strides = array<i32>} : memref<640xf32, #tpu.memory_space<vmem>>, vector<16xf32>,
      %scan3A_219 = arith.constant 0 : i32
      scf.yield %scan3A_219 : i32
    }
    %scan3A_13 = arith.constant 40 : i32
    %mul3A_14 = arith.constant 640 : i32
    %mul3A_15 = arith.muli %arg1, %mul3A_14 : i32
    %add3A_16 = arith.constant 0 : i32
    %add3A_17 = arith.addi %mul3A_15, %add3A_16 : i32
    "tpu.region"() ({
      %run_scoped3A = tpu.sem_alloc : memref<!tpu.dma_semaphore, #tpu.memory_space<semaphore_mem>>
      %dma_start3A_213 = arith.constant 0 : i32
      %dma_start3A_214 = tpu.memref_slice %arg22[%add3A_17, %dma_start3A_213] : memref<10240x64xf32, #tpu.memory_space<vmem_shared>> -> memref<16x64xf32, #tpu.memory_space<vmem_shared>>
      %dma_start3A_215 = arith.constant 0 : i32
      %dma_start3A_216 = tpu.memref_slice %arg22[%add3A_17, %dma_start3A_215] : memref<10240x64xf32, #tpu.memory_space<vmem_shared>> -> memref<16x64xf32, #tpu.memory_space<vmem_shared>>
      tpu.enqueue_dma source(%arg20 : memref<16x64xf32, #tpu.memory_space<vmem>>) target(%dma_start3A_216 : memref<16x64xf32, #tpu.memory_space<vmem_shared>>) target_semaphore(%run_scoped3A : memref<!tpu.dma_semaphore, #tpu.memory_space<semaphore_mem>>)
      %dma_wait3A_217 = arith.constant 0 : i32
      %dma_wait3A_218 = tpu.memref_slice %arg22[%add3A_17, %dma_wait3A_217] : memref<10240x64xf32, #tpu.memory_space<vmem_shared>> -> memref<16x64xf32, #tpu.memory_space<vmem_shared>>
      %dma_wait3A_219 = arith.constant 0 : i32
      %dma_wait3A_220 = tpu.memref_slice %arg22[%add3A_17, %dma_wait3A_219] : memref<10240x64xf32, #tpu.memory_space<vmem_shared>> -> memref<16x64xf32, #tpu.memory_space<vmem_shared>>
      tpu.wait_dma2 semaphore(%run_scoped3A : memref<!tpu.dma_semaphore, #tpu.memory_space<semaphore_mem>>) src(%arg20 : memref<16x64xf32, #tpu.memory_space<vmem>>) dst(%dma_wait3A_220 : memref<16x64xf32, #tpu.memory_space<vmem_shared>>)
      tpu.yield
    }) : () -> ()
    %mul3A_18 = arith.constant 640 : i32
    %mul3A_19 = arith.muli %arg1, %mul3A_18 : i32
    %add3A_20 = arith.constant 16 : i32
    %add3A_21 = arith.addi %mul3A_19, %add3A_20 : i32
    "tpu.region"() ({
      %run_scoped3A = tpu.sem_alloc : memref<!tpu.dma_semaphore, #tpu.memory_space<semaphore_mem>>
      %dma_start3A_213 = arith.constant 0 : i32
      %dma_start3A_214 = tpu.memref_slice %arg22[%add3A_21, %dma_start3A_213] : memref<10240x64xf32, #tpu.memory_space<vmem_shared>> -> memref<16x64xf32, #tpu.memory_space<vmem_shared>>
      %dma_start3A_215 = arith.constant 0 : i32
      %dma_start3A_216 = tpu.memref_slice %arg22[%add3A_21, %dma_start3A_215] : memref<10240x64xf32, #tpu.memory_space<vmem_shared>> -> memref<16x64xf32, #tpu.memory_space<vmem_shared>>
      tpu.enqueue_dma source(%arg20 : memref<16x64xf32, #tpu.memory_space<vmem>>) target(%dma_start3A_216 : memref<16x64xf32, #tpu.memory_space<vmem_shared>>) target_semaphore(%run_scoped3A : memref<!tpu.dma_semaphore, #tpu.memory_space<semaphore_mem>>)
      %dma_wait3A_217 = arith.constant 0 : i32
      %dma_wait3A_218 = tpu.memref_slice %arg22[%add3A_21, %dma_wait3A_217] : memref<10240x64xf32, #tpu.memory_space<vmem_shared>> -> memref<16x64xf32, #tpu.memory_space<vmem_shared>>
      %dma_wait3A_219 = arith.constant 0 : i32
      %dma_wait3A_220 = tpu.memref_slice %arg22[%add3A_21, %dma_wait3A_219] : memref<10240x64xf32, #tpu.memory_space<vmem_shared>> -> memref<16x64xf32, #tpu.memory_space<vmem_shared>>
      tpu.wait_dma2 semaphore(%run_scoped3A : memref<!tpu.dma_semaphore, #tpu.memory_space<semaphore_mem>>) src(%arg20 : memref<16x64xf32, #tpu.memory_space<vmem>>) dst(%dma_wait3A_220 : memref<16x64xf32, #tpu.memory_space<vmem_shared>>)
      tpu.yield
    }) : () -> ()
    %mul3A_22 = arith.constant 640 : i32
    %mul3A_23 = arith.muli %arg1, %mul3A_22 : i32
    %add3A_24 = arith.constant 32 : i32
    %add3A_25 = arith.addi %mul3A_23, %add3A_24 : i32
    "tpu.region"() ({
      %run_scoped3A = tpu.sem_alloc : memref<!tpu.dma_semaphore, #tpu.memory_space<semaphore_mem>>
      %dma_start3A_213 = arith.constant 0 : i32
      %dma_start3A_214 = tpu.memref_slice %arg22[%add3A_25, %dma_start3A_213] : memref<10240x64xf32, #tpu.memory_space<vmem_shared>> -> memref<16x64xf32, #tpu.memory_space<vmem_shared>>
      %dma_start3A_215 = arith.constant 0 : i32
      %dma_start3A_216 = tpu.memref_slice %arg22[%add3A_25, %dma_start3A_215] : memref<10240x64xf32, #tpu.memory_space<vmem_shared>> -> memref<16x64xf32, #tpu.memory_space<vmem_shared>>
      tpu.enqueue_dma source(%arg20 : memref<16x64xf32, #tpu.memory_space<vmem>>) target(%dma_start3A_216 : memref<16x64xf32, #tpu.memory_space<vmem_shared>>) target_semaphore(%run_scoped3A : memref<!tpu.dma_semaphore, #tpu.memory_space<semaphore_mem>>)
      %dma_wait3A_217 = arith.constant 0 : i32
      %dma_wait3A_218 = tpu.memref_slice %arg22[%add3A_25, %dma_wait3A_217] : memref<10240x64xf32, #tpu.memory_space<vmem_shared>> -> memref<16x64xf32, #tpu.memory_space<vmem_shared>>
      %dma_wait3A_219 = arith.constant 0 : i32
      %dma_wait3A_220 = tpu.memref_slice %arg22[%add3A_25, %dma_wait3A_219] : memref<10240x64xf32, #tpu.memory_space<vmem_shared>> -> memref<16x64xf32, #tpu.memory_space<vmem_shared>>
      tpu.wait_dma2 semaphore(%run_scoped3A : memref<!tpu.dma_semaphore, #tpu.memory_space<semaphore_mem>>) src(%arg20 : memref<16x64xf32, #tpu.memory_space<vmem>>) dst(%dma_wait3A_220 : memref<16x64xf32, #tpu.memory_space<vmem_shared>>)
      tpu.yield
    }) : () -> ()
    %mul3A_26 = arith.constant 640 : i32
    %mul3A_27 = arith.muli %arg1, %mul3A_26 : i32
    %add3A_28 = arith.constant 48 : i32
    %add3A_29 = arith.addi %mul3A_27, %add3A_28 : i32
    "tpu.region"() ({
      %run_scoped3A = tpu.sem_alloc : memref<!tpu.dma_semaphore, #tpu.memory_space<semaphore_mem>>
      %dma_start3A_213 = arith.constant 0 : i32
      %dma_start3A_214 = tpu.memref_slice %arg22[%add3A_29, %dma_start3A_213] : memref<10240x64xf32, #tpu.memory_space<vmem_shared>> -> memref<16x64xf32, #tpu.memory_space<vmem_shared>>
      %dma_start3A_215 = arith.constant 0 : i32
      %dma_start3A_216 = tpu.memref_slice %arg22[%add3A_29, %dma_start3A_215] : memref<10240x64xf32, #tpu.memory_space<vmem_shared>> -> memref<16x64xf32, #tpu.memory_space<vmem_shared>>
      tpu.enqueue_dma source(%arg20 : memref<16x64xf32, #tpu.memory_space<vmem>>) target(%dma_start3A_216 : memref<16x64xf32, #tpu.memory_space<vmem_shared>>) target_semaphore(%run_scoped3A : memref<!tpu.dma_semaphore, #tpu.memory_space<semaphore_mem>>)
      %dma_wait3A_217 = arith.constant 0 : i32
      %dma_wait3A_218 = tpu.memref_slice %arg22[%add3A_29, %dma_wait3A_217] : memref<10240x64xf32, #tpu.memory_space<vmem_shared>> -> memref<16x64xf32, #tpu.memory_space<vmem_shared>>
      %dma_wait3A_219 = arith.constant 0 : i32
      %dma_wait3A_220 = tpu.memref_slice %arg22[%add3A_29, %dma_wait3A_219] : memref<10240x64xf32, #tpu.memory_space<vmem_shared>> -> memref<16x64xf32, #tpu.memory_space<vmem_shared>>
      tpu.wait_dma2 semaphore(%run_scoped3A : memref<!tpu.dma_semaphore, #tpu.memory_space<semaphore_mem>>) src(%arg20 : memref<16x64xf32, #tpu.memory_space<vmem>>) dst(%dma_wait3A_220 : memref<16x64xf32, #tpu.memory_space<vmem_shared>>)
      tpu.yield
    }) : () -> ()
    %mul3A_30 = arith.constant 640 : i32
    %mul3A_31 = arith.muli %arg1, %mul3A_30 : i32
    %add3A_32 = arith.constant 64 : i32
    %add3A_33 = arith.addi %mul3A_31, %add3A_32 : i32
    "tpu.region"() ({
      %run_scoped3A = tpu.sem_alloc : memref<!tpu.dma_semaphore, #tpu.memory_space<semaphore_mem>>
      %dma_start3A_213 = arith.constant 0 : i32
      %dma_start3A_214 = tpu.memref_slice %arg22[%add3A_33, %dma_start3A_213] : memref<10240x64xf32, #tpu.memory_space<vmem_shared>> -> memref<16x64xf32, #tpu.memory_space<vmem_shared>>
      %dma_start3A_215 = arith.constant 0 : i32
      %dma_start3A_216 = tpu.memref_slice %arg22[%add3A_33, %dma_start3A_215] : memref<10240x64xf32, #tpu.memory_space<vmem_shared>> -> memref<16x64xf32, #tpu.memory_space<vmem_shared>>
      tpu.enqueue_dma source(%arg20 : memref<16x64xf32, #tpu.memory_space<vmem>>) target(%dma_start3A_216 : memref<16x64xf32, #tpu.memory_space<vmem_shared>>) target_semaphore(%run_scoped3A : memref<!tpu.dma_semaphore, #tpu.memory_space<semaphore_mem>>)
      %dma_wait3A_217 = arith.constant 0 : i32
      %dma_wait3A_218 = tpu.memref_slice %arg22[%add3A_33, %dma_wait3A_217] : memref<10240x64xf32, #tpu.memory_space<vmem_shared>> -> memref<16x64xf32, #tpu.memory_space<vmem_shared>>
      %dma_wait3A_219 = arith.constant 0 : i32
      %dma_wait3A_220 = tpu.memref_slice %arg22[%add3A_33, %dma_wait3A_219] : memref<10240x64xf32, #tpu.memory_space<vmem_shared>> -> memref<16x64xf32, #tpu.memory_space<vmem_shared>>
      tpu.wait_dma2 semaphore(%run_scoped3A : memref<!tpu.dma_semaphore, #tpu.memory_space<semaphore_mem>>) src(%arg20 : memref<16x64xf32, #tpu.memory_space<vmem>>) dst(%dma_wait3A_220 : memref<16x64xf32, #tpu.memory_space<vmem_shared>>)
      tpu.yield
    }) : () -> ()
    %mul3A_34 = arith.constant 640 : i32
    %mul3A_35 = arith.muli %arg1, %mul3A_34 : i32
    %add3A_36 = arith.constant 80 : i32
    %add3A_37 = arith.addi %mul3A_35, %add3A_36 : i32
    "tpu.region"() ({
      %run_scoped3A = tpu.sem_alloc : memref<!tpu.dma_semaphore, #tpu.memory_space<semaphore_mem>>
      %dma_start3A_213 = arith.constant 0 : i32
      %dma_start3A_214 = tpu.memref_slice %arg22[%add3A_37, %dma_start3A_213] : memref<10240x64xf32, #tpu.memory_space<vmem_shared>> -> memref<16x64xf32, #tpu.memory_space<vmem_shared>>
      %dma_start3A_215 = arith.constant 0 : i32
      %dma_start3A_216 = tpu.memref_slice %arg22[%add3A_37, %dma_start3A_215] : memref<10240x64xf32, #tpu.memory_space<vmem_shared>> -> memref<16x64xf32, #tpu.memory_space<vmem_shared>>
      tpu.enqueue_dma source(%arg20 : memref<16x64xf32, #tpu.memory_space<vmem>>) target(%dma_start3A_216 : memref<16x64xf32, #tpu.memory_space<vmem_shared>>) target_semaphore(%run_scoped3A : memref<!tpu.dma_semaphore, #tpu.memory_space<semaphore_mem>>)
      %dma_wait3A_217 = arith.constant 0 : i32
      %dma_wait3A_218 = tpu.memref_slice %arg22[%add3A_37, %dma_wait3A_217] : memref<10240x64xf32, #tpu.memory_space<vmem_shared>> -> memref<16x64xf32, #tpu.memory_space<vmem_shared>>
      %dma_wait3A_219 = arith.constant 0 : i32
      %dma_wait3A_220 = tpu.memref_slice %arg22[%add3A_37, %dma_wait3A_219] : memref<10240x64xf32, #tpu.memory_space<vmem_shared>> -> memref<16x64xf32, #tpu.memory_space<vmem_shared>>
      tpu.wait_dma2 semaphore(%run_scoped3A : memref<!tpu.dma_semaphore, #tpu.memory_space<semaphore_mem>>) src(%arg20 : memref<16x64xf32, #tpu.memory_space<vmem>>) dst(%dma_wait3A_220 : memref<16x64xf32, #tpu.memory_space<vmem_shared>>)
      tpu.yield
    }) : () -> ()
    %mul3A_38 = arith.constant 640 : i32
    %mul3A_39 = arith.muli %arg1, %mul3A_38 : i32
    %add3A_40 = arith.constant 96 : i32
    %add3A_41 = arith.addi %mul3A_39, %add3A_40 : i32
    "tpu.region"() ({
      %run_scoped3A = tpu.sem_alloc : memref<!tpu.dma_semaphore, #tpu.memory_space<semaphore_mem>>
      %dma_start3A_213 = arith.constant 0 : i32
      %dma_start3A_214 = tpu.memref_slice %arg22[%add3A_41, %dma_start3A_213] : memref<10240x64xf32, #tpu.memory_space<vmem_shared>> -> memref<16x64xf32, #tpu.memory_space<vmem_shared>>
      %dma_start3A_215 = arith.constant 0 : i32
      %dma_start3A_216 = tpu.memref_slice %arg22[%add3A_41, %dma_start3A_215] : memref<10240x64xf32, #tpu.memory_space<vmem_shared>> -> memref<16x64xf32, #tpu.memory_space<vmem_shared>>
      tpu.enqueue_dma source(%arg20 : memref<16x64xf32, #tpu.memory_space<vmem>>) target(%dma_start3A_216 : memref<16x64xf32, #tpu.memory_space<vmem_shared>>) target_semaphore(%run_scoped3A : memref<!tpu.dma_semaphore, #tpu.memory_space<semaphore_mem>>)
      %dma_wait3A_217 = arith.constant 0 : i32
      %dma_wait3A_218 = tpu.memref_slice %arg22[%add3A_41, %dma_wait3A_217] : memref<10240x64xf32, #tpu.memory_space<vmem_shared>> -> memref<16x64xf32, #tpu.memory_space<vmem_shared>>
      %dma_wait3A_219 = arith.constant 0 : i32
      %dma_wait3A_220 = tpu.memref_slice %arg22[%add3A_41, %dma_wait3A_219] : memref<10240x64xf32, #tpu.memory_space<vmem_shared>> -> memref<16x64xf32, #tpu.memory_space<vmem_shared>>
      tpu.wait_dma2 semaphore(%run_scoped3A : memref<!tpu.dma_semaphore, #tpu.memory_space<semaphore_mem>>) src(%arg20 : memref<16x64xf32, #tpu.memory_space<vmem>>) dst(%dma_wait3A_220 : memref<16x64xf32, #tpu.memory_space<vmem_shared>>)
      tpu.yield
    }) : () -> ()
    %mul3A_42 = arith.constant 640 : i32
    %mul3A_43 = arith.muli %arg1, %mul3A_42 : i32
    %add3A_44 = arith.constant 112 : i32
    %add3A_45 = arith.addi %mul3A_43, %add3A_44 : i32
    "tpu.region"() ({
      %run_scoped3A = tpu.sem_alloc : memref<!tpu.dma_semaphore, #tpu.memory_space<semaphore_mem>>
      %dma_start3A_213 = arith.constant 0 : i32
      %dma_start3A_214 = tpu.memref_slice %arg22[%add3A_45, %dma_start3A_213] : memref<10240x64xf32, #tpu.memory_space<vmem_shared>> -> memref<16x64xf32, #tpu.memory_space<vmem_shared>>
      %dma_start3A_215 = arith.constant 0 : i32
      %dma_start3A_216 = tpu.memref_slice %arg22[%add3A_45, %dma_start3A_215] : memref<10240x64xf32, #tpu.memory_space<vmem_shared>> -> memref<16x64xf32, #tpu.memory_space<vmem_shared>>
      tpu.enqueue_dma source(%arg20 : memref<16x64xf32, #tpu.memory_space<vmem>>) target(%dma_start3A_216 : memref<16x64xf32, #tpu.memory_space<vmem_shared>>) target_semaphore(%run_scoped3A : memref<!tpu.dma_semaphore, #tpu.memory_space<semaphore_mem>>)
      %dma_wait3A_217 = arith.constant 0 : i32
      %dma_wait3A_218 = tpu.memref_slice %arg22[%add3A_45, %dma_wait3A_217] : memref<10240x64xf32, #tpu.memory_space<vmem_shared>> -> memref<16x64xf32, #tpu.memory_space<vmem_shared>>
      %dma_wait3A_219 = arith.constant 0 : i32
      %dma_wait3A_220 = tpu.memref_slice %arg22[%add3A_45, %dma_wait3A_219] : memref<10240x64xf32, #tpu.memory_space<vmem_shared>> -> memref<16x64xf32, #tpu.memory_space<vmem_shared>>
      tpu.wait_dma2 semaphore(%run_scoped3A : memref<!tpu.dma_semaphore, #tpu.memory_space<semaphore_mem>>) src(%arg20 : memref<16x64xf32, #tpu.memory_space<vmem>>) dst(%dma_wait3A_220 : memref<16x64xf32, #tpu.memory_space<vmem_shared>>)
      tpu.yield
    }) : () -> ()
    %mul3A_46 = arith.constant 640 : i32
    %mul3A_47 = arith.muli %arg1, %mul3A_46 : i32
    %add3A_48 = arith.constant 128 : i32
    %add3A_49 = arith.addi %mul3A_47, %add3A_48 : i32
    "tpu.region"() ({
      %run_scoped3A = tpu.sem_alloc : memref<!tpu.dma_semaphore, #tpu.memory_space<semaphore_mem>>
      %dma_start3A_213 = arith.constant 0 : i32
      %dma_start3A_214 = tpu.memref_slice %arg22[%add3A_49, %dma_start3A_213] : memref<10240x64xf32, #tpu.memory_space<vmem_shared>> -> memref<16x64xf32, #tpu.memory_space<vmem_shared>>
      %dma_start3A_215 = arith.constant 0 : i32
      %dma_start3A_216 = tpu.memref_slice %arg22[%add3A_49, %dma_start3A_215] : memref<10240x64xf32, #tpu.memory_space<vmem_shared>> -> memref<16x64xf32, #tpu.memory_space<vmem_shared>>
      tpu.enqueue_dma source(%arg20 : memref<16x64xf32, #tpu.memory_space<vmem>>) target(%dma_start3A_216 : memref<16x64xf32, #tpu.memory_space<vmem_shared>>) target_semaphore(%run_scoped3A : memref<!tpu.dma_semaphore, #tpu.memory_space<semaphore_mem>>)
      %dma_wait3A_217 = arith.constant 0 : i32
      %dma_wait3A_218 = tpu.memref_slice %arg22[%add3A_49, %dma_wait3A_217] : memref<10240x64xf32, #tpu.memory_space<vmem_shared>> -> memref<16x64xf32, #tpu.memory_space<vmem_shared>>
      %dma_wait3A_219 = arith.constant 0 : i32
      %dma_wait3A_220 = tpu.memref_slice %arg22[%add3A_49, %dma_wait3A_219] : memref<10240x64xf32, #tpu.memory_space<vmem_shared>> -> memref<16x64xf32, #tpu.memory_space<vmem_shared>>
      tpu.wait_dma2 semaphore(%run_scoped3A : memref<!tpu.dma_semaphore, #tpu.memory_space<semaphore_mem>>) src(%arg20 : memref<16x64xf32, #tpu.memory_space<vmem>>) dst(%dma_wait3A_220 : memref<16x64xf32, #tpu.memory_space<vmem_shared>>)
      tpu.yield
    }) : () -> ()
    %mul3A_50 = arith.constant 640 : i32
    %mul3A_51 = arith.muli %arg1, %mul3A_50 : i32
    %add3A_52 = arith.constant 144 : i32
    %add3A_53 = arith.addi %mul3A_51, %add3A_52 : i32
    "tpu.region"() ({
      %run_scoped3A = tpu.sem_alloc : memref<!tpu.dma_semaphore, #tpu.memory_space<semaphore_mem>>
      %dma_start3A_213 = arith.constant 0 : i32
      %dma_start3A_214 = tpu.memref_slice %arg22[%add3A_53, %dma_start3A_213] : memref<10240x64xf32, #tpu.memory_space<vmem_shared>> -> memref<16x64xf32, #tpu.memory_space<vmem_shared>>
      %dma_start3A_215 = arith.constant 0 : i32
      %dma_start3A_216 = tpu.memref_slice %arg22[%add3A_53, %dma_start3A_215] : memref<10240x64xf32, #tpu.memory_space<vmem_shared>> -> memref<16x64xf32, #tpu.memory_space<vmem_shared>>
      tpu.enqueue_dma source(%arg20 : memref<16x64xf32, #tpu.memory_space<vmem>>) target(%dma_start3A_216 : memref<16x64xf32, #tpu.memory_space<vmem_shared>>) target_semaphore(%run_scoped3A : memref<!tpu.dma_semaphore, #tpu.memory_space<semaphore_mem>>)
      %dma_wait3A_217 = arith.constant 0 : i32
      %dma_wait3A_218 = tpu.memref_slice %arg22[%add3A_53, %dma_wait3A_217] : memref<10240x64xf32, #tpu.memory_space<vmem_shared>> -> memref<16x64xf32, #tpu.memory_space<vmem_shared>>
      %dma_wait3A_219 = arith.constant 0 : i32
      %dma_wait3A_220 = tpu.memref_slice %arg22[%add3A_53, %dma_wait3A_219] : memref<10240x64xf32, #tpu.memory_space<vmem_shared>> -> memref<16x64xf32, #tpu.memory_space<vmem_shared>>
      tpu.wait_dma2 semaphore(%run_scoped3A : memref<!tpu.dma_semaphore, #tpu.memory_space<semaphore_mem>>) src(%arg20 : memref<16x64xf32, #tpu.memory_space<vmem>>) dst(%dma_wait3A_220 : memref<16x64xf32, #tpu.memory_space<vmem_shared>>)
      tpu.yield
    }) : () -> ()
    %mul3A_54 = arith.constant 640 : i32
    %mul3A_55 = arith.muli %arg1, %mul3A_54 : i32
    %add3A_56 = arith.constant 160 : i32
    %add3A_57 = arith.addi %mul3A_55, %add3A_56 : i32
    "tpu.region"() ({
      %run_scoped3A = tpu.sem_alloc : memref<!tpu.dma_semaphore, #tpu.memory_space<semaphore_mem>>
      %dma_start3A_213 = arith.constant 0 : i32
      %dma_start3A_214 = tpu.memref_slice %arg22[%add3A_57, %dma_start3A_213] : memref<10240x64xf32, #tpu.memory_space<vmem_shared>> -> memref<16x64xf32, #tpu.memory_space<vmem_shared>>
      %dma_start3A_215 = arith.constant 0 : i32
      %dma_start3A_216 = tpu.memref_slice %arg22[%add3A_57, %dma_start3A_215] : memref<10240x64xf32, #tpu.memory_space<vmem_shared>> -> memref<16x64xf32, #tpu.memory_space<vmem_shared>>
      tpu.enqueue_dma source(%arg20 : memref<16x64xf32, #tpu.memory_space<vmem>>) target(%dma_start3A_216 : memref<16x64xf32, #tpu.memory_space<vmem_shared>>) target_semaphore(%run_scoped3A : memref<!tpu.dma_semaphore, #tpu.memory_space<semaphore_mem>>)
      %dma_wait3A_217 = arith.constant 0 : i32
      %dma_wait3A_218 = tpu.memref_slice %arg22[%add3A_57, %dma_wait3A_217] : memref<10240x64xf32, #tpu.memory_space<vmem_shared>> -> memref<16x64xf32, #tpu.memory_space<vmem_shared>>
      %dma_wait3A_219 = arith.constant 0 : i32
      %dma_wait3A_220 = tpu.memref_slice %arg22[%add3A_57, %dma_wait3A_219] : memref<10240x64xf32, #tpu.memory_space<vmem_shared>> -> memref<16x64xf32, #tpu.memory_space<vmem_shared>>
      tpu.wait_dma2 semaphore(%run_scoped3A : memref<!tpu.dma_semaphore, #tpu.memory_space<semaphore_mem>>) src(%arg20 : memref<16x64xf32, #tpu.memory_space<vmem>>) dst(%dma_wait3A_220 : memref<16x64xf32, #tpu.memory_space<vmem_shared>>)
      tpu.yield
    }) : () -> ()
    %mul3A_58 = arith.constant 640 : i32
    %mul3A_59 = arith.muli %arg1, %mul3A_58 : i32
    %add3A_60 = arith.constant 176 : i32
    %add3A_61 = arith.addi %mul3A_59, %add3A_60 : i32
    "tpu.region"() ({
      %run_scoped3A = tpu.sem_alloc : memref<!tpu.dma_semaphore, #tpu.memory_space<semaphore_mem>>
      %dma_start3A_213 = arith.constant 0 : i32
      %dma_start3A_214 = tpu.memref_slice %arg22[%add3A_61, %dma_start3A_213] : memref<10240x64xf32, #tpu.memory_space<vmem_shared>> -> memref<16x64xf32, #tpu.memory_space<vmem_shared>>
      %dma_start3A_215 = arith.constant 0 : i32
      %dma_start3A_216 = tpu.memref_slice %arg22[%add3A_61, %dma_start3A_215] : memref<10240x64xf32, #tpu.memory_space<vmem_shared>> -> memref<16x64xf32, #tpu.memory_space<vmem_shared>>
      tpu.enqueue_dma source(%arg20 : memref<16x64xf32, #tpu.memory_space<vmem>>) target(%dma_start3A_216 : memref<16x64xf32, #tpu.memory_space<vmem_shared>>) target_semaphore(%run_scoped3A : memref<!tpu.dma_semaphore, #tpu.memory_space<semaphore_mem>>)
      %dma_wait3A_217 = arith.constant 0 : i32
      %dma_wait3A_218 = tpu.memref_slice %arg22[%add3A_61, %dma_wait3A_217] : memref<10240x64xf32, #tpu.memory_space<vmem_shared>> -> memref<16x64xf32, #tpu.memory_space<vmem_shared>>
      %dma_wait3A_219 = arith.constant 0 : i32
      %dma_wait3A_220 = tpu.memref_slice %arg22[%add3A_61, %dma_wait3A_219] : memref<10240x64xf32, #tpu.memory_space<vmem_shared>> -> memref<16x64xf32, #tpu.memory_space<vmem_shared>>
      tpu.wait_dma2 semaphore(%run_scoped3A : memref<!tpu.dma_semaphore, #tpu.memory_space<semaphore_mem>>) src(%arg20 : memref<16x64xf32, #tpu.memory_space<vmem>>) dst(%dma_wait3A_220 : memref<16x64xf32, #tpu.memory_space<vmem_shared>>)
      tpu.yield
    }) : () -> ()
    %mul3A_62 = arith.constant 640 : i32
    %mul3A_63 = arith.muli %arg1, %mul3A_62 : i32
    %add3A_64 = arith.constant 192 : i32
    %add3A_65 = arith.addi %mul3A_63, %add3A_64 : i32
    "tpu.region"() ({
      %run_scoped3A = tpu.sem_alloc : memref<!tpu.dma_semaphore, #tpu.memory_space<semaphore_mem>>
      %dma_start3A_213 = arith.constant 0 : i32
      %dma_start3A_214 = tpu.memref_slice %arg22[%add3A_65, %dma_start3A_213] : memref<10240x64xf32, #tpu.memory_space<vmem_shared>> -> memref<16x64xf32, #tpu.memory_space<vmem_shared>>
      %dma_start3A_215 = arith.constant 0 : i32
      %dma_start3A_216 = tpu.memref_slice %arg22[%add3A_65, %dma_start3A_215] : memref<10240x64xf32, #tpu.memory_space<vmem_shared>> -> memref<16x64xf32, #tpu.memory_space<vmem_shared>>
      tpu.enqueue_dma source(%arg20 : memref<16x64xf32, #tpu.memory_space<vmem>>) target(%dma_start3A_216 : memref<16x64xf32, #tpu.memory_space<vmem_shared>>) target_semaphore(%run_scoped3A : memref<!tpu.dma_semaphore, #tpu.memory_space<semaphore_mem>>)
      %dma_wait3A_217 = arith.constant 0 : i32
      %dma_wait3A_218 = tpu.memref_slice %arg22[%add3A_65, %dma_wait3A_217] : memref<10240x64xf32, #tpu.memory_space<vmem_shared>> -> memref<16x64xf32, #tpu.memory_space<vmem_shared>>
      %dma_wait3A_219 = arith.constant 0 : i32
      %dma_wait3A_220 = tpu.memref_slice %arg22[%add3A_65, %dma_wait3A_219] : memref<10240x64xf32, #tpu.memory_space<vmem_shared>> -> memref<16x64xf32, #tpu.memory_space<vmem_shared>>
      tpu.wait_dma2 semaphore(%run_scoped3A : memref<!tpu.dma_semaphore, #tpu.memory_space<semaphore_mem>>) src(%arg20 : memref<16x64xf32, #tpu.memory_space<vmem>>) dst(%dma_wait3A_220 : memref<16x64xf32, #tpu.memory_space<vmem_shared>>)
      tpu.yield
    }) : () -> ()
    %mul3A_66 = arith.constant 640 : i32
    %mul3A_67 = arith.muli %arg1, %mul3A_66 : i32
    %add3A_68 = arith.constant 208 : i32
    %add3A_69 = arith.addi %mul3A_67, %add3A_68 : i32
    "tpu.region"() ({
      %run_scoped3A = tpu.sem_alloc : memref<!tpu.dma_semaphore, #tpu.memory_space<semaphore_mem>>
      %dma_start3A_213 = arith.constant 0 : i32
      %dma_start3A_214 = tpu.memref_slice %arg22[%add3A_69, %dma_start3A_213] : memref<10240x64xf32, #tpu.memory_space<vmem_shared>> -> memref<16x64xf32, #tpu.memory_space<vmem_shared>>
      %dma_start3A_215 = arith.constant 0 : i32
      %dma_start3A_216 = tpu.memref_slice %arg22[%add3A_69, %dma_start3A_215] : memref<10240x64xf32, #tpu.memory_space<vmem_shared>> -> memref<16x64xf32, #tpu.memory_space<vmem_shared>>
      tpu.enqueue_dma source(%arg20 : memref<16x64xf32, #tpu.memory_space<vmem>>) target(%dma_start3A_216 : memref<16x64xf32, #tpu.memory_space<vmem_shared>>) target_semaphore(%run_scoped3A : memref<!tpu.dma_semaphore, #tpu.memory_space<semaphore_mem>>)
      %dma_wait3A_217 = arith.constant 0 : i32
      %dma_wait3A_218 = tpu.memref_slice %arg22[%add3A_69, %dma_wait3A_217] : memref<10240x64xf32, #tpu.memory_space<vmem_shared>> -> memref<16x64xf32, #tpu.memory_space<vmem_shared>>
      %dma_wait3A_219 = arith.constant 0 : i32
      %dma_wait3A_220 = tpu.memref_slice %arg22[%add3A_69, %dma_wait3A_219] : memref<10240x64xf32, #tpu.memory_space<vmem_shared>> -> memref<16x64xf32, #tpu.memory_space<vmem_shared>>
      tpu.wait_dma2 semaphore(%run_scoped3A : memref<!tpu.dma_semaphore, #tpu.memory_space<semaphore_mem>>) src(%arg20 : memref<16x64xf32, #tpu.memory_space<vmem>>) dst(%dma_wait3A_220 : memref<16x64xf32, #tpu.memory_space<vmem_shared>>)
      tpu.yield
    }) : () -> ()
    %mul3A_70 = arith.constant 640 : i32
    %mul3A_71 = arith.muli %arg1, %mul3A_70 : i32
    %add3A_72 = arith.constant 224 : i32
    %add3A_73 = arith.addi %mul3A_71, %add3A_72 : i32
    "tpu.region"() ({
      %run_scoped3A = tpu.sem_alloc : memref<!tpu.dma_semaphore, #tpu.memory_space<semaphore_mem>>
      %dma_start3A_213 = arith.constant 0 : i32
      %dma_start3A_214 = tpu.memref_slice %arg22[%add3A_73, %dma_start3A_213] : memref<10240x64xf32, #tpu.memory_space<vmem_shared>> -> memref<16x64xf32, #tpu.memory_space<vmem_shared>>
      %dma_start3A_215 = arith.constant 0 : i32
      %dma_start3A_216 = tpu.memref_slice %arg22[%add3A_73, %dma_start3A_215] : memref<10240x64xf32, #tpu.memory_space<vmem_shared>> -> memref<16x64xf32, #tpu.memory_space<vmem_shared>>
      tpu.enqueue_dma source(%arg20 : memref<16x64xf32, #tpu.memory_space<vmem>>) target(%dma_start3A_216 : memref<16x64xf32, #tpu.memory_space<vmem_shared>>) target_semaphore(%run_scoped3A : memref<!tpu.dma_semaphore, #tpu.memory_space<semaphore_mem>>)
      %dma_wait3A_217 = arith.constant 0 : i32
      %dma_wait3A_218 = tpu.memref_slice %arg22[%add3A_73, %dma_wait3A_217] : memref<10240x64xf32, #tpu.memory_space<vmem_shared>> -> memref<16x64xf32, #tpu.memory_space<vmem_shared>>
      %dma_wait3A_219 = arith.constant 0 : i32
      %dma_wait3A_220 = tpu.memref_slice %arg22[%add3A_73, %dma_wait3A_219] : memref<10240x64xf32, #tpu.memory_space<vmem_shared>> -> memref<16x64xf32, #tpu.memory_space<vmem_shared>>
      tpu.wait_dma2 semaphore(%run_scoped3A : memref<!tpu.dma_semaphore, #tpu.memory_space<semaphore_mem>>) src(%arg20 : memref<16x64xf32, #tpu.memory_space<vmem>>) dst(%dma_wait3A_220 : memref<16x64xf32, #tpu.memory_space<vmem_shared>>)
      tpu.yield
    }) : () -> ()
    %mul3A_74 = arith.constant 640 : i32
    %mul3A_75 = arith.muli %arg1, %mul3A_74 : i32
    %add3A_76 = arith.constant 240 : i32
    %add3A_77 = arith.addi %mul3A_75, %add3A_76 : i32
    "tpu.region"() ({
      %run_scoped3A = tpu.sem_alloc : memref<!tpu.dma_semaphore, #tpu.memory_space<semaphore_mem>>
      %dma_start3A_213 = arith.constant 0 : i32
      %dma_start3A_214 = tpu.memref_slice %arg22[%add3A_77, %dma_start3A_213] : memref<10240x64xf32, #tpu.memory_space<vmem_shared>> -> memref<16x64xf32, #tpu.memory_space<vmem_shared>>
      %dma_start3A_215 = arith.constant 0 : i32
      %dma_start3A_216 = tpu.memref_slice %arg22[%add3A_77, %dma_start3A_215] : memref<10240x64xf32, #tpu.memory_space<vmem_shared>> -> memref<16x64xf32, #tpu.memory_space<vmem_shared>>
      tpu.enqueue_dma source(%arg20 : memref<16x64xf32, #tpu.memory_space<vmem>>) target(%dma_start3A_216 : memref<16x64xf32, #tpu.memory_space<vmem_shared>>) target_semaphore(%run_scoped3A : memref<!tpu.dma_semaphore, #tpu.memory_space<semaphore_mem>>)
      %dma_wait3A_217 = arith.constant 0 : i32
      %dma_wait3A_218 = tpu.memref_slice %arg22[%add3A_77, %dma_wait3A_217] : memref<10240x64xf32, #tpu.memory_space<vmem_shared>> -> memref<16x64xf32, #tpu.memory_space<vmem_shared>>
      %dma_wait3A_219 = arith.constant 0 : i32
      %dma_wait3A_220 = tpu.memref_slice %arg22[%add3A_77, %dma_wait3A_219] : memref<10240x64xf32, #tpu.memory_space<vmem_shared>> -> memref<16x64xf32, #tpu.memory_space<vmem_shared>>
      tpu.wait_dma2 semaphore(%run_scoped3A : memref<!tpu.dma_semaphore, #tpu.memory_space<semaphore_mem>>) src(%arg20 : memref<16x64xf32, #tpu.memory_space<vmem>>) dst(%dma_wait3A_220 : memref<16x64xf32, #tpu.memory_space<vmem_shared>>)
      tpu.yield
    }) : () -> ()
    %mul3A_78 = arith.constant 640 : i32
    %mul3A_79 = arith.muli %arg1, %mul3A_78 : i32
    %add3A_80 = arith.constant 256 : i32
    %add3A_81 = arith.addi %mul3A_79, %add3A_80 : i32
    "tpu.region"() ({
      %run_scoped3A = tpu.sem_alloc : memref<!tpu.dma_semaphore, #tpu.memory_space<semaphore_mem>>
      %dma_start3A_213 = arith.constant 0 : i32
      %dma_start3A_214 = tpu.memref_slice %arg22[%add3A_81, %dma_start3A_213] : memref<10240x64xf32, #tpu.memory_space<vmem_shared>> -> memref<16x64xf32, #tpu.memory_space<vmem_shared>>
      %dma_start3A_215 = arith.constant 0 : i32
      %dma_start3A_216 = tpu.memref_slice %arg22[%add3A_81, %dma_start3A_215] : memref<10240x64xf32, #tpu.memory_space<vmem_shared>> -> memref<16x64xf32, #tpu.memory_space<vmem_shared>>
      tpu.enqueue_dma source(%arg20 : memref<16x64xf32, #tpu.memory_space<vmem>>) target(%dma_start3A_216 : memref<16x64xf32, #tpu.memory_space<vmem_shared>>) target_semaphore(%run_scoped3A : memref<!tpu.dma_semaphore, #tpu.memory_space<semaphore_mem>>)
      %dma_wait3A_217 = arith.constant 0 : i32
      %dma_wait3A_218 = tpu.memref_slice %arg22[%add3A_81, %dma_wait3A_217] : memref<10240x64xf32, #tpu.memory_space<vmem_shared>> -> memref<16x64xf32, #tpu.memory_space<vmem_shared>>
      %dma_wait3A_219 = arith.constant 0 : i32
      %dma_wait3A_220 = tpu.memref_slice %arg22[%add3A_81, %dma_wait3A_219] : memref<10240x64xf32, #tpu.memory_space<vmem_shared>> -> memref<16x64xf32, #tpu.memory_space<vmem_shared>>
      tpu.wait_dma2 semaphore(%run_scoped3A : memref<!tpu.dma_semaphore, #tpu.memory_space<semaphore_mem>>) src(%arg20 : memref<16x64xf32, #tpu.memory_space<vmem>>) dst(%dma_wait3A_220 : memref<16x64xf32, #tpu.memory_space<vmem_shared>>)
      tpu.yield
    }) : () -> ()
    %mul3A_82 = arith.constant 640 : i32
    %mul3A_83 = arith.muli %arg1, %mul3A_82 : i32
    %add3A_84 = arith.constant 272 : i32
    %add3A_85 = arith.addi %mul3A_83, %add3A_84 : i32
    "tpu.region"() ({
      %run_scoped3A = tpu.sem_alloc : memref<!tpu.dma_semaphore, #tpu.memory_space<semaphore_mem>>
      %dma_start3A_213 = arith.constant 0 : i32
      %dma_start3A_214 = tpu.memref_slice %arg22[%add3A_85, %dma_start3A_213] : memref<10240x64xf32, #tpu.memory_space<vmem_shared>> -> memref<16x64xf32, #tpu.memory_space<vmem_shared>>
      %dma_start3A_215 = arith.constant 0 : i32
      %dma_start3A_216 = tpu.memref_slice %arg22[%add3A_85, %dma_start3A_215] : memref<10240x64xf32, #tpu.memory_space<vmem_shared>> -> memref<16x64xf32, #tpu.memory_space<vmem_shared>>
      tpu.enqueue_dma source(%arg20 : memref<16x64xf32, #tpu.memory_space<vmem>>) target(%dma_start3A_216 : memref<16x64xf32, #tpu.memory_space<vmem_shared>>) target_semaphore(%run_scoped3A : memref<!tpu.dma_semaphore, #tpu.memory_space<semaphore_mem>>)
      %dma_wait3A_217 = arith.constant 0 : i32
      %dma_wait3A_218 = tpu.memref_slice %arg22[%add3A_85, %dma_wait3A_217] : memref<10240x64xf32, #tpu.memory_space<vmem_shared>> -> memref<16x64xf32, #tpu.memory_space<vmem_shared>>
      %dma_wait3A_219 = arith.constant 0 : i32
      %dma_wait3A_220 = tpu.memref_slice %arg22[%add3A_85, %dma_wait3A_219] : memref<10240x64xf32, #tpu.memory_space<vmem_shared>> -> memref<16x64xf32, #tpu.memory_space<vmem_shared>>
      tpu.wait_dma2 semaphore(%run_scoped3A : memref<!tpu.dma_semaphore, #tpu.memory_space<semaphore_mem>>) src(%arg20 : memref<16x64xf32, #tpu.memory_space<vmem>>) dst(%dma_wait3A_220 : memref<16x64xf32, #tpu.memory_space<vmem_shared>>)
      tpu.yield
    }) : () -> ()
    %mul3A_86 = arith.constant 640 : i32
    %mul3A_87 = arith.muli %arg1, %mul3A_86 : i32
    %add3A_88 = arith.constant 288 : i32
    %add3A_89 = arith.addi %mul3A_87, %add3A_88 : i32
    "tpu.region"() ({
      %run_scoped3A = tpu.sem_alloc : memref<!tpu.dma_semaphore, #tpu.memory_space<semaphore_mem>>
      %dma_start3A_213 = arith.constant 0 : i32
      %dma_start3A_214 = tpu.memref_slice %arg22[%add3A_89, %dma_start3A_213] : memref<10240x64xf32, #tpu.memory_space<vmem_shared>> -> memref<16x64xf32, #tpu.memory_space<vmem_shared>>
      %dma_start3A_215 = arith.constant 0 : i32
      %dma_start3A_216 = tpu.memref_slice %arg22[%add3A_89, %dma_start3A_215] : memref<10240x64xf32, #tpu.memory_space<vmem_shared>> -> memref<16x64xf32, #tpu.memory_space<vmem_shared>>
      tpu.enqueue_dma source(%arg20 : memref<16x64xf32, #tpu.memory_space<vmem>>) target(%dma_start3A_216 : memref<16x64xf32, #tpu.memory_space<vmem_shared>>) target_semaphore(%run_scoped3A : memref<!tpu.dma_semaphore, #tpu.memory_space<semaphore_mem>>)
      %dma_wait3A_217 = arith.constant 0 : i32
      %dma_wait3A_218 = tpu.memref_slice %arg22[%add3A_89, %dma_wait3A_217] : memref<10240x64xf32, #tpu.memory_space<vmem_shared>> -> memref<16x64xf32, #tpu.memory_space<vmem_shared>>
      %dma_wait3A_219 = arith.constant 0 : i32
      %dma_wait3A_220 = tpu.memref_slice %arg22[%add3A_89, %dma_wait3A_219] : memref<10240x64xf32, #tpu.memory_space<vmem_shared>> -> memref<16x64xf32, #tpu.memory_space<vmem_shared>>
      tpu.wait_dma2 semaphore(%run_scoped3A : memref<!tpu.dma_semaphore, #tpu.memory_space<semaphore_mem>>) src(%arg20 : memref<16x64xf32, #tpu.memory_space<vmem>>) dst(%dma_wait3A_220 : memref<16x64xf32, #tpu.memory_space<vmem_shared>>)
      tpu.yield
    }) : () -> ()
    %mul3A_90 = arith.constant 640 : i32
    %mul3A_91 = arith.muli %arg1, %mul3A_90 : i32
    %add3A_92 = arith.constant 304 : i32
    %add3A_93 = arith.addi %mul3A_91, %add3A_92 : i32
    "tpu.region"() ({
      %run_scoped3A = tpu.sem_alloc : memref<!tpu.dma_semaphore, #tpu.memory_space<semaphore_mem>>
      %dma_start3A_213 = arith.constant 0 : i32
      %dma_start3A_214 = tpu.memref_slice %arg22[%add3A_93, %dma_start3A_213] : memref<10240x64xf32, #tpu.memory_space<vmem_shared>> -> memref<16x64xf32, #tpu.memory_space<vmem_shared>>
      %dma_start3A_215 = arith.constant 0 : i32
      %dma_start3A_216 = tpu.memref_slice %arg22[%add3A_93, %dma_start3A_215] : memref<10240x64xf32, #tpu.memory_space<vmem_shared>> -> memref<16x64xf32, #tpu.memory_space<vmem_shared>>
      tpu.enqueue_dma source(%arg20 : memref<16x64xf32, #tpu.memory_space<vmem>>) target(%dma_start3A_216 : memref<16x64xf32, #tpu.memory_space<vmem_shared>>) target_semaphore(%run_scoped3A : memref<!tpu.dma_semaphore, #tpu.memory_space<semaphore_mem>>)
      %dma_wait3A_217 = arith.constant 0 : i32
      %dma_wait3A_218 = tpu.memref_slice %arg22[%add3A_93, %dma_wait3A_217] : memref<10240x64xf32, #tpu.memory_space<vmem_shared>> -> memref<16x64xf32, #tpu.memory_space<vmem_shared>>
      %dma_wait3A_219 = arith.constant 0 : i32
      %dma_wait3A_220 = tpu.memref_slice %arg22[%add3A_93, %dma_wait3A_219] : memref<10240x64xf32, #tpu.memory_space<vmem_shared>> -> memref<16x64xf32, #tpu.memory_space<vmem_shared>>
      tpu.wait_dma2 semaphore(%run_scoped3A : memref<!tpu.dma_semaphore, #tpu.memory_space<semaphore_mem>>) src(%arg20 : memref<16x64xf32, #tpu.memory_space<vmem>>) dst(%dma_wait3A_220 : memref<16x64xf32, #tpu.memory_space<vmem_shared>>)
      tpu.yield
    }) : () -> ()
    %mul3A_94 = arith.constant 640 : i32
    %mul3A_95 = arith.muli %arg1, %mul3A_94 : i32
    %add3A_96 = arith.constant 320 : i32
    %add3A_97 = arith.addi %mul3A_95, %add3A_96 : i32
    "tpu.region"() ({
      %run_scoped3A = tpu.sem_alloc : memref<!tpu.dma_semaphore, #tpu.memory_space<semaphore_mem>>
      %dma_start3A_213 = arith.constant 0 : i32
      %dma_start3A_214 = tpu.memref_slice %arg22[%add3A_97, %dma_start3A_213] : memref<10240x64xf32, #tpu.memory_space<vmem_shared>> -> memref<16x64xf32, #tpu.memory_space<vmem_shared>>
      %dma_start3A_215 = arith.constant 0 : i32
      %dma_start3A_216 = tpu.memref_slice %arg22[%add3A_97, %dma_start3A_215] : memref<10240x64xf32, #tpu.memory_space<vmem_shared>> -> memref<16x64xf32, #tpu.memory_space<vmem_shared>>
      tpu.enqueue_dma source(%arg20 : memref<16x64xf32, #tpu.memory_space<vmem>>) target(%dma_start3A_216 : memref<16x64xf32, #tpu.memory_space<vmem_shared>>) target_semaphore(%run_scoped3A : memref<!tpu.dma_semaphore, #tpu.memory_space<semaphore_mem>>)
      %dma_wait3A_217 = arith.constant 0 : i32
      %dma_wait3A_218 = tpu.memref_slice %arg22[%add3A_97, %dma_wait3A_217] : memref<10240x64xf32, #tpu.memory_space<vmem_shared>> -> memref<16x64xf32, #tpu.memory_space<vmem_shared>>
      %dma_wait3A_219 = arith.constant 0 : i32
      %dma_wait3A_220 = tpu.memref_slice %arg22[%add3A_97, %dma_wait3A_219] : memref<10240x64xf32, #tpu.memory_space<vmem_shared>> -> memref<16x64xf32, #tpu.memory_space<vmem_shared>>
      tpu.wait_dma2 semaphore(%run_scoped3A : memref<!tpu.dma_semaphore, #tpu.memory_space<semaphore_mem>>) src(%arg20 : memref<16x64xf32, #tpu.memory_space<vmem>>) dst(%dma_wait3A_220 : memref<16x64xf32, #tpu.memory_space<vmem_shared>>)
      tpu.yield
    }) : () -> ()
    %mul3A_98 = arith.constant 640 : i32
    %mul3A_99 = arith.muli %arg1, %mul3A_98 : i32
    %add3A_100 = arith.constant 336 : i32
    %add3A_101 = arith.addi %mul3A_99, %add3A_100 : i32
    "tpu.region"() ({
      %run_scoped3A = tpu.sem_alloc : memref<!tpu.dma_semaphore, #tpu.memory_space<semaphore_mem>>
      %dma_start3A_213 = arith.constant 0 : i32
      %dma_start3A_214 = tpu.memref_slice %arg22[%add3A_101, %dma_start3A_213] : memref<10240x64xf32, #tpu.memory_space<vmem_shared>> -> memref<16x64xf32, #tpu.memory_space<vmem_shared>>
      %dma_start3A_215 = arith.constant 0 : i32
      %dma_start3A_216 = tpu.memref_slice %arg22[%add3A_101, %dma_start3A_215] : memref<10240x64xf32, #tpu.memory_space<vmem_shared>> -> memref<16x64xf32, #tpu.memory_space<vmem_shared>>
      tpu.enqueue_dma source(%arg20 : memref<16x64xf32, #tpu.memory_space<vmem>>) target(%dma_start3A_216 : memref<16x64xf32, #tpu.memory_space<vmem_shared>>) target_semaphore(%run_scoped3A : memref<!tpu.dma_semaphore, #tpu.memory_space<semaphore_mem>>)
      %dma_wait3A_217 = arith.constant 0 : i32
      %dma_wait3A_218 = tpu.memref_slice %arg22[%add3A_101, %dma_wait3A_217] : memref<10240x64xf32, #tpu.memory_space<vmem_shared>> -> memref<16x64xf32, #tpu.memory_space<vmem_shared>>
      %dma_wait3A_219 = arith.constant 0 : i32
      %dma_wait3A_220 = tpu.memref_slice %arg22[%add3A_101, %dma_wait3A_219] : memref<10240x64xf32, #tpu.memory_space<vmem_shared>> -> memref<16x64xf32, #tpu.memory_space<vmem_shared>>
      tpu.wait_dma2 semaphore(%run_scoped3A : memref<!tpu.dma_semaphore, #tpu.memory_space<semaphore_mem>>) src(%arg20 : memref<16x64xf32, #tpu.memory_space<vmem>>) dst(%dma_wait3A_220 : memref<16x64xf32, #tpu.memory_space<vmem_shared>>)
      tpu.yield
    }) : () -> ()
    %mul3A_102 = arith.constant 640 : i32
    %mul3A_103 = arith.muli %arg1, %mul3A_102 : i32
    %add3A_104 = arith.constant 352 : i32
    %add3A_105 = arith.addi %mul3A_103, %add3A_104 : i32
    "tpu.region"() ({
      %run_scoped3A = tpu.sem_alloc : memref<!tpu.dma_semaphore, #tpu.memory_space<semaphore_mem>>
      %dma_start3A_213 = arith.constant 0 : i32
      %dma_start3A_214 = tpu.memref_slice %arg22[%add3A_105, %dma_start3A_213] : memref<10240x64xf32, #tpu.memory_space<vmem_shared>> -> memref<16x64xf32, #tpu.memory_space<vmem_shared>>
      %dma_start3A_215 = arith.constant 0 : i32
      %dma_start3A_216 = tpu.memref_slice %arg22[%add3A_105, %dma_start3A_215] : memref<10240x64xf32, #tpu.memory_space<vmem_shared>> -> memref<16x64xf32, #tpu.memory_space<vmem_shared>>
      tpu.enqueue_dma source(%arg20 : memref<16x64xf32, #tpu.memory_space<vmem>>) target(%dma_start3A_216 : memref<16x64xf32, #tpu.memory_space<vmem_shared>>) target_semaphore(%run_scoped3A : memref<!tpu.dma_semaphore, #tpu.memory_space<semaphore_mem>>)
      %dma_wait3A_217 = arith.constant 0 : i32
      %dma_wait3A_218 = tpu.memref_slice %arg22[%add3A_105, %dma_wait3A_217] : memref<10240x64xf32, #tpu.memory_space<vmem_shared>> -> memref<16x64xf32, #tpu.memory_space<vmem_shared>>
      %dma_wait3A_219 = arith.constant 0 : i32
      %dma_wait3A_220 = tpu.memref_slice %arg22[%add3A_105, %dma_wait3A_219] : memref<10240x64xf32, #tpu.memory_space<vmem_shared>> -> memref<16x64xf32, #tpu.memory_space<vmem_shared>>
      tpu.wait_dma2 semaphore(%run_scoped3A : memref<!tpu.dma_semaphore, #tpu.memory_space<semaphore_mem>>) src(%arg20 : memref<16x64xf32, #tpu.memory_space<vmem>>) dst(%dma_wait3A_220 : memref<16x64xf32, #tpu.memory_space<vmem_shared>>)
      tpu.yield
    }) : () -> ()
    %mul3A_106 = arith.constant 640 : i32
    %mul3A_107 = arith.muli %arg1, %mul3A_106 : i32
    %add3A_108 = arith.constant 368 : i32
    %add3A_109 = arith.addi %mul3A_107, %add3A_108 : i32
    "tpu.region"() ({
      %run_scoped3A = tpu.sem_alloc : memref<!tpu.dma_semaphore, #tpu.memory_space<semaphore_mem>>
      %dma_start3A_213 = arith.constant 0 : i32
      %dma_start3A_214 = tpu.memref_slice %arg22[%add3A_109, %dma_start3A_213] : memref<10240x64xf32, #tpu.memory_space<vmem_shared>> -> memref<16x64xf32, #tpu.memory_space<vmem_shared>>
      %dma_start3A_215 = arith.constant 0 : i32
      %dma_start3A_216 = tpu.memref_slice %arg22[%add3A_109, %dma_start3A_215] : memref<10240x64xf32, #tpu.memory_space<vmem_shared>> -> memref<16x64xf32, #tpu.memory_space<vmem_shared>>
      tpu.enqueue_dma source(%arg20 : memref<16x64xf32, #tpu.memory_space<vmem>>) target(%dma_start3A_216 : memref<16x64xf32, #tpu.memory_space<vmem_shared>>) target_semaphore(%run_scoped3A : memref<!tpu.dma_semaphore, #tpu.memory_space<semaphore_mem>>)
      %dma_wait3A_217 = arith.constant 0 : i32
      %dma_wait3A_218 = tpu.memref_slice %arg22[%add3A_109, %dma_wait3A_217] : memref<10240x64xf32, #tpu.memory_space<vmem_shared>> -> memref<16x64xf32, #tpu.memory_space<vmem_shared>>
      %dma_wait3A_219 = arith.constant 0 : i32
      %dma_wait3A_220 = tpu.memref_slice %arg22[%add3A_109, %dma_wait3A_219] : memref<10240x64xf32, #tpu.memory_space<vmem_shared>> -> memref<16x64xf32, #tpu.memory_space<vmem_shared>>
      tpu.wait_dma2 semaphore(%run_scoped3A : memref<!tpu.dma_semaphore, #tpu.memory_space<semaphore_mem>>) src(%arg20 : memref<16x64xf32, #tpu.memory_space<vmem>>) dst(%dma_wait3A_220 : memref<16x64xf32, #tpu.memory_space<vmem_shared>>)
      tpu.yield
    }) : () -> ()
    %mul3A_110 = arith.constant 640 : i32
    %mul3A_111 = arith.muli %arg1, %mul3A_110 : i32
    %add3A_112 = arith.constant 384 : i32
    %add3A_113 = arith.addi %mul3A_111, %add3A_112 : i32
    "tpu.region"() ({
      %run_scoped3A = tpu.sem_alloc : memref<!tpu.dma_semaphore, #tpu.memory_space<semaphore_mem>>
      %dma_start3A_213 = arith.constant 0 : i32
      %dma_start3A_214 = tpu.memref_slice %arg22[%add3A_113, %dma_start3A_213] : memref<10240x64xf32, #tpu.memory_space<vmem_shared>> -> memref<16x64xf32, #tpu.memory_space<vmem_shared>>
      %dma_start3A_215 = arith.constant 0 : i32
      %dma_start3A_216 = tpu.memref_slice %arg22[%add3A_113, %dma_start3A_215] : memref<10240x64xf32, #tpu.memory_space<vmem_shared>> -> memref<16x64xf32, #tpu.memory_space<vmem_shared>>
      tpu.enqueue_dma source(%arg20 : memref<16x64xf32, #tpu.memory_space<vmem>>) target(%dma_start3A_216 : memref<16x64xf32, #tpu.memory_space<vmem_shared>>) target_semaphore(%run_scoped3A : memref<!tpu.dma_semaphore, #tpu.memory_space<semaphore_mem>>)
      %dma_wait3A_217 = arith.constant 0 : i32
      %dma_wait3A_218 = tpu.memref_slice %arg22[%add3A_113, %dma_wait3A_217] : memref<10240x64xf32, #tpu.memory_space<vmem_shared>> -> memref<16x64xf32, #tpu.memory_space<vmem_shared>>
      %dma_wait3A_219 = arith.constant 0 : i32
      %dma_wait3A_220 = tpu.memref_slice %arg22[%add3A_113, %dma_wait3A_219] : memref<10240x64xf32, #tpu.memory_space<vmem_shared>> -> memref<16x64xf32, #tpu.memory_space<vmem_shared>>
      tpu.wait_dma2 semaphore(%run_scoped3A : memref<!tpu.dma_semaphore, #tpu.memory_space<semaphore_mem>>) src(%arg20 : memref<16x64xf32, #tpu.memory_space<vmem>>) dst(%dma_wait3A_220 : memref<16x64xf32, #tpu.memory_space<vmem_shared>>)
      tpu.yield
    }) : () -> ()
    %mul3A_114 = arith.constant 640 : i32
    %mul3A_115 = arith.muli %arg1, %mul3A_114 : i32
    %add3A_116 = arith.constant 400 : i32
    %add3A_117 = arith.addi %mul3A_115, %add3A_116 : i32
    "tpu.region"() ({
      %run_scoped3A = tpu.sem_alloc : memref<!tpu.dma_semaphore, #tpu.memory_space<semaphore_mem>>
      %dma_start3A_213 = arith.constant 0 : i32
      %dma_start3A_214 = tpu.memref_slice %arg22[%add3A_117, %dma_start3A_213] : memref<10240x64xf32, #tpu.memory_space<vmem_shared>> -> memref<16x64xf32, #tpu.memory_space<vmem_shared>>
      %dma_start3A_215 = arith.constant 0 : i32
      %dma_start3A_216 = tpu.memref_slice %arg22[%add3A_117, %dma_start3A_215] : memref<10240x64xf32, #tpu.memory_space<vmem_shared>> -> memref<16x64xf32, #tpu.memory_space<vmem_shared>>
      tpu.enqueue_dma source(%arg20 : memref<16x64xf32, #tpu.memory_space<vmem>>) target(%dma_start3A_216 : memref<16x64xf32, #tpu.memory_space<vmem_shared>>) target_semaphore(%run_scoped3A : memref<!tpu.dma_semaphore, #tpu.memory_space<semaphore_mem>>)
      %dma_wait3A_217 = arith.constant 0 : i32
      %dma_wait3A_218 = tpu.memref_slice %arg22[%add3A_117, %dma_wait3A_217] : memref<10240x64xf32, #tpu.memory_space<vmem_shared>> -> memref<16x64xf32, #tpu.memory_space<vmem_shared>>
      %dma_wait3A_219 = arith.constant 0 : i32
      %dma_wait3A_220 = tpu.memref_slice %arg22[%add3A_117, %dma_wait3A_219] : memref<10240x64xf32, #tpu.memory_space<vmem_shared>> -> memref<16x64xf32, #tpu.memory_space<vmem_shared>>
      tpu.wait_dma2 semaphore(%run_scoped3A : memref<!tpu.dma_semaphore, #tpu.memory_space<semaphore_mem>>) src(%arg20 : memref<16x64xf32, #tpu.memory_space<vmem>>) dst(%dma_wait3A_220 : memref<16x64xf32, #tpu.memory_space<vmem_shared>>)
      tpu.yield
    }) : () -> ()
    %mul3A_118 = arith.constant 640 : i32
    %mul3A_119 = arith.muli %arg1, %mul3A_118 : i32
    %add3A_120 = arith.constant 416 : i32
    %add3A_121 = arith.addi %mul3A_119, %add3A_120 : i32
    "tpu.region"() ({
      %run_scoped3A = tpu.sem_alloc : memref<!tpu.dma_semaphore, #tpu.memory_space<semaphore_mem>>
      %dma_start3A_213 = arith.constant 0 : i32
      %dma_start3A_214 = tpu.memref_slice %arg22[%add3A_121, %dma_start3A_213] : memref<10240x64xf32, #tpu.memory_space<vmem_shared>> -> memref<16x64xf32, #tpu.memory_space<vmem_shared>>
      %dma_start3A_215 = arith.constant 0 : i32
      %dma_start3A_216 = tpu.memref_slice %arg22[%add3A_121, %dma_start3A_215] : memref<10240x64xf32, #tpu.memory_space<vmem_shared>> -> memref<16x64xf32, #tpu.memory_space<vmem_shared>>
      tpu.enqueue_dma source(%arg20 : memref<16x64xf32, #tpu.memory_space<vmem>>) target(%dma_start3A_216 : memref<16x64xf32, #tpu.memory_space<vmem_shared>>) target_semaphore(%run_scoped3A : memref<!tpu.dma_semaphore, #tpu.memory_space<semaphore_mem>>)
      %dma_wait3A_217 = arith.constant 0 : i32
      %dma_wait3A_218 = tpu.memref_slice %arg22[%add3A_121, %dma_wait3A_217] : memref<10240x64xf32, #tpu.memory_space<vmem_shared>> -> memref<16x64xf32, #tpu.memory_space<vmem_shared>>
      %dma_wait3A_219 = arith.constant 0 : i32
      %dma_wait3A_220 = tpu.memref_slice %arg22[%add3A_121, %dma_wait3A_219] : memref<10240x64xf32, #tpu.memory_space<vmem_shared>> -> memref<16x64xf32, #tpu.memory_space<vmem_shared>>
      tpu.wait_dma2 semaphore(%run_scoped3A : memref<!tpu.dma_semaphore, #tpu.memory_space<semaphore_mem>>) src(%arg20 : memref<16x64xf32, #tpu.memory_space<vmem>>) dst(%dma_wait3A_220 : memref<16x64xf32, #tpu.memory_space<vmem_shared>>)
      tpu.yield
    }) : () -> ()
    %mul3A_122 = arith.constant 640 : i32
    %mul3A_123 = arith.muli %arg1, %mul3A_122 : i32
    %add3A_124 = arith.constant 432 : i32
    %add3A_125 = arith.addi %mul3A_123, %add3A_124 : i32
    "tpu.region"() ({
      %run_scoped3A = tpu.sem_alloc : memref<!tpu.dma_semaphore, #tpu.memory_space<semaphore_mem>>
      %dma_start3A_213 = arith.constant 0 : i32
      %dma_start3A_214 = tpu.memref_slice %arg22[%add3A_125, %dma_start3A_213] : memref<10240x64xf32, #tpu.memory_space<vmem_shared>> -> memref<16x64xf32, #tpu.memory_space<vmem_shared>>
      %dma_start3A_215 = arith.constant 0 : i32
      %dma_start3A_216 = tpu.memref_slice %arg22[%add3A_125, %dma_start3A_215] : memref<10240x64xf32, #tpu.memory_space<vmem_shared>> -> memref<16x64xf32, #tpu.memory_space<vmem_shared>>
      tpu.enqueue_dma source(%arg20 : memref<16x64xf32, #tpu.memory_space<vmem>>) target(%dma_start3A_216 : memref<16x64xf32, #tpu.memory_space<vmem_shared>>) target_semaphore(%run_scoped3A : memref<!tpu.dma_semaphore, #tpu.memory_space<semaphore_mem>>)
      %dma_wait3A_217 = arith.constant 0 : i32
      %dma_wait3A_218 = tpu.memref_slice %arg22[%add3A_125, %dma_wait3A_217] : memref<10240x64xf32, #tpu.memory_space<vmem_shared>> -> memref<16x64xf32, #tpu.memory_space<vmem_shared>>
      %dma_wait3A_219 = arith.constant 0 : i32
      %dma_wait3A_220 = tpu.memref_slice %arg22[%add3A_125, %dma_wait3A_219] : memref<10240x64xf32, #tpu.memory_space<vmem_shared>> -> memref<16x64xf32, #tpu.memory_space<vmem_shared>>
      tpu.wait_dma2 semaphore(%run_scoped3A : memref<!tpu.dma_semaphore, #tpu.memory_space<semaphore_mem>>) src(%arg20 : memref<16x64xf32, #tpu.memory_space<vmem>>) dst(%dma_wait3A_220 : memref<16x64xf32, #tpu.memory_space<vmem_shared>>)
      tpu.yield
    }) : () -> ()
    %mul3A_126 = arith.constant 640 : i32
    %mul3A_127 = arith.muli %arg1, %mul3A_126 : i32
    %add3A_128 = arith.constant 448 : i32
    %add3A_129 = arith.addi %mul3A_127, %add3A_128 : i32
    "tpu.region"() ({
      %run_scoped3A = tpu.sem_alloc : memref<!tpu.dma_semaphore, #tpu.memory_space<semaphore_mem>>
      %dma_start3A_213 = arith.constant 0 : i32
      %dma_start3A_214 = tpu.memref_slice %arg22[%add3A_129, %dma_start3A_213] : memref<10240x64xf32, #tpu.memory_space<vmem_shared>> -> memref<16x64xf32, #tpu.memory_space<vmem_shared>>
      %dma_start3A_215 = arith.constant 0 : i32
      %dma_start3A_216 = tpu.memref_slice %arg22[%add3A_129, %dma_start3A_215] : memref<10240x64xf32, #tpu.memory_space<vmem_shared>> -> memref<16x64xf32, #tpu.memory_space<vmem_shared>>
      tpu.enqueue_dma source(%arg20 : memref<16x64xf32, #tpu.memory_space<vmem>>) target(%dma_start3A_216 : memref<16x64xf32, #tpu.memory_space<vmem_shared>>) target_semaphore(%run_scoped3A : memref<!tpu.dma_semaphore, #tpu.memory_space<semaphore_mem>>)
      %dma_wait3A_217 = arith.constant 0 : i32
      %dma_wait3A_218 = tpu.memref_slice %arg22[%add3A_129, %dma_wait3A_217] : memref<10240x64xf32, #tpu.memory_space<vmem_shared>> -> memref<16x64xf32, #tpu.memory_space<vmem_shared>>
      %dma_wait3A_219 = arith.constant 0 : i32
      %dma_wait3A_220 = tpu.memref_slice %arg22[%add3A_129, %dma_wait3A_219] : memref<10240x64xf32, #tpu.memory_space<vmem_shared>> -> memref<16x64xf32, #tpu.memory_space<vmem_shared>>
      tpu.wait_dma2 semaphore(%run_scoped3A : memref<!tpu.dma_semaphore, #tpu.memory_space<semaphore_mem>>) src(%arg20 : memref<16x64xf32, #tpu.memory_space<vmem>>) dst(%dma_wait3A_220 : memref<16x64xf32, #tpu.memory_space<vmem_shared>>)
      tpu.yield
    }) : () -> ()
    %mul3A_130 = arith.constant 640 : i32
    %mul3A_131 = arith.muli %arg1, %mul3A_130 : i32
    %add3A_132 = arith.constant 464 : i32
    %add3A_133 = arith.addi %mul3A_131, %add3A_132 : i32
    "tpu.region"() ({
      %run_scoped3A = tpu.sem_alloc : memref<!tpu.dma_semaphore, #tpu.memory_space<semaphore_mem>>
      %dma_start3A_213 = arith.constant 0 : i32
      %dma_start3A_214 = tpu.memref_slice %arg22[%add3A_133, %dma_start3A_213] : memref<10240x64xf32, #tpu.memory_space<vmem_shared>> -> memref<16x64xf32, #tpu.memory_space<vmem_shared>>
      %dma_start3A_215 = arith.constant 0 : i32
      %dma_start3A_216 = tpu.memref_slice %arg22[%add3A_133, %dma_start3A_215] : memref<10240x64xf32, #tpu.memory_space<vmem_shared>> -> memref<16x64xf32, #tpu.memory_space<vmem_shared>>
      tpu.enqueue_dma source(%arg20 : memref<16x64xf32, #tpu.memory_space<vmem>>) target(%dma_start3A_216 : memref<16x64xf32, #tpu.memory_space<vmem_shared>>) target_semaphore(%run_scoped3A : memref<!tpu.dma_semaphore, #tpu.memory_space<semaphore_mem>>)
      %dma_wait3A_217 = arith.constant 0 : i32
      %dma_wait3A_218 = tpu.memref_slice %arg22[%add3A_133, %dma_wait3A_217] : memref<10240x64xf32, #tpu.memory_space<vmem_shared>> -> memref<16x64xf32, #tpu.memory_space<vmem_shared>>
      %dma_wait3A_219 = arith.constant 0 : i32
      %dma_wait3A_220 = tpu.memref_slice %arg22[%add3A_133, %dma_wait3A_219] : memref<10240x64xf32, #tpu.memory_space<vmem_shared>> -> memref<16x64xf32, #tpu.memory_space<vmem_shared>>
      tpu.wait_dma2 semaphore(%run_scoped3A : memref<!tpu.dma_semaphore, #tpu.memory_space<semaphore_mem>>) src(%arg20 : memref<16x64xf32, #tpu.memory_space<vmem>>) dst(%dma_wait3A_220 : memref<16x64xf32, #tpu.memory_space<vmem_shared>>)
      tpu.yield
    }) : () -> ()
    %mul3A_134 = arith.constant 640 : i32
    %mul3A_135 = arith.muli %arg1, %mul3A_134 : i32
    %add3A_136 = arith.constant 480 : i32
    %add3A_137 = arith.addi %mul3A_135, %add3A_136 : i32
    "tpu.region"() ({
      %run_scoped3A = tpu.sem_alloc : memref<!tpu.dma_semaphore, #tpu.memory_space<semaphore_mem>>
      %dma_start3A_213 = arith.constant 0 : i32
      %dma_start3A_214 = tpu.memref_slice %arg22[%add3A_137, %dma_start3A_213] : memref<10240x64xf32, #tpu.memory_space<vmem_shared>> -> memref<16x64xf32, #tpu.memory_space<vmem_shared>>
      %dma_start3A_215 = arith.constant 0 : i32
      %dma_start3A_216 = tpu.memref_slice %arg22[%add3A_137, %dma_start3A_215] : memref<10240x64xf32, #tpu.memory_space<vmem_shared>> -> memref<16x64xf32, #tpu.memory_space<vmem_shared>>
      tpu.enqueue_dma source(%arg20 : memref<16x64xf32, #tpu.memory_space<vmem>>) target(%dma_start3A_216 : memref<16x64xf32, #tpu.memory_space<vmem_shared>>) target_semaphore(%run_scoped3A : memref<!tpu.dma_semaphore, #tpu.memory_space<semaphore_mem>>)
      %dma_wait3A_217 = arith.constant 0 : i32
      %dma_wait3A_218 = tpu.memref_slice %arg22[%add3A_137, %dma_wait3A_217] : memref<10240x64xf32, #tpu.memory_space<vmem_shared>> -> memref<16x64xf32, #tpu.memory_space<vmem_shared>>
      %dma_wait3A_219 = arith.constant 0 : i32
      %dma_wait3A_220 = tpu.memref_slice %arg22[%add3A_137, %dma_wait3A_219] : memref<10240x64xf32, #tpu.memory_space<vmem_shared>> -> memref<16x64xf32, #tpu.memory_space<vmem_shared>>
      tpu.wait_dma2 semaphore(%run_scoped3A : memref<!tpu.dma_semaphore, #tpu.memory_space<semaphore_mem>>) src(%arg20 : memref<16x64xf32, #tpu.memory_space<vmem>>) dst(%dma_wait3A_220 : memref<16x64xf32, #tpu.memory_space<vmem_shared>>)
      tpu.yield
    }) : () -> ()
    %mul3A_138 = arith.constant 640 : i32
    %mul3A_139 = arith.muli %arg1, %mul3A_138 : i32
    %add3A_140 = arith.constant 496 : i32
    %add3A_141 = arith.addi %mul3A_139, %add3A_140 : i32
    "tpu.region"() ({
      %run_scoped3A = tpu.sem_alloc : memref<!tpu.dma_semaphore, #tpu.memory_space<semaphore_mem>>
      %dma_start3A_213 = arith.constant 0 : i32
      %dma_start3A_214 = tpu.memref_slice %arg22[%add3A_141, %dma_start3A_213] : memref<10240x64xf32, #tpu.memory_space<vmem_shared>> -> memref<16x64xf32, #tpu.memory_space<vmem_shared>>
      %dma_start3A_215 = arith.constant 0 : i32
      %dma_start3A_216 = tpu.memref_slice %arg22[%add3A_141, %dma_start3A_215] : memref<10240x64xf32, #tpu.memory_space<vmem_shared>> -> memref<16x64xf32, #tpu.memory_space<vmem_shared>>
      tpu.enqueue_dma source(%arg20 : memref<16x64xf32, #tpu.memory_space<vmem>>) target(%dma_start3A_216 : memref<16x64xf32, #tpu.memory_space<vmem_shared>>) target_semaphore(%run_scoped3A : memref<!tpu.dma_semaphore, #tpu.memory_space<semaphore_mem>>)
      %dma_wait3A_217 = arith.constant 0 : i32
      %dma_wait3A_218 = tpu.memref_slice %arg22[%add3A_141, %dma_wait3A_217] : memref<10240x64xf32, #tpu.memory_space<vmem_shared>> -> memref<16x64xf32, #tpu.memory_space<vmem_shared>>
      %dma_wait3A_219 = arith.constant 0 : i32
      %dma_wait3A_220 = tpu.memref_slice %arg22[%add3A_141, %dma_wait3A_219] : memref<10240x64xf32, #tpu.memory_space<vmem_shared>> -> memref<16x64xf32, #tpu.memory_space<vmem_shared>>
      tpu.wait_dma2 semaphore(%run_scoped3A : memref<!tpu.dma_semaphore, #tpu.memory_space<semaphore_mem>>) src(%arg20 : memref<16x64xf32, #tpu.memory_space<vmem>>) dst(%dma_wait3A_220 : memref<16x64xf32, #tpu.memory_space<vmem_shared>>)
      tpu.yield
    }) : () -> ()
    %mul3A_142 = arith.constant 640 : i32
    %mul3A_143 = arith.muli %arg1, %mul3A_142 : i32
    %add3A_144 = arith.constant 512 : i32
    %add3A_145 = arith.addi %mul3A_143, %add3A_144 : i32
    "tpu.region"() ({
      %run_scoped3A = tpu.sem_alloc : memref<!tpu.dma_semaphore, #tpu.memory_space<semaphore_mem>>
      %dma_start3A_213 = arith.constant 0 : i32
      %dma_start3A_214 = tpu.memref_slice %arg22[%add3A_145, %dma_start3A_213] : memref<10240x64xf32, #tpu.memory_space<vmem_shared>> -> memref<16x64xf32, #tpu.memory_space<vmem_shared>>
      %dma_start3A_215 = arith.constant 0 : i32
      %dma_start3A_216 = tpu.memref_slice %arg22[%add3A_145, %dma_start3A_215] : memref<10240x64xf32, #tpu.memory_space<vmem_shared>> -> memref<16x64xf32, #tpu.memory_space<vmem_shared>>
      tpu.enqueue_dma source(%arg20 : memref<16x64xf32, #tpu.memory_space<vmem>>) target(%dma_start3A_216 : memref<16x64xf32, #tpu.memory_space<vmem_shared>>) target_semaphore(%run_scoped3A : memref<!tpu.dma_semaphore, #tpu.memory_space<semaphore_mem>>)
      %dma_wait3A_217 = arith.constant 0 : i32
      %dma_wait3A_218 = tpu.memref_slice %arg22[%add3A_145, %dma_wait3A_217] : memref<10240x64xf32, #tpu.memory_space<vmem_shared>> -> memref<16x64xf32, #tpu.memory_space<vmem_shared>>
      %dma_wait3A_219 = arith.constant 0 : i32
      %dma_wait3A_220 = tpu.memref_slice %arg22[%add3A_145, %dma_wait3A_219] : memref<10240x64xf32, #tpu.memory_space<vmem_shared>> -> memref<16x64xf32, #tpu.memory_space<vmem_shared>>
      tpu.wait_dma2 semaphore(%run_scoped3A : memref<!tpu.dma_semaphore, #tpu.memory_space<semaphore_mem>>) src(%arg20 : memref<16x64xf32, #tpu.memory_space<vmem>>) dst(%dma_wait3A_220 : memref<16x64xf32, #tpu.memory_space<vmem_shared>>)
      tpu.yield
    }) : () -> ()
    %mul3A_146 = arith.constant 640 : i32
    %mul3A_147 = arith.muli %arg1, %mul3A_146 : i32
    %add3A_148 = arith.constant 528 : i32
    %add3A_149 = arith.addi %mul3A_147, %add3A_148 : i32
    "tpu.region"() ({
      %run_scoped3A = tpu.sem_alloc : memref<!tpu.dma_semaphore, #tpu.memory_space<semaphore_mem>>
      %dma_start3A_213 = arith.constant 0 : i32
      %dma_start3A_214 = tpu.memref_slice %arg22[%add3A_149, %dma_start3A_213] : memref<10240x64xf32, #tpu.memory_space<vmem_shared>> -> memref<16x64xf32, #tpu.memory_space<vmem_shared>>
      %dma_start3A_215 = arith.constant 0 : i32
      %dma_start3A_216 = tpu.memref_slice %arg22[%add3A_149, %dma_start3A_215] : memref<10240x64xf32, #tpu.memory_space<vmem_shared>> -> memref<16x64xf32, #tpu.memory_space<vmem_shared>>
      tpu.enqueue_dma source(%arg20 : memref<16x64xf32, #tpu.memory_space<vmem>>) target(%dma_start3A_216 : memref<16x64xf32, #tpu.memory_space<vmem_shared>>) target_semaphore(%run_scoped3A : memref<!tpu.dma_semaphore, #tpu.memory_space<semaphore_mem>>)
      %dma_wait3A_217 = arith.constant 0 : i32
      %dma_wait3A_218 = tpu.memref_slice %arg22[%add3A_149, %dma_wait3A_217] : memref<10240x64xf32, #tpu.memory_space<vmem_shared>> -> memref<16x64xf32, #tpu.memory_space<vmem_shared>>
      %dma_wait3A_219 = arith.constant 0 : i32
      %dma_wait3A_220 = tpu.memref_slice %arg22[%add3A_149, %dma_wait3A_219] : memref<10240x64xf32, #tpu.memory_space<vmem_shared>> -> memref<16x64xf32, #tpu.memory_space<vmem_shared>>
      tpu.wait_dma2 semaphore(%run_scoped3A : memref<!tpu.dma_semaphore, #tpu.memory_space<semaphore_mem>>) src(%arg20 : memref<16x64xf32, #tpu.memory_space<vmem>>) dst(%dma_wait3A_220 : memref<16x64xf32, #tpu.memory_space<vmem_shared>>)
      tpu.yield
    }) : () -> ()
    %mul3A_150 = arith.constant 640 : i32
    %mul3A_151 = arith.muli %arg1, %mul3A_150 : i32
    %add3A_152 = arith.constant 544 : i32
    %add3A_153 = arith.addi %mul3A_151, %add3A_152 : i32
    "tpu.region"() ({
      %run_scoped3A = tpu.sem_alloc : memref<!tpu.dma_semaphore, #tpu.memory_space<semaphore_mem>>
      %dma_start3A_213 = arith.constant 0 : i32
      %dma_start3A_214 = tpu.memref_slice %arg22[%add3A_153, %dma_start3A_213] : memref<10240x64xf32, #tpu.memory_space<vmem_shared>> -> memref<16x64xf32, #tpu.memory_space<vmem_shared>>
      %dma_start3A_215 = arith.constant 0 : i32
      %dma_start3A_216 = tpu.memref_slice %arg22[%add3A_153, %dma_start3A_215] : memref<10240x64xf32, #tpu.memory_space<vmem_shared>> -> memref<16x64xf32, #tpu.memory_space<vmem_shared>>
      tpu.enqueue_dma source(%arg20 : memref<16x64xf32, #tpu.memory_space<vmem>>) target(%dma_start3A_216 : memref<16x64xf32, #tpu.memory_space<vmem_shared>>) target_semaphore(%run_scoped3A : memref<!tpu.dma_semaphore, #tpu.memory_space<semaphore_mem>>)
      %dma_wait3A_217 = arith.constant 0 : i32
      %dma_wait3A_218 = tpu.memref_slice %arg22[%add3A_153, %dma_wait3A_217] : memref<10240x64xf32, #tpu.memory_space<vmem_shared>> -> memref<16x64xf32, #tpu.memory_space<vmem_shared>>
      %dma_wait3A_219 = arith.constant 0 : i32
      %dma_wait3A_220 = tpu.memref_slice %arg22[%add3A_153, %dma_wait3A_219] : memref<10240x64xf32, #tpu.memory_space<vmem_shared>> -> memref<16x64xf32, #tpu.memory_space<vmem_shared>>
      tpu.wait_dma2 semaphore(%run_scoped3A : memref<!tpu.dma_semaphore, #tpu.memory_space<semaphore_mem>>) src(%arg20 : memref<16x64xf32, #tpu.memory_space<vmem>>) dst(%dma_wait3A_220 : memref<16x64xf32, #tpu.memory_space<vmem_shared>>)
      tpu.yield
    }) : () -> ()
    %mul3A_154 = arith.constant 640 : i32
    %mul3A_155 = arith.muli %arg1, %mul3A_154 : i32
    %add3A_156 = arith.constant 560 : i32
    %add3A_157 = arith.addi %mul3A_155, %add3A_156 : i32
    "tpu.region"() ({
      %run_scoped3A = tpu.sem_alloc : memref<!tpu.dma_semaphore, #tpu.memory_space<semaphore_mem>>
      %dma_start3A_213 = arith.constant 0 : i32
      %dma_start3A_214 = tpu.memref_slice %arg22[%add3A_157, %dma_start3A_213] : memref<10240x64xf32, #tpu.memory_space<vmem_shared>> -> memref<16x64xf32, #tpu.memory_space<vmem_shared>>
      %dma_start3A_215 = arith.constant 0 : i32
      %dma_start3A_216 = tpu.memref_slice %arg22[%add3A_157, %dma_start3A_215] : memref<10240x64xf32, #tpu.memory_space<vmem_shared>> -> memref<16x64xf32, #tpu.memory_space<vmem_shared>>
      tpu.enqueue_dma source(%arg20 : memref<16x64xf32, #tpu.memory_space<vmem>>) target(%dma_start3A_216 : memref<16x64xf32, #tpu.memory_space<vmem_shared>>) target_semaphore(%run_scoped3A : memref<!tpu.dma_semaphore, #tpu.memory_space<semaphore_mem>>)
      %dma_wait3A_217 = arith.constant 0 : i32
      %dma_wait3A_218 = tpu.memref_slice %arg22[%add3A_157, %dma_wait3A_217] : memref<10240x64xf32, #tpu.memory_space<vmem_shared>> -> memref<16x64xf32, #tpu.memory_space<vmem_shared>>
      %dma_wait3A_219 = arith.constant 0 : i32
      %dma_wait3A_220 = tpu.memref_slice %arg22[%add3A_157, %dma_wait3A_219] : memref<10240x64xf32, #tpu.memory_space<vmem_shared>> -> memref<16x64xf32, #tpu.memory_space<vmem_shared>>
      tpu.wait_dma2 semaphore(%run_scoped3A : memref<!tpu.dma_semaphore, #tpu.memory_space<semaphore_mem>>) src(%arg20 : memref<16x64xf32, #tpu.memory_space<vmem>>) dst(%dma_wait3A_220 : memref<16x64xf32, #tpu.memory_space<vmem_shared>>)
      tpu.yield
    }) : () -> ()
    %mul3A_158 = arith.constant 640 : i32
    %mul3A_159 = arith.muli %arg1, %mul3A_158 : i32
    %add3A_160 = arith.constant 576 : i32
    %add3A_161 = arith.addi %mul3A_159, %add3A_160 : i32
    "tpu.region"() ({
      %run_scoped3A = tpu.sem_alloc : memref<!tpu.dma_semaphore, #tpu.memory_space<semaphore_mem>>
      %dma_start3A_213 = arith.constant 0 : i32
      %dma_start3A_214 = tpu.memref_slice %arg22[%add3A_161, %dma_start3A_213] : memref<10240x64xf32, #tpu.memory_space<vmem_shared>> -> memref<16x64xf32, #tpu.memory_space<vmem_shared>>
      %dma_start3A_215 = arith.constant 0 : i32
      %dma_start3A_216 = tpu.memref_slice %arg22[%add3A_161, %dma_start3A_215] : memref<10240x64xf32, #tpu.memory_space<vmem_shared>> -> memref<16x64xf32, #tpu.memory_space<vmem_shared>>
      tpu.enqueue_dma source(%arg20 : memref<16x64xf32, #tpu.memory_space<vmem>>) target(%dma_start3A_216 : memref<16x64xf32, #tpu.memory_space<vmem_shared>>) target_semaphore(%run_scoped3A : memref<!tpu.dma_semaphore, #tpu.memory_space<semaphore_mem>>)
      %dma_wait3A_217 = arith.constant 0 : i32
      %dma_wait3A_218 = tpu.memref_slice %arg22[%add3A_161, %dma_wait3A_217] : memref<10240x64xf32, #tpu.memory_space<vmem_shared>> -> memref<16x64xf32, #tpu.memory_space<vmem_shared>>
      %dma_wait3A_219 = arith.constant 0 : i32
      %dma_wait3A_220 = tpu.memref_slice %arg22[%add3A_161, %dma_wait3A_219] : memref<10240x64xf32, #tpu.memory_space<vmem_shared>> -> memref<16x64xf32, #tpu.memory_space<vmem_shared>>
      tpu.wait_dma2 semaphore(%run_scoped3A : memref<!tpu.dma_semaphore, #tpu.memory_space<semaphore_mem>>) src(%arg20 : memref<16x64xf32, #tpu.memory_space<vmem>>) dst(%dma_wait3A_220 : memref<16x64xf32, #tpu.memory_space<vmem_shared>>)
      tpu.yield
    }) : () -> ()
    %mul3A_162 = arith.constant 640 : i32
    %mul3A_163 = arith.muli %arg1, %mul3A_162 : i32
    %add3A_164 = arith.constant 592 : i32
    %add3A_165 = arith.addi %mul3A_163, %add3A_164 : i32
    "tpu.region"() ({
      %run_scoped3A = tpu.sem_alloc : memref<!tpu.dma_semaphore, #tpu.memory_space<semaphore_mem>>
      %dma_start3A_213 = arith.constant 0 : i32
      %dma_start3A_214 = tpu.memref_slice %arg22[%add3A_165, %dma_start3A_213] : memref<10240x64xf32, #tpu.memory_space<vmem_shared>> -> memref<16x64xf32, #tpu.memory_space<vmem_shared>>
      %dma_start3A_215 = arith.constant 0 : i32
      %dma_start3A_216 = tpu.memref_slice %arg22[%add3A_165, %dma_start3A_215] : memref<10240x64xf32, #tpu.memory_space<vmem_shared>> -> memref<16x64xf32, #tpu.memory_space<vmem_shared>>
      tpu.enqueue_dma source(%arg20 : memref<16x64xf32, #tpu.memory_space<vmem>>) target(%dma_start3A_216 : memref<16x64xf32, #tpu.memory_space<vmem_shared>>) target_semaphore(%run_scoped3A : memref<!tpu.dma_semaphore, #tpu.memory_space<semaphore_mem>>)
      %dma_wait3A_217 = arith.constant 0 : i32
      %dma_wait3A_218 = tpu.memref_slice %arg22[%add3A_165, %dma_wait3A_217] : memref<10240x64xf32, #tpu.memory_space<vmem_shared>> -> memref<16x64xf32, #tpu.memory_space<vmem_shared>>
      %dma_wait3A_219 = arith.constant 0 : i32
      %dma_wait3A_220 = tpu.memref_slice %arg22[%add3A_165, %dma_wait3A_219] : memref<10240x64xf32, #tpu.memory_space<vmem_shared>> -> memref<16x64xf32, #tpu.memory_space<vmem_shared>>
      tpu.wait_dma2 semaphore(%run_scoped3A : memref<!tpu.dma_semaphore, #tpu.memory_space<semaphore_mem>>) src(%arg20 : memref<16x64xf32, #tpu.memory_space<vmem>>) dst(%dma_wait3A_220 : memref<16x64xf32, #tpu.memory_space<vmem_shared>>)
      tpu.yield
    }) : () -> ()
    %mul3A_166 = arith.constant 640 : i32
    %mul3A_167 = arith.muli %arg1, %mul3A_166 : i32
    %add3A_168 = arith.constant 608 : i32
    %add3A_169 = arith.addi %mul3A_167, %add3A_168 : i32
    "tpu.region"() ({
      %run_scoped3A = tpu.sem_alloc : memref<!tpu.dma_semaphore, #tpu.memory_space<semaphore_mem>>
      %dma_start3A_213 = arith.constant 0 : i32
      %dma_start3A_214 = tpu.memref_slice %arg22[%add3A_169, %dma_start3A_213] : memref<10240x64xf32, #tpu.memory_space<vmem_shared>> -> memref<16x64xf32, #tpu.memory_space<vmem_shared>>
      %dma_start3A_215 = arith.constant 0 : i32
      %dma_start3A_216 = tpu.memref_slice %arg22[%add3A_169, %dma_start3A_215] : memref<10240x64xf32, #tpu.memory_space<vmem_shared>> -> memref<16x64xf32, #tpu.memory_space<vmem_shared>>
      tpu.enqueue_dma source(%arg20 : memref<16x64xf32, #tpu.memory_space<vmem>>) target(%dma_start3A_216 : memref<16x64xf32, #tpu.memory_space<vmem_shared>>) target_semaphore(%run_scoped3A : memref<!tpu.dma_semaphore, #tpu.memory_space<semaphore_mem>>)
      %dma_wait3A_217 = arith.constant 0 : i32
      %dma_wait3A_218 = tpu.memref_slice %arg22[%add3A_169, %dma_wait3A_217] : memref<10240x64xf32, #tpu.memory_space<vmem_shared>> -> memref<16x64xf32, #tpu.memory_space<vmem_shared>>
      %dma_wait3A_219 = arith.constant 0 : i32
      %dma_wait3A_220 = tpu.memref_slice %arg22[%add3A_169, %dma_wait3A_219] : memref<10240x64xf32, #tpu.memory_space<vmem_shared>> -> memref<16x64xf32, #tpu.memory_space<vmem_shared>>
      tpu.wait_dma2 semaphore(%run_scoped3A : memref<!tpu.dma_semaphore, #tpu.memory_space<semaphore_mem>>) src(%arg20 : memref<16x64xf32, #tpu.memory_space<vmem>>) dst(%dma_wait3A_220 : memref<16x64xf32, #tpu.memory_space<vmem_shared>>)
      tpu.yield
    }) : () -> ()
    %mul3A_170 = arith.constant 640 : i32
    %mul3A_171 = arith.muli %arg1, %mul3A_170 : i32
    %add3A_172 = arith.constant 624 : i32
    %add3A_173 = arith.addi %mul3A_171, %add3A_172 : i32
    "tpu.region"() ({
      %run_scoped3A = tpu.sem_alloc : memref<!tpu.dma_semaphore, #tpu.memory_space<semaphore_mem>>
      %dma_start3A_213 = arith.constant 0 : i32
      %dma_start3A_214 = tpu.memref_slice %arg22[%add3A_173, %dma_start3A_213] : memref<10240x64xf32, #tpu.memory_space<vmem_shared>> -> memref<16x64xf32, #tpu.memory_space<vmem_shared>>
      %dma_start3A_215 = arith.constant 0 : i32
      %dma_start3A_216 = tpu.memref_slice %arg22[%add3A_173, %dma_start3A_215] : memref<10240x64xf32, #tpu.memory_space<vmem_shared>> -> memref<16x64xf32, #tpu.memory_space<vmem_shared>>
      tpu.enqueue_dma source(%arg20 : memref<16x64xf32, #tpu.memory_space<vmem>>) target(%dma_start3A_216 : memref<16x64xf32, #tpu.memory_space<vmem_shared>>) target_semaphore(%run_scoped3A : memref<!tpu.dma_semaphore, #tpu.memory_space<semaphore_mem>>)
      %dma_wait3A_217 = arith.constant 0 : i32
      %dma_wait3A_218 = tpu.memref_slice %arg22[%add3A_173, %dma_wait3A_217] : memref<10240x64xf32, #tpu.memory_space<vmem_shared>> -> memref<16x64xf32, #tpu.memory_space<vmem_shared>>
      %dma_wait3A_219 = arith.constant 0 : i32
      %dma_wait3A_220 = tpu.memref_slice %arg22[%add3A_173, %dma_wait3A_219] : memref<10240x64xf32, #tpu.memory_space<vmem_shared>> -> memref<16x64xf32, #tpu.memory_space<vmem_shared>>
      tpu.wait_dma2 semaphore(%run_scoped3A : memref<!tpu.dma_semaphore, #tpu.memory_space<semaphore_mem>>) src(%arg20 : memref<16x64xf32, #tpu.memory_space<vmem>>) dst(%dma_wait3A_220 : memref<16x64xf32, #tpu.memory_space<vmem_shared>>)
      tpu.yield
    }) : () -> ()
    %mul3A_174 = arith.constant 640 : i32
    %mul3A_175 = arith.muli %arg1, %mul3A_174 : i32
    "tpu.region"() ({
      %run_scoped3A = tpu.sem_alloc : memref<!tpu.dma_semaphore, #tpu.memory_space<semaphore_mem>>
      %dma_start3A_213 = tpu.memref_slice %arg23[%mul3A_175] : memref<10240xf32, #tpu.memory_space<vmem_shared>> -> memref<640xf32, #tpu.memory_space<vmem_shared>>
      %dma_start3A_214 = tpu.memref_slice %arg23[%mul3A_175] : memref<10240xf32, #tpu.memory_space<vmem_shared>> -> memref<640xf32, #tpu.memory_space<vmem_shared>>
      tpu.enqueue_dma source(%arg21 : memref<640xf32, #tpu.memory_space<vmem>>) target(%dma_start3A_214 : memref<640xf32, #tpu.memory_space<vmem_shared>>) target_semaphore(%run_scoped3A : memref<!tpu.dma_semaphore, #tpu.memory_space<semaphore_mem>>)
      %dma_wait3A_215 = tpu.memref_slice %arg23[%mul3A_175] : memref<10240xf32, #tpu.memory_space<vmem_shared>> -> memref<640xf32, #tpu.memory_space<vmem_shared>>
      %dma_wait3A_216 = tpu.memref_slice %arg23[%mul3A_175] : memref<10240xf32, #tpu.memory_space<vmem_shared>> -> memref<640xf32, #tpu.memory_space<vmem_shared>>
      tpu.wait_dma2 semaphore(%run_scoped3A : memref<!tpu.dma_semaphore, #tpu.memory_space<semaphore_mem>>) src(%arg21 : memref<640xf32, #tpu.memory_space<vmem>>) dst(%dma_wait3A_216 : memref<640xf32, #tpu.memory_space<vmem_shared>>)
      tpu.yield
    }) : () -> ()
    "tpu.region"() ({
      %run_scoped3A = tpu.sem_alloc : memref<!tpu.dma_semaphore, #tpu.memory_space<semaphore_mem>>
      tpu.enqueue_dma source(%arg3 : memref<10240xf32, #tpu.memory_space<hbm>>) target(%arg11 : memref<10240xf32, #tpu.memory_space<vmem>>) target_semaphore(%run_scoped3A : memref<!tpu.dma_semaphore, #tpu.memory_space<semaphore_mem>>)
      tpu.wait_dma2 semaphore(%run_scoped3A : memref<!tpu.dma_semaphore, #tpu.memory_space<semaphore_mem>>) src(%arg3 : memref<10240xf32, #tpu.memory_space<hbm>>) dst(%arg11 : memref<10240xf32, #tpu.memory_space<vmem>>)
      tpu.yield
    }) : () -> ()
    "tpu.region"() ({
      %run_scoped3A = tpu.sem_alloc : memref<!tpu.dma_semaphore, #tpu.memory_space<semaphore_mem>>
      tpu.enqueue_dma source(%arg4 : memref<10240xf32, #tpu.memory_space<hbm>>) target(%arg12 : memref<10240xf32, #tpu.memory_space<vmem>>) target_semaphore(%run_scoped3A : memref<!tpu.dma_semaphore, #tpu.memory_space<semaphore_mem>>)
      tpu.wait_dma2 semaphore(%run_scoped3A : memref<!tpu.dma_semaphore, #tpu.memory_space<semaphore_mem>>) src(%arg4 : memref<10240xf32, #tpu.memory_space<hbm>>) dst(%arg12 : memref<10240xf32, #tpu.memory_space<vmem>>)
      tpu.yield
    }) : () -> ()
    "tpu.region"() ({
      %run_scoped3A = tpu.sem_alloc : memref<!tpu.dma_semaphore, #tpu.memory_space<semaphore_mem>>
      tpu.enqueue_dma source(%arg5 : memref<16xf32, #tpu.memory_space<hbm>>) target(%arg13 : memref<16xf32, #tpu.memory_space<vmem>>) target_semaphore(%run_scoped3A : memref<!tpu.dma_semaphore, #tpu.memory_space<semaphore_mem>>)
      tpu.wait_dma2 semaphore(%run_scoped3A : memref<!tpu.dma_semaphore, #tpu.memory_space<semaphore_mem>>) src(%arg5 : memref<16xf32, #tpu.memory_space<hbm>>) dst(%arg13 : memref<16xf32, #tpu.memory_space<vmem>>)
      tpu.yield
    }) : () -> ()
    "tpu.region"() ({
      %run_scoped3A = tpu.sem_alloc : memref<!tpu.dma_semaphore, #tpu.memory_space<semaphore_mem>>
      %dma_start3A_213 = arith.constant 0 : i32
      %dma_start3A_214 = arith.constant 0 : i32
      %dma_start3A_215 = tpu.memref_slice %arg6[%add3A, %dma_start3A_213, %dma_start3A_214] : memref<32x84x128xi32, #tpu.memory_space<hbm>> -> memref<1x84x128xi32, #tpu.memory_space<hbm>>
      %dma_start3A_216 = tpu.memref_squeeze %dma_start3A_215 : memref<1x84x128xi32, #tpu.memory_space<hbm>> -> memref<84x128xi32, #tpu.memory_space<hbm>>
      %dma_start3A_217 = arith.constant 0 : i32
      %dma_start3A_218 = arith.constant 0 : i32
      %dma_start3A_219 = tpu.memref_slice %arg6[%add3A, %dma_start3A_217, %dma_start3A_218] : memref<32x84x128xi32, #tpu.memory_space<hbm>> -> memref<1x84x128xi32, #tpu.memory_space<hbm>>
      %dma_start3A_220 = tpu.memref_squeeze %dma_start3A_219 : memref<1x84x128xi32, #tpu.memory_space<hbm>> -> memref<84x128xi32, #tpu.memory_space<hbm>>
      tpu.enqueue_dma source(%dma_start3A_220 : memref<84x128xi32, #tpu.memory_space<hbm>>) target(%arg14 : memref<84x128xi32, #tpu.memory_space<vmem>>) target_semaphore(%run_scoped3A : memref<!tpu.dma_semaphore, #tpu.memory_space<semaphore_mem>>)
      %dma_wait3A_221 = arith.constant 0 : i32
      %dma_wait3A_222 = arith.constant 0 : i32
      %dma_wait3A_223 = tpu.memref_slice %arg6[%add3A, %dma_wait3A_221, %dma_wait3A_222] : memref<32x84x128xi32, #tpu.memory_space<hbm>> -> memref<1x84x128xi32, #tpu.memory_space<hbm>>
      %dma_wait3A_224 = tpu.memref_squeeze %dma_wait3A_223 : memref<1x84x128xi32, #tpu.memory_space<hbm>> -> memref<84x128xi32, #tpu.memory_space<hbm>>
      %dma_wait3A_225 = arith.constant 0 : i32
      %dma_wait3A_226 = arith.constant 0 : i32
      %dma_wait3A_227 = tpu.memref_slice %arg6[%add3A, %dma_wait3A_225, %dma_wait3A_226] : memref<32x84x128xi32, #tpu.memory_space<hbm>> -> memref<1x84x128xi32, #tpu.memory_space<hbm>>
      %dma_wait3A_228 = tpu.memref_squeeze %dma_wait3A_227 : memref<1x84x128xi32, #tpu.memory_space<hbm>> -> memref<84x128xi32, #tpu.memory_space<hbm>>
      tpu.wait_dma2 semaphore(%run_scoped3A : memref<!tpu.dma_semaphore, #tpu.memory_space<semaphore_mem>>) src(%dma_wait3A_228 : memref<84x128xi32, #tpu.memory_space<hbm>>) dst(%arg14 : memref<84x128xi32, #tpu.memory_space<vmem>>)
      tpu.yield
    }) : () -> ()
    "tpu.region"() ({
      %run_scoped3A = tpu.sem_alloc : memref<!tpu.dma_semaphore, #tpu.memory_space<semaphore_mem>>
      %dma_start3A_213 = arith.constant 0 : i32
      %dma_start3A_214 = arith.constant 0 : i32
      %dma_start3A_215 = tpu.memref_slice %arg7[%add3A, %dma_start3A_213, %dma_start3A_214] : memref<32x84x128xi32, #tpu.memory_space<hbm>> -> memref<1x84x128xi32, #tpu.memory_space<hbm>>
      %dma_start3A_216 = tpu.memref_squeeze %dma_start3A_215 : memref<1x84x128xi32, #tpu.memory_space<hbm>> -> memref<84x128xi32, #tpu.memory_space<hbm>>
      %dma_start3A_217 = arith.constant 0 : i32
      %dma_start3A_218 = arith.constant 0 : i32
      %dma_start3A_219 = tpu.memref_slice %arg7[%add3A, %dma_start3A_217, %dma_start3A_218] : memref<32x84x128xi32, #tpu.memory_space<hbm>> -> memref<1x84x128xi32, #tpu.memory_space<hbm>>
      %dma_start3A_220 = tpu.memref_squeeze %dma_start3A_219 : memref<1x84x128xi32, #tpu.memory_space<hbm>> -> memref<84x128xi32, #tpu.memory_space<hbm>>
      tpu.enqueue_dma source(%dma_start3A_220 : memref<84x128xi32, #tpu.memory_space<hbm>>) target(%arg15 : memref<84x128xi32, #tpu.memory_space<vmem>>) target_semaphore(%run_scoped3A : memref<!tpu.dma_semaphore, #tpu.memory_space<semaphore_mem>>)
      %dma_wait3A_221 = arith.constant 0 : i32
      %dma_wait3A_222 = arith.constant 0 : i32
      %dma_wait3A_223 = tpu.memref_slice %arg7[%add3A, %dma_wait3A_221, %dma_wait3A_222] : memref<32x84x128xi32, #tpu.memory_space<hbm>> -> memref<1x84x128xi32, #tpu.memory_space<hbm>>
      %dma_wait3A_224 = tpu.memref_squeeze %dma_wait3A_223 : memref<1x84x128xi32, #tpu.memory_space<hbm>> -> memref<84x128xi32, #tpu.memory_space<hbm>>
      %dma_wait3A_225 = arith.constant 0 : i32
      %dma_wait3A_226 = arith.constant 0 : i32
      %dma_wait3A_227 = tpu.memref_slice %arg7[%add3A, %dma_wait3A_225, %dma_wait3A_226] : memref<32x84x128xi32, #tpu.memory_space<hbm>> -> memref<1x84x128xi32, #tpu.memory_space<hbm>>
      %dma_wait3A_228 = tpu.memref_squeeze %dma_wait3A_227 : memref<1x84x128xi32, #tpu.memory_space<hbm>> -> memref<84x128xi32, #tpu.memory_space<hbm>>
      tpu.wait_dma2 semaphore(%run_scoped3A : memref<!tpu.dma_semaphore, #tpu.memory_space<semaphore_mem>>) src(%dma_wait3A_228 : memref<84x128xi32, #tpu.memory_space<hbm>>) dst(%arg15 : memref<84x128xi32, #tpu.memory_space<vmem>>)
      tpu.yield
    }) : () -> ()
    "tpu.region"() ({
      %run_scoped3A = tpu.sem_alloc : memref<!tpu.dma_semaphore, #tpu.memory_space<semaphore_mem>>
      %dma_start3A_213 = arith.constant 0 : i32
      %dma_start3A_214 = arith.constant 0 : i32
      %dma_start3A_215 = tpu.memref_slice %arg8[%add3A, %dma_start3A_213, %dma_start3A_214] : memref<32x84x128xf32, #tpu.memory_space<hbm>> -> memref<1x84x128xf32, #tpu.memory_space<hbm>>
      %dma_start3A_216 = tpu.memref_squeeze %dma_start3A_215 : memref<1x84x128xf32, #tpu.memory_space<hbm>> -> memref<84x128xf32, #tpu.memory_space<hbm>>
      %dma_start3A_217 = arith.constant 0 : i32
      %dma_start3A_218 = arith.constant 0 : i32
      %dma_start3A_219 = tpu.memref_slice %arg8[%add3A, %dma_start3A_217, %dma_start3A_218] : memref<32x84x128xf32, #tpu.memory_space<hbm>> -> memref<1x84x128xf32, #tpu.memory_space<hbm>>
      %dma_start3A_220 = tpu.memref_squeeze %dma_start3A_219 : memref<1x84x128xf32, #tpu.memory_space<hbm>> -> memref<84x128xf32, #tpu.memory_space<hbm>>
      tpu.enqueue_dma source(%dma_start3A_220 : memref<84x128xf32, #tpu.memory_space<hbm>>) target(%arg16 : memref<84x128xf32, #tpu.memory_space<vmem>>) target_semaphore(%run_scoped3A : memref<!tpu.dma_semaphore, #tpu.memory_space<semaphore_mem>>)
      %dma_wait3A_221 = arith.constant 0 : i32
      %dma_wait3A_222 = arith.constant 0 : i32
      %dma_wait3A_223 = tpu.memref_slice %arg8[%add3A, %dma_wait3A_221, %dma_wait3A_222] : memref<32x84x128xf32, #tpu.memory_space<hbm>> -> memref<1x84x128xf32, #tpu.memory_space<hbm>>
      %dma_wait3A_224 = tpu.memref_squeeze %dma_wait3A_223 : memref<1x84x128xf32, #tpu.memory_space<hbm>> -> memref<84x128xf32, #tpu.memory_space<hbm>>
      %dma_wait3A_225 = arith.constant 0 : i32
      %dma_wait3A_226 = arith.constant 0 : i32
      %dma_wait3A_227 = tpu.memref_slice %arg8[%add3A, %dma_wait3A_225, %dma_wait3A_226] : memref<32x84x128xf32, #tpu.memory_space<hbm>> -> memref<1x84x128xf32, #tpu.memory_space<hbm>>
      %dma_wait3A_228 = tpu.memref_squeeze %dma_wait3A_227 : memref<1x84x128xf32, #tpu.memory_space<hbm>> -> memref<84x128xf32, #tpu.memory_space<hbm>>
      tpu.wait_dma2 semaphore(%run_scoped3A : memref<!tpu.dma_semaphore, #tpu.memory_space<semaphore_mem>>) src(%dma_wait3A_228 : memref<84x128xf32, #tpu.memory_space<hbm>>) dst(%arg16 : memref<84x128xf32, #tpu.memory_space<vmem>>)
      tpu.yield
    }) : () -> ()
    %barrier3A = arith.constant 0 : index
    tpu.barrier barrier_id(%barrier3A)
    %get3A = arith.constant 0 : index
    %get3A_176 = tpu.vector_load %arg13[%get3A] {strides = array<i32>} : memref<16xf32, #tpu.memory_space<vmem>>, vector<16xf32>,
    %dma_start3A = arith.constant 0 : i32
    %dma_start3A_177 = arith.constant 0 : i32
    %dma_start3A_178 = tpu.memref_slice %arg14[%dma_start3A, %dma_start3A_177] : memref<84x128xi32, #tpu.memory_space<vmem>> -> memref<1x128xi32, #tpu.memory_space<vmem>>
    %dma_start3A_179 = tpu.memref_squeeze %dma_start3A_178 : memref<1x128xi32, #tpu.memory_space<vmem>> -> memref<128xi32, #tpu.memory_space<vmem>>
    %dma_start3A_180 = arith.constant 0 : i32
    %dma_start3A_181 = arith.constant 0 : i32
    %dma_start3A_182 = tpu.memref_slice %arg2[%dma_start3A_180, %dma_start3A_181] : memref<10240x64xf32, #tpu.memory_space<hbm>> -> memref<10240x64xf32, #tpu.memory_space<hbm>>
    tpu.enqueue_indirect_dma source(%dma_start3A_182 : memref<10240x64xf32, #tpu.memory_space<hbm>>) target(%arg18 : memref<128x64xf32, #tpu.memory_space<vmem>>) offsets(%dma_start3A_179 : memref<128xi32, #tpu.memory_space<vmem>>) semaphore(%arg24 : memref<!tpu.dma_semaphore, #tpu.memory_space<semaphore_mem>>)
    %dma_start3A_183 = arith.constant 1 : i32
    %dma_start3A_184 = arith.constant 0 : i32
    %dma_start3A_185 = tpu.memref_slice %arg14[%dma_start3A_183, %dma_start3A_184] : memref<84x128xi32, #tpu.memory_space<vmem>> -> memref<1x128xi32, #tpu.memory_space<vmem>>
    %dma_start3A_186 = tpu.memref_squeeze %dma_start3A_185 : memref<1x128xi32, #tpu.memory_space<vmem>> -> memref<128xi32, #tpu.memory_space<vmem>>
    %dma_start3A_187 = arith.constant 0 : i32
    %dma_start3A_188 = arith.constant 0 : i32
    %dma_start3A_189 = tpu.memref_slice %arg2[%dma_start3A_187, %dma_start3A_188] : memref<10240x64xf32, #tpu.memory_space<hbm>> -> memref<10240x64xf32, #tpu.memory_space<hbm>>
    tpu.enqueue_indirect_dma source(%dma_start3A_189 : memref<10240x64xf32, #tpu.memory_space<hbm>>) target(%arg19 : memref<128x64xf32, #tpu.memory_space<vmem>>) offsets(%dma_start3A_186 : memref<128xi32, #tpu.memory_space<vmem>>) semaphore(%arg25 : memref<!tpu.dma_semaphore, #tpu.memory_space<semaphore_mem>>)
    %scan3A_190 = arith.constant 0 : i32
    %scan3A_191 = arith.constant 0 : i32
    %scan3A_192 = arith.constant 41 : i32
    %scan3A_193 = arith.addi %scan3A_191, %scan3A_192 : i32
    %scan3A_194 = arith.constant 1 : i32
    %scan3A_195 = scf.for %scan3A_213 = %scan3A_191 to %scan3A_193 step %scan3A_194 iter_args(%scan3A_214 = %scan3A_190) -> (i32)  : i32 {
      %mul3A_215 = arith.constant 2 : i32
      %mul3A_216 = arith.muli %mul3A_215, %scan3A_213 : i32
      %add3A_217 = arith.constant 0 : i32
      %add3A_218 = arith.addi %mul3A_216, %add3A_217 : i32
      %dma_wait3A_219 = arith.constant 0 : i32
      %dma_wait3A_220 = tpu.memref_slice %arg14[%add3A_218, %dma_wait3A_219] : memref<84x128xi32, #tpu.memory_space<vmem>> -> memref<1x128xi32, #tpu.memory_space<vmem>>
      %dma_wait3A_221 = tpu.memref_squeeze %dma_wait3A_220 : memref<1x128xi32, #tpu.memory_space<vmem>> -> memref<128xi32, #tpu.memory_space<vmem>>
      %dma_wait3A_222 = arith.constant 0 : i32
      %dma_wait3A_223 = arith.constant 0 : i32
      %dma_wait3A_224 = tpu.memref_slice %arg2[%dma_wait3A_222, %dma_wait3A_223] : memref<10240x64xf32, #tpu.memory_space<hbm>> -> memref<10240x64xf32, #tpu.memory_space<hbm>>
      tpu.wait_indirect_dma semaphore(%arg24 : memref<!tpu.dma_semaphore, #tpu.memory_space<semaphore_mem>>) src(%dma_wait3A_224 : memref<10240x64xf32, #tpu.memory_space<hbm>>) dst(%arg18 : memref<128x64xf32, #tpu.memory_space<vmem>>)
      %get3A_225 = arith.index_cast %add3A_218 : i32 to index
      %get3A_226 = arith.constant 0 : index
      %get3A_227 = tpu.vector_load %arg14[%get3A_225, %get3A_226] {strides = array<i32>} : memref<84x128xi32, #tpu.memory_space<vmem>>, vector<16xi32>,
      %get3A_228 = arith.index_cast %add3A_218 : i32 to index
      %get3A_229 = arith.constant 0 : index
      %get3A_230 = tpu.vector_load %arg15[%get3A_228, %get3A_229] {strides = array<i32>} : memref<84x128xi32, #tpu.memory_space<vmem>>, vector<16xi32>,
      %gather3A = tpu.vector_load_idx %arg11[%get3A_227] : memref<10240xf32, #tpu.memory_space<vmem>>[vector<16xi32>], vector<16xf32>,
      %gather3A_231 = tpu.vector_load_idx %arg12[%get3A_230] : memref<10240xf32, #tpu.memory_space<vmem>>[vector<16xi32>], vector<16xf32>,
      %add3A_232 = arith.addf %gather3A, %gather3A_231 : vector<16xf32>
      %ge3A = arith.constant 0.000000e+00 : f32
      %ge3A_233 = vector.broadcast %ge3A : f32 to vector<16xf32>
      %ge3A_234 = arith.cmpf oge, %add3A_232, %ge3A_233 : vector<16xf32>
      %mul3A_235 = arith.constant 2.000000e-01 : f32
      %mul3A_236 = vector.broadcast %mul3A_235 : f32 to vector<16xf32>
      %mul3A_237 = arith.mulf %mul3A_236, %add3A_232 : vector<16xf32>
      %select_n3A = arith.select %ge3A_234, %add3A_232, %mul3A_237 : vector<16xi1>, vector<16xf32>
      %sub3A = arith.subf %select_n3A, %get3A_176 : vector<16xf32>
      %exp3A = math.exp %sub3A : vector<16xf32>
      %get3A_238 = arith.index_cast %add3A_218 : i32 to index
      %get3A_239 = arith.constant 0 : index
      %get3A_240 = tpu.vector_load %arg16[%get3A_238, %get3A_239] {strides = array<i32>} : memref<84x128xf32, #tpu.memory_space<vmem>>, vector<16xf32>,
      %mul3A_241 = arith.mulf %exp3A, %get3A_240 : vector<16xf32>
      %swap3A = arith.constant 0 : index
      %swap3A_242 = tpu.vector_load %arg17[%swap3A] {strides = array<i32>} : memref<128xf32, #tpu.memory_space<vmem>>, vector<16xf32>,
      tpu.vector_store %arg17[%swap3A], %mul3A_241 {strides = array<i32>} : memref<128xf32, #tpu.memory_space<vmem>>, vector<16xf32>,
      %get3A_243 = arith.index_cast %add3A_218 : i32 to index
      %get3A_244 = arith.constant 16 : index
      %get3A_245 = tpu.vector_load %arg14[%get3A_243, %get3A_244] {strides = array<i32>} : memref<84x128xi32, #tpu.memory_space<vmem>>, vector<16xi32>,
      %get3A_246 = arith.index_cast %add3A_218 : i32 to index
      %get3A_247 = arith.constant 16 : index
      %get3A_248 = tpu.vector_load %arg15[%get3A_246, %get3A_247] {strides = array<i32>} : memref<84x128xi32, #tpu.memory_space<vmem>>, vector<16xi32>,
      %gather3A_249 = tpu.vector_load_idx %arg11[%get3A_245] : memref<10240xf32, #tpu.memory_space<vmem>>[vector<16xi32>], vector<16xf32>,
      %gather3A_250 = tpu.vector_load_idx %arg12[%get3A_248] : memref<10240xf32, #tpu.memory_space<vmem>>[vector<16xi32>], vector<16xf32>,
      %add3A_251 = arith.addf %gather3A_249, %gather3A_250 : vector<16xf32>
      %ge3A_252 = arith.constant 0.000000e+00 : f32
      %ge3A_253 = vector.broadcast %ge3A_252 : f32 to vector<16xf32>
      %ge3A_254 = arith.cmpf oge, %add3A_251, %ge3A_253 : vector<16xf32>
      %mul3A_255 = arith.constant 2.000000e-01 : f32
      %mul3A_256 = vector.broadcast %mul3A_255 : f32 to vector<16xf32>
      %mul3A_257 = arith.mulf %mul3A_256, %add3A_251 : vector<16xf32>
      %select_n3A_258 = arith.select %ge3A_254, %add3A_251, %mul3A_257 : vector<16xi1>, vector<16xf32>
      %sub3A_259 = arith.subf %select_n3A_258, %get3A_176 : vector<16xf32>
      %exp3A_260 = math.exp %sub3A_259 : vector<16xf32>
      %get3A_261 = arith.index_cast %add3A_218 : i32 to index
      %get3A_262 = arith.constant 16 : index
      %get3A_263 = tpu.vector_load %arg16[%get3A_261, %get3A_262] {strides = array<i32>} : memref<84x128xf32, #tpu.memory_space<vmem>>, vector<16xf32>,
      %mul3A_264 = arith.mulf %exp3A_260, %get3A_263 : vector<16xf32>
      %swap3A_265 = arith.constant 16 : index
      %swap3A_266 = tpu.vector_load %arg17[%swap3A_265] {strides = array<i32>} : memref<128xf32, #tpu.memory_space<vmem>>, vector<16xf32>,
      tpu.vector_store %arg17[%swap3A_265], %mul3A_264 {strides = array<i32>} : memref<128xf32, #tpu.memory_space<vmem>>, vector<16xf32>,
      %get3A_267 = arith.index_cast %add3A_218 : i32 to index
      %get3A_268 = arith.constant 32 : index
      %get3A_269 = tpu.vector_load %arg14[%get3A_267, %get3A_268] {strides = array<i32>} : memref<84x128xi32, #tpu.memory_space<vmem>>, vector<16xi32>,
      %get3A_270 = arith.index_cast %add3A_218 : i32 to index
      %get3A_271 = arith.constant 32 : index
      %get3A_272 = tpu.vector_load %arg15[%get3A_270, %get3A_271] {strides = array<i32>} : memref<84x128xi32, #tpu.memory_space<vmem>>, vector<16xi32>,
      %gather3A_273 = tpu.vector_load_idx %arg11[%get3A_269] : memref<10240xf32, #tpu.memory_space<vmem>>[vector<16xi32>], vector<16xf32>,
      %gather3A_274 = tpu.vector_load_idx %arg12[%get3A_272] : memref<10240xf32, #tpu.memory_space<vmem>>[vector<16xi32>], vector<16xf32>,
      %add3A_275 = arith.addf %gather3A_273, %gather3A_274 : vector<16xf32>
      %ge3A_276 = arith.constant 0.000000e+00 : f32
      %ge3A_277 = vector.broadcast %ge3A_276 : f32 to vector<16xf32>
      %ge3A_278 = arith.cmpf oge, %add3A_275, %ge3A_277 : vector<16xf32>
      %mul3A_279 = arith.constant 2.000000e-01 : f32
      %mul3A_280 = vector.broadcast %mul3A_279 : f32 to vector<16xf32>
      %mul3A_281 = arith.mulf %mul3A_280, %add3A_275 : vector<16xf32>
      %select_n3A_282 = arith.select %ge3A_278, %add3A_275, %mul3A_281 : vector<16xi1>, vector<16xf32>
      %sub3A_283 = arith.subf %select_n3A_282, %get3A_176 : vector<16xf32>
      %exp3A_284 = math.exp %sub3A_283 : vector<16xf32>
      %get3A_285 = arith.index_cast %add3A_218 : i32 to index
      %get3A_286 = arith.constant 32 : index
      %get3A_287 = tpu.vector_load %arg16[%get3A_285, %get3A_286] {strides = array<i32>} : memref<84x128xf32, #tpu.memory_space<vmem>>, vector<16xf32>,
      %mul3A_288 = arith.mulf %exp3A_284, %get3A_287 : vector<16xf32>
      %swap3A_289 = arith.constant 32 : index
      %swap3A_290 = tpu.vector_load %arg17[%swap3A_289] {strides = array<i32>} : memref<128xf32, #tpu.memory_space<vmem>>, vector<16xf32>,
      tpu.vector_store %arg17[%swap3A_289], %mul3A_288 {strides = array<i32>} : memref<128xf32, #tpu.memory_space<vmem>>, vector<16xf32>,
      %get3A_291 = arith.index_cast %add3A_218 : i32 to index
      %get3A_292 = arith.constant 48 : index
      %get3A_293 = tpu.vector_load %arg14[%get3A_291, %get3A_292] {strides = array<i32>} : memref<84x128xi32, #tpu.memory_space<vmem>>, vector<16xi32>,
      %get3A_294 = arith.index_cast %add3A_218 : i32 to index
      %get3A_295 = arith.constant 48 : index
      %get3A_296 = tpu.vector_load %arg15[%get3A_294, %get3A_295] {strides = array<i32>} : memref<84x128xi32, #tpu.memory_space<vmem>>, vector<16xi32>,
      %gather3A_297 = tpu.vector_load_idx %arg11[%get3A_293] : memref<10240xf32, #tpu.memory_space<vmem>>[vector<16xi32>], vector<16xf32>,
      %gather3A_298 = tpu.vector_load_idx %arg12[%get3A_296] : memref<10240xf32, #tpu.memory_space<vmem>>[vector<16xi32>], vector<16xf32>,
      %add3A_299 = arith.addf %gather3A_297, %gather3A_298 : vector<16xf32>
      %ge3A_300 = arith.constant 0.000000e+00 : f32
      %ge3A_301 = vector.broadcast %ge3A_300 : f32 to vector<16xf32>
      %ge3A_302 = arith.cmpf oge, %add3A_299, %ge3A_301 : vector<16xf32>
      %mul3A_303 = arith.constant 2.000000e-01 : f32
      %mul3A_304 = vector.broadcast %mul3A_303 : f32 to vector<16xf32>
      %mul3A_305 = arith.mulf %mul3A_304, %add3A_299 : vector<16xf32>
      %select_n3A_306 = arith.select %ge3A_302, %add3A_299, %mul3A_305 : vector<16xi1>, vector<16xf32>
      %sub3A_307 = arith.subf %select_n3A_306, %get3A_176 : vector<16xf32>
      %exp3A_308 = math.exp %sub3A_307 : vector<16xf32>
      %get3A_309 = arith.index_cast %add3A_218 : i32 to index
      %get3A_310 = arith.constant 48 : index
      %get3A_311 = tpu.vector_load %arg16[%get3A_309, %get3A_310] {strides = array<i32>} : memref<84x128xf32, #tpu.memory_space<vmem>>, vector<16xf32>,
      %mul3A_312 = arith.mulf %exp3A_308, %get3A_311 : vector<16xf32>
      %swap3A_313 = arith.constant 48 : index
      %swap3A_314 = tpu.vector_load %arg17[%swap3A_313] {strides = array<i32>} : memref<128xf32, #tpu.memory_space<vmem>>, vector<16xf32>,
      tpu.vector_store %arg17[%swap3A_313], %mul3A_312 {strides = array<i32>} : memref<128xf32, #tpu.memory_space<vmem>>, vector<16xf32>,
      %get3A_315 = arith.index_cast %add3A_218 : i32 to index
      %get3A_316 = arith.constant 64 : index
      %get3A_317 = tpu.vector_load %arg14[%get3A_315, %get3A_316] {strides = array<i32>} : memref<84x128xi32, #tpu.memory_space<vmem>>, vector<16xi32>,
      %get3A_318 = arith.index_cast %add3A_218 : i32 to index
      %get3A_319 = arith.constant 64 : index
      %get3A_320 = tpu.vector_load %arg15[%get3A_318, %get3A_319] {strides = array<i32>} : memref<84x128xi32, #tpu.memory_space<vmem>>, vector<16xi32>,
      %gather3A_321 = tpu.vector_load_idx %arg11[%get3A_317] : memref<10240xf32, #tpu.memory_space<vmem>>[vector<16xi32>], vector<16xf32>,
      %gather3A_322 = tpu.vector_load_idx %arg12[%get3A_320] : memref<10240xf32, #tpu.memory_space<vmem>>[vector<16xi32>], vector<16xf32>,
      %add3A_323 = arith.addf %gather3A_321, %gather3A_322 : vector<16xf32>
      %ge3A_324 = arith.constant 0.000000e+00 : f32
      %ge3A_325 = vector.broadcast %ge3A_324 : f32 to vector<16xf32>
      %ge3A_326 = arith.cmpf oge, %add3A_323, %ge3A_325 : vector<16xf32>
      %mul3A_327 = arith.constant 2.000000e-01 : f32
      %mul3A_328 = vector.broadcast %mul3A_327 : f32 to vector<16xf32>
      %mul3A_329 = arith.mulf %mul3A_328, %add3A_323 : vector<16xf32>
      %select_n3A_330 = arith.select %ge3A_326, %add3A_323, %mul3A_329 : vector<16xi1>, vector<16xf32>
      %sub3A_331 = arith.subf %select_n3A_330, %get3A_176 : vector<16xf32>
      %exp3A_332 = math.exp %sub3A_331 : vector<16xf32>
      %get3A_333 = arith.index_cast %add3A_218 : i32 to index
      %get3A_334 = arith.constant 64 : index
      %get3A_335 = tpu.vector_load %arg16[%get3A_333, %get3A_334] {strides = array<i32>} : memref<84x128xf32, #tpu.memory_space<vmem>>, vector<16xf32>,
      %mul3A_336 = arith.mulf %exp3A_332, %get3A_335 : vector<16xf32>
      %swap3A_337 = arith.constant 64 : index
      %swap3A_338 = tpu.vector_load %arg17[%swap3A_337] {strides = array<i32>} : memref<128xf32, #tpu.memory_space<vmem>>, vector<16xf32>,
      tpu.vector_store %arg17[%swap3A_337], %mul3A_336 {strides = array<i32>} : memref<128xf32, #tpu.memory_space<vmem>>, vector<16xf32>,
      %get3A_339 = arith.index_cast %add3A_218 : i32 to index
      %get3A_340 = arith.constant 80 : index
      %get3A_341 = tpu.vector_load %arg14[%get3A_339, %get3A_340] {strides = array<i32>} : memref<84x128xi32, #tpu.memory_space<vmem>>, vector<16xi32>,
      %get3A_342 = arith.index_cast %add3A_218 : i32 to index
      %get3A_343 = arith.constant 80 : index
      %get3A_344 = tpu.vector_load %arg15[%get3A_342, %get3A_343] {strides = array<i32>} : memref<84x128xi32, #tpu.memory_space<vmem>>, vector<16xi32>,
      %gather3A_345 = tpu.vector_load_idx %arg11[%get3A_341] : memref<10240xf32, #tpu.memory_space<vmem>>[vector<16xi32>], vector<16xf32>,
      %gather3A_346 = tpu.vector_load_idx %arg12[%get3A_344] : memref<10240xf32, #tpu.memory_space<vmem>>[vector<16xi32>], vector<16xf32>,
      %add3A_347 = arith.addf %gather3A_345, %gather3A_346 : vector<16xf32>
      %ge3A_348 = arith.constant 0.000000e+00 : f32
      %ge3A_349 = vector.broadcast %ge3A_348 : f32 to vector<16xf32>
      %ge3A_350 = arith.cmpf oge, %add3A_347, %ge3A_349 : vector<16xf32>
      %mul3A_351 = arith.constant 2.000000e-01 : f32
      %mul3A_352 = vector.broadcast %mul3A_351 : f32 to vector<16xf32>
      %mul3A_353 = arith.mulf %mul3A_352, %add3A_347 : vector<16xf32>
      %select_n3A_354 = arith.select %ge3A_350, %add3A_347, %mul3A_353 : vector<16xi1>, vector<16xf32>
      %sub3A_355 = arith.subf %select_n3A_354, %get3A_176 : vector<16xf32>
      %exp3A_356 = math.exp %sub3A_355 : vector<16xf32>
      %get3A_357 = arith.index_cast %add3A_218 : i32 to index
      %get3A_358 = arith.constant 80 : index
      %get3A_359 = tpu.vector_load %arg16[%get3A_357, %get3A_358] {strides = array<i32>} : memref<84x128xf32, #tpu.memory_space<vmem>>, vector<16xf32>,
      %mul3A_360 = arith.mulf %exp3A_356, %get3A_359 : vector<16xf32>
      %swap3A_361 = arith.constant 80 : index
      %swap3A_362 = tpu.vector_load %arg17[%swap3A_361] {strides = array<i32>} : memref<128xf32, #tpu.memory_space<vmem>>, vector<16xf32>,
      tpu.vector_store %arg17[%swap3A_361], %mul3A_360 {strides = array<i32>} : memref<128xf32, #tpu.memory_space<vmem>>, vector<16xf32>,
      %get3A_363 = arith.index_cast %add3A_218 : i32 to index
      %get3A_364 = arith.constant 96 : index
      %get3A_365 = tpu.vector_load %arg14[%get3A_363, %get3A_364] {strides = array<i32>} : memref<84x128xi32, #tpu.memory_space<vmem>>, vector<16xi32>,
      %get3A_366 = arith.index_cast %add3A_218 : i32 to index
      %get3A_367 = arith.constant 96 : index
      %get3A_368 = tpu.vector_load %arg15[%get3A_366, %get3A_367] {strides = array<i32>} : memref<84x128xi32, #tpu.memory_space<vmem>>, vector<16xi32>,
      %gather3A_369 = tpu.vector_load_idx %arg11[%get3A_365] : memref<10240xf32, #tpu.memory_space<vmem>>[vector<16xi32>], vector<16xf32>,
      %gather3A_370 = tpu.vector_load_idx %arg12[%get3A_368] : memref<10240xf32, #tpu.memory_space<vmem>>[vector<16xi32>], vector<16xf32>,
      %add3A_371 = arith.addf %gather3A_369, %gather3A_370 : vector<16xf32>
      %ge3A_372 = arith.constant 0.000000e+00 : f32
      %ge3A_373 = vector.broadcast %ge3A_372 : f32 to vector<16xf32>
      %ge3A_374 = arith.cmpf oge, %add3A_371, %ge3A_373 : vector<16xf32>
      %mul3A_375 = arith.constant 2.000000e-01 : f32
      %mul3A_376 = vector.broadcast %mul3A_375 : f32 to vector<16xf32>
      %mul3A_377 = arith.mulf %mul3A_376, %add3A_371 : vector<16xf32>
      %select_n3A_378 = arith.select %ge3A_374, %add3A_371, %mul3A_377 : vector<16xi1>, vector<16xf32>
      %sub3A_379 = arith.subf %select_n3A_378, %get3A_176 : vector<16xf32>
      %exp3A_380 = math.exp %sub3A_379 : vector<16xf32>
      %get3A_381 = arith.index_cast %add3A_218 : i32 to index
      %get3A_382 = arith.constant 96 : index
      %get3A_383 = tpu.vector_load %arg16[%get3A_381, %get3A_382] {strides = array<i32>} : memref<84x128xf32, #tpu.memory_space<vmem>>, vector<16xf32>,
      %mul3A_384 = arith.mulf %exp3A_380, %get3A_383 : vector<16xf32>
      %swap3A_385 = arith.constant 96 : index
      %swap3A_386 = tpu.vector_load %arg17[%swap3A_385] {strides = array<i32>} : memref<128xf32, #tpu.memory_space<vmem>>, vector<16xf32>,
      tpu.vector_store %arg17[%swap3A_385], %mul3A_384 {strides = array<i32>} : memref<128xf32, #tpu.memory_space<vmem>>, vector<16xf32>,
      %get3A_387 = arith.index_cast %add3A_218 : i32 to index
      %get3A_388 = arith.constant 112 : index
      %get3A_389 = tpu.vector_load %arg14[%get3A_387, %get3A_388] {strides = array<i32>} : memref<84x128xi32, #tpu.memory_space<vmem>>, vector<16xi32>,
      %get3A_390 = arith.index_cast %add3A_218 : i32 to index
      %get3A_391 = arith.constant 112 : index
      %get3A_392 = tpu.vector_load %arg15[%get3A_390, %get3A_391] {strides = array<i32>} : memref<84x128xi32, #tpu.memory_space<vmem>>, vector<16xi32>,
      %gather3A_393 = tpu.vector_load_idx %arg11[%get3A_389] : memref<10240xf32, #tpu.memory_space<vmem>>[vector<16xi32>], vector<16xf32>,
      %gather3A_394 = tpu.vector_load_idx %arg12[%get3A_392] : memref<10240xf32, #tpu.memory_space<vmem>>[vector<16xi32>], vector<16xf32>,
      %add3A_395 = arith.addf %gather3A_393, %gather3A_394 : vector<16xf32>
      %ge3A_396 = arith.constant 0.000000e+00 : f32
      %ge3A_397 = vector.broadcast %ge3A_396 : f32 to vector<16xf32>
      %ge3A_398 = arith.cmpf oge, %add3A_395, %ge3A_397 : vector<16xf32>
      %mul3A_399 = arith.constant 2.000000e-01 : f32
      %mul3A_400 = vector.broadcast %mul3A_399 : f32 to vector<16xf32>
      %mul3A_401 = arith.mulf %mul3A_400, %add3A_395 : vector<16xf32>
      %select_n3A_402 = arith.select %ge3A_398, %add3A_395, %mul3A_401 : vector<16xi1>, vector<16xf32>
      %sub3A_403 = arith.subf %select_n3A_402, %get3A_176 : vector<16xf32>
      %exp3A_404 = math.exp %sub3A_403 : vector<16xf32>
      %get3A_405 = arith.index_cast %add3A_218 : i32 to index
      %get3A_406 = arith.constant 112 : index
      %get3A_407 = tpu.vector_load %arg16[%get3A_405, %get3A_406] {strides = array<i32>} : memref<84x128xf32, #tpu.memory_space<vmem>>, vector<16xf32>,
      %mul3A_408 = arith.mulf %exp3A_404, %get3A_407 : vector<16xf32>
      %swap3A_409 = arith.constant 112 : index
      %swap3A_410 = tpu.vector_load %arg17[%swap3A_409] {strides = array<i32>} : memref<128xf32, #tpu.memory_space<vmem>>, vector<16xf32>,
      tpu.vector_store %arg17[%swap3A_409], %mul3A_408 {strides = array<i32>} : memref<128xf32, #tpu.memory_space<vmem>>, vector<16xf32>,
      %scan3A_411 = arith.constant 0 : i32
      %scan3A_412 = arith.constant 0 : i32
      %scan3A_413 = arith.constant 128 : i32
      %scan3A_414 = arith.addi %scan3A_412, %scan3A_413 : i32
      %scan3A_415 = arith.constant 1 : i32
      %scan3A_416 = scf.for %scan3A_644 = %scan3A_412 to %scan3A_414 step %scan3A_415 iter_args(%scan3A_645 = %scan3A_411) -> (i32)  : i32 {
        %broadcast_in_dim3A = vector.broadcast %scan3A_644 : i32 to vector<16xi32>
        %gather3A_646 = tpu.vector_load_idx %arg17[%broadcast_in_dim3A] : memref<128xf32, #tpu.memory_space<vmem>>[vector<16xi32>], vector<16xf32>,
        %get3A_647 = arith.index_cast %scan3A_644 : i32 to index
        %get3A_648 = arith.constant 0 : index
        %get3A_649 = tpu.vector_load %arg18[%get3A_647, %get3A_648] {strides = array<i32>} : memref<128x64xf32, #tpu.memory_space<vmem>>, vector<16xf32>,
        %mul3A_650 = arith.mulf %get3A_649, %gather3A_646 : vector<16xf32>
        %swap3A_651 = arith.index_cast %scan3A_644 : i32 to index
        %swap3A_652 = arith.constant 0 : index
        %swap3A_653 = tpu.vector_load %arg18[%swap3A_651, %swap3A_652] {strides = array<i32>} : memref<128x64xf32, #tpu.memory_space<vmem>>, vector<16xf32>,
        tpu.vector_store %arg18[%swap3A_651, %swap3A_652], %mul3A_650 {strides = array<i32>} : memref<128x64xf32, #tpu.memory_space<vmem>>, vector<16xf32>,
        %get3A_654 = arith.index_cast %scan3A_644 : i32 to index
        %get3A_655 = arith.constant 16 : index
        %get3A_656 = tpu.vector_load %arg18[%get3A_654, %get3A_655] {strides = array<i32>} : memref<128x64xf32, #tpu.memory_space<vmem>>, vector<16xf32>,
        %mul3A_657 = arith.mulf %get3A_656, %gather3A_646 : vector<16xf32>
        %swap3A_658 = arith.index_cast %scan3A_644 : i32 to index
        %swap3A_659 = arith.constant 16 : index
        %swap3A_660 = tpu.vector_load %arg18[%swap3A_658, %swap3A_659] {strides = array<i32>} : memref<128x64xf32, #tpu.memory_space<vmem>>, vector<16xf32>,
        tpu.vector_store %arg18[%swap3A_658, %swap3A_659], %mul3A_657 {strides = array<i32>} : memref<128x64xf32, #tpu.memory_space<vmem>>, vector<16xf32>,
        %get3A_661 = arith.index_cast %scan3A_644 : i32 to index
        %get3A_662 = arith.constant 32 : index
        %get3A_663 = tpu.vector_load %arg18[%get3A_661, %get3A_662] {strides = array<i32>} : memref<128x64xf32, #tpu.memory_space<vmem>>, vector<16xf32>,
        %mul3A_664 = arith.mulf %get3A_663, %gather3A_646 : vector<16xf32>
        %swap3A_665 = arith.index_cast %scan3A_644 : i32 to index
        %swap3A_666 = arith.constant 32 : index
        %swap3A_667 = tpu.vector_load %arg18[%swap3A_665, %swap3A_666] {strides = array<i32>} : memref<128x64xf32, #tpu.memory_space<vmem>>, vector<16xf32>,
        tpu.vector_store %arg18[%swap3A_665, %swap3A_666], %mul3A_664 {strides = array<i32>} : memref<128x64xf32, #tpu.memory_space<vmem>>, vector<16xf32>,
        %get3A_668 = arith.index_cast %scan3A_644 : i32 to index
        %get3A_669 = arith.constant 48 : index
        %get3A_670 = tpu.vector_load %arg18[%get3A_668, %get3A_669] {strides = array<i32>} : memref<128x64xf32, #tpu.memory_space<vmem>>, vector<16xf32>,
        %mul3A_671 = arith.mulf %get3A_670, %gather3A_646 : vector<16xf32>
        %swap3A_672 = arith.index_cast %scan3A_644 : i32 to index
        %swap3A_673 = arith.constant 48 : index
        %swap3A_674 = tpu.vector_load %arg18[%swap3A_672, %swap3A_673] {strides = array<i32>} : memref<128x64xf32, #tpu.memory_space<vmem>>, vector<16xf32>,
        tpu.vector_store %arg18[%swap3A_672, %swap3A_673], %mul3A_671 {strides = array<i32>} : memref<128x64xf32, #tpu.memory_space<vmem>>, vector<16xf32>,
        %scan3A_675 = arith.constant 0 : i32
        scf.yield %scan3A_675 : i32
      }
      %scan3A_417 = arith.constant 128 : i32
      "tpu.region"() ({
        %run_scoped3A = tpu.sem_alloc : memref<!tpu.dma_semaphore, #tpu.memory_space<semaphore_mem>>
        %dma_start3A_644 = arith.constant 0 : i32
        %dma_start3A_645 = tpu.memref_slice %arg15[%add3A_218, %dma_start3A_644] : memref<84x128xi32, #tpu.memory_space<vmem>> -> memref<1x128xi32, #tpu.memory_space<vmem>>
        %dma_start3A_646 = tpu.memref_squeeze %dma_start3A_645 : memref<1x128xi32, #tpu.memory_space<vmem>> -> memref<128xi32, #tpu.memory_space<vmem>>
        %dma_start3A_647 = arith.constant 0 : i32
        %dma_start3A_648 = arith.constant 0 : i32
        %dma_start3A_649 = tpu.memref_slice %arg22[%dma_start3A_647, %dma_start3A_648] : memref<10240x64xf32, #tpu.memory_space<vmem_shared>> -> memref<10240x64xf32, #tpu.memory_space<vmem_shared>>
        tpu.enqueue_indirect_dma source(%arg18 : memref<128x64xf32, #tpu.memory_space<vmem>>) target(%dma_start3A_649 : memref<10240x64xf32, #tpu.memory_space<vmem_shared>>) offsets(%dma_start3A_646 : memref<128xi32, #tpu.memory_space<vmem>>) semaphore(%run_scoped3A : memref<!tpu.dma_semaphore, #tpu.memory_space<semaphore_mem>>) {add = true}
        %dma_wait3A_650 = arith.constant 0 : i32
        %dma_wait3A_651 = tpu.memref_slice %arg15[%add3A_218, %dma_wait3A_650] : memref<84x128xi32, #tpu.memory_space<vmem>> -> memref<1x128xi32, #tpu.memory_space<vmem>>
        %dma_wait3A_652 = tpu.memref_squeeze %dma_wait3A_651 : memref<1x128xi32, #tpu.memory_space<vmem>> -> memref<128xi32, #tpu.memory_space<vmem>>
        %dma_wait3A_653 = arith.constant 0 : i32
        %dma_wait3A_654 = arith.constant 0 : i32
        %dma_wait3A_655 = tpu.memref_slice %arg22[%dma_wait3A_653, %dma_wait3A_654] : memref<10240x64xf32, #tpu.memory_space<vmem_shared>> -> memref<10240x64xf32, #tpu.memory_space<vmem_shared>>
        tpu.wait_indirect_dma semaphore(%run_scoped3A : memref<!tpu.dma_semaphore, #tpu.memory_space<semaphore_mem>>) src(%arg18 : memref<128x64xf32, #tpu.memory_space<vmem>>) dst(%dma_wait3A_655 : memref<10240x64xf32, #tpu.memory_space<vmem_shared>>)
        tpu.yield
      }) : () -> ()
      "tpu.region"() ({
        %run_scoped3A = tpu.sem_alloc : memref<!tpu.dma_semaphore, #tpu.memory_space<semaphore_mem>>
        %dma_start3A_644 = arith.constant 0 : i32
        %dma_start3A_645 = tpu.memref_slice %arg15[%add3A_218, %dma_start3A_644] : memref<84x128xi32, #tpu.memory_space<vmem>> -> memref<1x128xi32, #tpu.memory_space<vmem>>
        %dma_start3A_646 = tpu.memref_squeeze %dma_start3A_645 : memref<1x128xi32, #tpu.memory_space<vmem>> -> memref<128xi32, #tpu.memory_space<vmem>>
        %dma_start3A_647 = arith.constant 0 : i32
        %dma_start3A_648 = tpu.memref_slice %arg23[%dma_start3A_647] : memref<10240xf32, #tpu.memory_space<vmem_shared>> -> memref<10240xf32, #tpu.memory_space<vmem_shared>>
        tpu.enqueue_indirect_dma source(%arg17 : memref<128xf32, #tpu.memory_space<vmem>>) target(%dma_start3A_648 : memref<10240xf32, #tpu.memory_space<vmem_shared>>) offsets(%dma_start3A_646 : memref<128xi32, #tpu.memory_space<vmem>>) semaphore(%run_scoped3A : memref<!tpu.dma_semaphore, #tpu.memory_space<semaphore_mem>>) {add = true}
        %dma_wait3A_649 = arith.constant 0 : i32
        %dma_wait3A_650 = tpu.memref_slice %arg15[%add3A_218, %dma_wait3A_649] : memref<84x128xi32, #tpu.memory_space<vmem>> -> memref<1x128xi32, #tpu.memory_space<vmem>>
        %dma_wait3A_651 = tpu.memref_squeeze %dma_wait3A_650 : memref<1x128xi32, #tpu.memory_space<vmem>> -> memref<128xi32, #tpu.memory_space<vmem>>
        %dma_wait3A_652 = arith.constant 0 : i32
        %dma_wait3A_653 = tpu.memref_slice %arg23[%dma_wait3A_652] : memref<10240xf32, #tpu.memory_space<vmem_shared>> -> memref<10240xf32, #tpu.memory_space<vmem_shared>>
        tpu.wait_indirect_dma semaphore(%run_scoped3A : memref<!tpu.dma_semaphore, #tpu.memory_space<semaphore_mem>>) src(%arg17 : memref<128xf32, #tpu.memory_space<vmem>>) dst(%dma_wait3A_653 : memref<10240xf32, #tpu.memory_space<vmem_shared>>)
        tpu.yield
      }) : () -> ()
      %add3A_418 = arith.constant 2 : i32
      %add3A_419 = arith.addi %add3A_218, %add3A_418 : i32
      %dma_start3A_420 = arith.constant 0 : i32
      %dma_start3A_421 = tpu.memref_slice %arg14[%add3A_419, %dma_start3A_420] : memref<84x128xi32, #tpu.memory_space<vmem>> -> memref<1x128xi32, #tpu.memory_space<vmem>>
      %dma_start3A_422 = tpu.memref_squeeze %dma_start3A_421 : memref<1x128xi32, #tpu.memory_space<vmem>> -> memref<128xi32, #tpu.memory_space<vmem>>
      %dma_start3A_423 = arith.constant 0 : i32
      %dma_start3A_424 = arith.constant 0 : i32
      %dma_start3A_425 = tpu.memref_slice %arg2[%dma_start3A_423, %dma_start3A_424] : memref<10240x64xf32, #tpu.memory_space<hbm>> -> memref<10240x64xf32, #tpu.memory_space<hbm>>
      tpu.enqueue_indirect_dma source(%dma_start3A_425 : memref<10240x64xf32, #tpu.memory_space<hbm>>) target(%arg18 : memref<128x64xf32, #tpu.memory_space<vmem>>) offsets(%dma_start3A_422 : memref<128xi32, #tpu.memory_space<vmem>>) semaphore(%arg24 : memref<!tpu.dma_semaphore, #tpu.memory_space<semaphore_mem>>)
      %mul3A_426 = arith.constant 2 : i32
      %mul3A_427 = arith.muli %mul3A_426, %scan3A_213 : i32
      %add3A_428 = arith.constant 1 : i32
      %add3A_429 = arith.addi %mul3A_427, %add3A_428 : i32
      %dma_wait3A_430 = arith.constant 0 : i32
      %dma_wait3A_431 = tpu.memref_slice %arg14[%add3A_429, %dma_wait3A_430] : memref<84x128xi32, #tpu.memory_space<vmem>> -> memref<1x128xi32, #tpu.memory_space<vmem>>
      %dma_wait3A_432 = tpu.memref_squeeze %dma_wait3A_431 : memref<1x128xi32, #tpu.memory_space<vmem>> -> memref<128xi32, #tpu.memory_space<vmem>>
      %dma_wait3A_433 = arith.constant 0 : i32
      %dma_wait3A_434 = arith.constant 0 : i32
      %dma_wait3A_435 = tpu.memref_slice %arg2[%dma_wait3A_433, %dma_wait3A_434] : memref<10240x64xf32, #tpu.memory_space<hbm>> -> memref<10240x64xf32, #tpu.memory_space<hbm>>
      tpu.wait_indirect_dma semaphore(%arg25 : memref<!tpu.dma_semaphore, #tpu.memory_space<semaphore_mem>>) src(%dma_wait3A_435 : memref<10240x64xf32, #tpu.memory_space<hbm>>) dst(%arg19 : memref<128x64xf32, #tpu.memory_space<vmem>>)
      %get3A_436 = arith.index_cast %add3A_429 : i32 to index
      %get3A_437 = arith.constant 0 : index
      %get3A_438 = tpu.vector_load %arg14[%get3A_436, %get3A_437] {strides = array<i32>} : memref<84x128xi32, #tpu.memory_space<vmem>>, vector<16xi32>,
      %get3A_439 = arith.index_cast %add3A_429 : i32 to index
      %get3A_440 = arith.constant 0 : index
      %get3A_441 = tpu.vector_load %arg15[%get3A_439, %get3A_440] {strides = array<i32>} : memref<84x128xi32, #tpu.memory_space<vmem>>, vector<16xi32>,
      %gather3A_442 = tpu.vector_load_idx %arg11[%get3A_438] : memref<10240xf32, #tpu.memory_space<vmem>>[vector<16xi32>], vector<16xf32>,
      %gather3A_443 = tpu.vector_load_idx %arg12[%get3A_441] : memref<10240xf32, #tpu.memory_space<vmem>>[vector<16xi32>], vector<16xf32>,
      %add3A_444 = arith.addf %gather3A_442, %gather3A_443 : vector<16xf32>
      %ge3A_445 = arith.constant 0.000000e+00 : f32
      %ge3A_446 = vector.broadcast %ge3A_445 : f32 to vector<16xf32>
      %ge3A_447 = arith.cmpf oge, %add3A_444, %ge3A_446 : vector<16xf32>
      %mul3A_448 = arith.constant 2.000000e-01 : f32
      %mul3A_449 = vector.broadcast %mul3A_448 : f32 to vector<16xf32>
      %mul3A_450 = arith.mulf %mul3A_449, %add3A_444 : vector<16xf32>
      %select_n3A_451 = arith.select %ge3A_447, %add3A_444, %mul3A_450 : vector<16xi1>, vector<16xf32>
      %sub3A_452 = arith.subf %select_n3A_451, %get3A_176 : vector<16xf32>
      %exp3A_453 = math.exp %sub3A_452 : vector<16xf32>
      %get3A_454 = arith.index_cast %add3A_429 : i32 to index
      %get3A_455 = arith.constant 0 : index
      %get3A_456 = tpu.vector_load %arg16[%get3A_454, %get3A_455] {strides = array<i32>} : memref<84x128xf32, #tpu.memory_space<vmem>>, vector<16xf32>,
      %mul3A_457 = arith.mulf %exp3A_453, %get3A_456 : vector<16xf32>
      %swap3A_458 = arith.constant 0 : index
      %swap3A_459 = tpu.vector_load %arg17[%swap3A_458] {strides = array<i32>} : memref<128xf32, #tpu.memory_space<vmem>>, vector<16xf32>,
      tpu.vector_store %arg17[%swap3A_458], %mul3A_457 {strides = array<i32>} : memref<128xf32, #tpu.memory_space<vmem>>, vector<16xf32>,
      %get3A_460 = arith.index_cast %add3A_429 : i32 to index
      %get3A_461 = arith.constant 16 : index
      %get3A_462 = tpu.vector_load %arg14[%get3A_460, %get3A_461] {strides = array<i32>} : memref<84x128xi32, #tpu.memory_space<vmem>>, vector<16xi32>,
      %get3A_463 = arith.index_cast %add3A_429 : i32 to index
      %get3A_464 = arith.constant 16 : index
      %get3A_465 = tpu.vector_load %arg15[%get3A_463, %get3A_464] {strides = array<i32>} : memref<84x128xi32, #tpu.memory_space<vmem>>, vector<16xi32>,
      %gather3A_466 = tpu.vector_load_idx %arg11[%get3A_462] : memref<10240xf32, #tpu.memory_space<vmem>>[vector<16xi32>], vector<16xf32>,
      %gather3A_467 = tpu.vector_load_idx %arg12[%get3A_465] : memref<10240xf32, #tpu.memory_space<vmem>>[vector<16xi32>], vector<16xf32>,
      %add3A_468 = arith.addf %gather3A_466, %gather3A_467 : vector<16xf32>
      %ge3A_469 = arith.constant 0.000000e+00 : f32
      %ge3A_470 = vector.broadcast %ge3A_469 : f32 to vector<16xf32>
      %ge3A_471 = arith.cmpf oge, %add3A_468, %ge3A_470 : vector<16xf32>
      %mul3A_472 = arith.constant 2.000000e-01 : f32
      %mul3A_473 = vector.broadcast %mul3A_472 : f32 to vector<16xf32>
      %mul3A_474 = arith.mulf %mul3A_473, %add3A_468 : vector<16xf32>
      %select_n3A_475 = arith.select %ge3A_471, %add3A_468, %mul3A_474 : vector<16xi1>, vector<16xf32>
      %sub3A_476 = arith.subf %select_n3A_475, %get3A_176 : vector<16xf32>
      %exp3A_477 = math.exp %sub3A_476 : vector<16xf32>
      %get3A_478 = arith.index_cast %add3A_429 : i32 to index
      %get3A_479 = arith.constant 16 : index
      %get3A_480 = tpu.vector_load %arg16[%get3A_478, %get3A_479] {strides = array<i32>} : memref<84x128xf32, #tpu.memory_space<vmem>>, vector<16xf32>,
      %mul3A_481 = arith.mulf %exp3A_477, %get3A_480 : vector<16xf32>
      %swap3A_482 = arith.constant 16 : index
      %swap3A_483 = tpu.vector_load %arg17[%swap3A_482] {strides = array<i32>} : memref<128xf32, #tpu.memory_space<vmem>>, vector<16xf32>,
      tpu.vector_store %arg17[%swap3A_482], %mul3A_481 {strides = array<i32>} : memref<128xf32, #tpu.memory_space<vmem>>, vector<16xf32>,
      %get3A_484 = arith.index_cast %add3A_429 : i32 to index
      %get3A_485 = arith.constant 32 : index
      %get3A_486 = tpu.vector_load %arg14[%get3A_484, %get3A_485] {strides = array<i32>} : memref<84x128xi32, #tpu.memory_space<vmem>>, vector<16xi32>,
      %get3A_487 = arith.index_cast %add3A_429 : i32 to index
      %get3A_488 = arith.constant 32 : index
      %get3A_489 = tpu.vector_load %arg15[%get3A_487, %get3A_488] {strides = array<i32>} : memref<84x128xi32, #tpu.memory_space<vmem>>, vector<16xi32>,
      %gather3A_490 = tpu.vector_load_idx %arg11[%get3A_486] : memref<10240xf32, #tpu.memory_space<vmem>>[vector<16xi32>], vector<16xf32>,
      %gather3A_491 = tpu.vector_load_idx %arg12[%get3A_489] : memref<10240xf32, #tpu.memory_space<vmem>>[vector<16xi32>], vector<16xf32>,
      %add3A_492 = arith.addf %gather3A_490, %gather3A_491 : vector<16xf32>
      %ge3A_493 = arith.constant 0.000000e+00 : f32
      %ge3A_494 = vector.broadcast %ge3A_493 : f32 to vector<16xf32>
      %ge3A_495 = arith.cmpf oge, %add3A_492, %ge3A_494 : vector<16xf32>
      %mul3A_496 = arith.constant 2.000000e-01 : f32
      %mul3A_497 = vector.broadcast %mul3A_496 : f32 to vector<16xf32>
      %mul3A_498 = arith.mulf %mul3A_497, %add3A_492 : vector<16xf32>
      %select_n3A_499 = arith.select %ge3A_495, %add3A_492, %mul3A_498 : vector<16xi1>, vector<16xf32>
      %sub3A_500 = arith.subf %select_n3A_499, %get3A_176 : vector<16xf32>
      %exp3A_501 = math.exp %sub3A_500 : vector<16xf32>
      %get3A_502 = arith.index_cast %add3A_429 : i32 to index
      %get3A_503 = arith.constant 32 : index
      %get3A_504 = tpu.vector_load %arg16[%get3A_502, %get3A_503] {strides = array<i32>} : memref<84x128xf32, #tpu.memory_space<vmem>>, vector<16xf32>,
      %mul3A_505 = arith.mulf %exp3A_501, %get3A_504 : vector<16xf32>
      %swap3A_506 = arith.constant 32 : index
      %swap3A_507 = tpu.vector_load %arg17[%swap3A_506] {strides = array<i32>} : memref<128xf32, #tpu.memory_space<vmem>>, vector<16xf32>,
      tpu.vector_store %arg17[%swap3A_506], %mul3A_505 {strides = array<i32>} : memref<128xf32, #tpu.memory_space<vmem>>, vector<16xf32>,
      %get3A_508 = arith.index_cast %add3A_429 : i32 to index
      %get3A_509 = arith.constant 48 : index
      %get3A_510 = tpu.vector_load %arg14[%get3A_508, %get3A_509] {strides = array<i32>} : memref<84x128xi32, #tpu.memory_space<vmem>>, vector<16xi32>,
      %get3A_511 = arith.index_cast %add3A_429 : i32 to index
      %get3A_512 = arith.constant 48 : index
      %get3A_513 = tpu.vector_load %arg15[%get3A_511, %get3A_512] {strides = array<i32>} : memref<84x128xi32, #tpu.memory_space<vmem>>, vector<16xi32>,
      %gather3A_514 = tpu.vector_load_idx %arg11[%get3A_510] : memref<10240xf32, #tpu.memory_space<vmem>>[vector<16xi32>], vector<16xf32>,
      %gather3A_515 = tpu.vector_load_idx %arg12[%get3A_513] : memref<10240xf32, #tpu.memory_space<vmem>>[vector<16xi32>], vector<16xf32>,
      %add3A_516 = arith.addf %gather3A_514, %gather3A_515 : vector<16xf32>
      %ge3A_517 = arith.constant 0.000000e+00 : f32
      %ge3A_518 = vector.broadcast %ge3A_517 : f32 to vector<16xf32>
      %ge3A_519 = arith.cmpf oge, %add3A_516, %ge3A_518 : vector<16xf32>
      %mul3A_520 = arith.constant 2.000000e-01 : f32
      %mul3A_521 = vector.broadcast %mul3A_520 : f32 to vector<16xf32>
      %mul3A_522 = arith.mulf %mul3A_521, %add3A_516 : vector<16xf32>
      %select_n3A_523 = arith.select %ge3A_519, %add3A_516, %mul3A_522 : vector<16xi1>, vector<16xf32>
      %sub3A_524 = arith.subf %select_n3A_523, %get3A_176 : vector<16xf32>
      %exp3A_525 = math.exp %sub3A_524 : vector<16xf32>
      %get3A_526 = arith.index_cast %add3A_429 : i32 to index
      %get3A_527 = arith.constant 48 : index
      %get3A_528 = tpu.vector_load %arg16[%get3A_526, %get3A_527] {strides = array<i32>} : memref<84x128xf32, #tpu.memory_space<vmem>>, vector<16xf32>,
      %mul3A_529 = arith.mulf %exp3A_525, %get3A_528 : vector<16xf32>
      %swap3A_530 = arith.constant 48 : index
      %swap3A_531 = tpu.vector_load %arg17[%swap3A_530] {strides = array<i32>} : memref<128xf32, #tpu.memory_space<vmem>>, vector<16xf32>,
      tpu.vector_store %arg17[%swap3A_530], %mul3A_529 {strides = array<i32>} : memref<128xf32, #tpu.memory_space<vmem>>, vector<16xf32>,
      %get3A_532 = arith.index_cast %add3A_429 : i32 to index
      %get3A_533 = arith.constant 64 : index
      %get3A_534 = tpu.vector_load %arg14[%get3A_532, %get3A_533] {strides = array<i32>} : memref<84x128xi32, #tpu.memory_space<vmem>>, vector<16xi32>,
      %get3A_535 = arith.index_cast %add3A_429 : i32 to index
      %get3A_536 = arith.constant 64 : index
      %get3A_537 = tpu.vector_load %arg15[%get3A_535, %get3A_536] {strides = array<i32>} : memref<84x128xi32, #tpu.memory_space<vmem>>, vector<16xi32>,
      %gather3A_538 = tpu.vector_load_idx %arg11[%get3A_534] : memref<10240xf32, #tpu.memory_space<vmem>>[vector<16xi32>], vector<16xf32>,
      %gather3A_539 = tpu.vector_load_idx %arg12[%get3A_537] : memref<10240xf32, #tpu.memory_space<vmem>>[vector<16xi32>], vector<16xf32>,
      %add3A_540 = arith.addf %gather3A_538, %gather3A_539 : vector<16xf32>
      %ge3A_541 = arith.constant 0.000000e+00 : f32
      %ge3A_542 = vector.broadcast %ge3A_541 : f32 to vector<16xf32>
      %ge3A_543 = arith.cmpf oge, %add3A_540, %ge3A_542 : vector<16xf32>
      %mul3A_544 = arith.constant 2.000000e-01 : f32
      %mul3A_545 = vector.broadcast %mul3A_544 : f32 to vector<16xf32>
      %mul3A_546 = arith.mulf %mul3A_545, %add3A_540 : vector<16xf32>
      %select_n3A_547 = arith.select %ge3A_543, %add3A_540, %mul3A_546 : vector<16xi1>, vector<16xf32>
      %sub3A_548 = arith.subf %select_n3A_547, %get3A_176 : vector<16xf32>
      %exp3A_549 = math.exp %sub3A_548 : vector<16xf32>
      %get3A_550 = arith.index_cast %add3A_429 : i32 to index
      %get3A_551 = arith.constant 64 : index
      %get3A_552 = tpu.vector_load %arg16[%get3A_550, %get3A_551] {strides = array<i32>} : memref<84x128xf32, #tpu.memory_space<vmem>>, vector<16xf32>,
      %mul3A_553 = arith.mulf %exp3A_549, %get3A_552 : vector<16xf32>
      %swap3A_554 = arith.constant 64 : index
      %swap3A_555 = tpu.vector_load %arg17[%swap3A_554] {strides = array<i32>} : memref<128xf32, #tpu.memory_space<vmem>>, vector<16xf32>,
      tpu.vector_store %arg17[%swap3A_554], %mul3A_553 {strides = array<i32>} : memref<128xf32, #tpu.memory_space<vmem>>, vector<16xf32>,
      %get3A_556 = arith.index_cast %add3A_429 : i32 to index
      %get3A_557 = arith.constant 80 : index
      %get3A_558 = tpu.vector_load %arg14[%get3A_556, %get3A_557] {strides = array<i32>} : memref<84x128xi32, #tpu.memory_space<vmem>>, vector<16xi32>,
      %get3A_559 = arith.index_cast %add3A_429 : i32 to index
      %get3A_560 = arith.constant 80 : index
      %get3A_561 = tpu.vector_load %arg15[%get3A_559, %get3A_560] {strides = array<i32>} : memref<84x128xi32, #tpu.memory_space<vmem>>, vector<16xi32>,
      %gather3A_562 = tpu.vector_load_idx %arg11[%get3A_558] : memref<10240xf32, #tpu.memory_space<vmem>>[vector<16xi32>], vector<16xf32>,
      %gather3A_563 = tpu.vector_load_idx %arg12[%get3A_561] : memref<10240xf32, #tpu.memory_space<vmem>>[vector<16xi32>], vector<16xf32>,
      %add3A_564 = arith.addf %gather3A_562, %gather3A_563 : vector<16xf32>
      %ge3A_565 = arith.constant 0.000000e+00 : f32
      %ge3A_566 = vector.broadcast %ge3A_565 : f32 to vector<16xf32>
      %ge3A_567 = arith.cmpf oge, %add3A_564, %ge3A_566 : vector<16xf32>
      %mul3A_568 = arith.constant 2.000000e-01 : f32
      %mul3A_569 = vector.broadcast %mul3A_568 : f32 to vector<16xf32>
      %mul3A_570 = arith.mulf %mul3A_569, %add3A_564 : vector<16xf32>
      %select_n3A_571 = arith.select %ge3A_567, %add3A_564, %mul3A_570 : vector<16xi1>, vector<16xf32>
      %sub3A_572 = arith.subf %select_n3A_571, %get3A_176 : vector<16xf32>
      %exp3A_573 = math.exp %sub3A_572 : vector<16xf32>
      %get3A_574 = arith.index_cast %add3A_429 : i32 to index
      %get3A_575 = arith.constant 80 : index
      %get3A_576 = tpu.vector_load %arg16[%get3A_574, %get3A_575] {strides = array<i32>} : memref<84x128xf32, #tpu.memory_space<vmem>>, vector<16xf32>,
      %mul3A_577 = arith.mulf %exp3A_573, %get3A_576 : vector<16xf32>
      %swap3A_578 = arith.constant 80 : index
      %swap3A_579 = tpu.vector_load %arg17[%swap3A_578] {strides = array<i32>} : memref<128xf32, #tpu.memory_space<vmem>>, vector<16xf32>,
      tpu.vector_store %arg17[%swap3A_578], %mul3A_577 {strides = array<i32>} : memref<128xf32, #tpu.memory_space<vmem>>, vector<16xf32>,
      %get3A_580 = arith.index_cast %add3A_429 : i32 to index
      %get3A_581 = arith.constant 96 : index
      %get3A_582 = tpu.vector_load %arg14[%get3A_580, %get3A_581] {strides = array<i32>} : memref<84x128xi32, #tpu.memory_space<vmem>>, vector<16xi32>,
      %get3A_583 = arith.index_cast %add3A_429 : i32 to index
      %get3A_584 = arith.constant 96 : index
      %get3A_585 = tpu.vector_load %arg15[%get3A_583, %get3A_584] {strides = array<i32>} : memref<84x128xi32, #tpu.memory_space<vmem>>, vector<16xi32>,
      %gather3A_586 = tpu.vector_load_idx %arg11[%get3A_582] : memref<10240xf32, #tpu.memory_space<vmem>>[vector<16xi32>], vector<16xf32>,
      %gather3A_587 = tpu.vector_load_idx %arg12[%get3A_585] : memref<10240xf32, #tpu.memory_space<vmem>>[vector<16xi32>], vector<16xf32>,
      %add3A_588 = arith.addf %gather3A_586, %gather3A_587 : vector<16xf32>
      %ge3A_589 = arith.constant 0.000000e+00 : f32
      %ge3A_590 = vector.broadcast %ge3A_589 : f32 to vector<16xf32>
      %ge3A_591 = arith.cmpf oge, %add3A_588, %ge3A_590 : vector<16xf32>
      %mul3A_592 = arith.constant 2.000000e-01 : f32
      %mul3A_593 = vector.broadcast %mul3A_592 : f32 to vector<16xf32>
      %mul3A_594 = arith.mulf %mul3A_593, %add3A_588 : vector<16xf32>
      %select_n3A_595 = arith.select %ge3A_591, %add3A_588, %mul3A_594 : vector<16xi1>, vector<16xf32>
      %sub3A_596 = arith.subf %select_n3A_595, %get3A_176 : vector<16xf32>
      %exp3A_597 = math.exp %sub3A_596 : vector<16xf32>
      %get3A_598 = arith.index_cast %add3A_429 : i32 to index
      %get3A_599 = arith.constant 96 : index
      %get3A_600 = tpu.vector_load %arg16[%get3A_598, %get3A_599] {strides = array<i32>} : memref<84x128xf32, #tpu.memory_space<vmem>>, vector<16xf32>,
      %mul3A_601 = arith.mulf %exp3A_597, %get3A_600 : vector<16xf32>
      %swap3A_602 = arith.constant 96 : index
      %swap3A_603 = tpu.vector_load %arg17[%swap3A_602] {strides = array<i32>} : memref<128xf32, #tpu.memory_space<vmem>>, vector<16xf32>,
      tpu.vector_store %arg17[%swap3A_602], %mul3A_601 {strides = array<i32>} : memref<128xf32, #tpu.memory_space<vmem>>, vector<16xf32>,
      %get3A_604 = arith.index_cast %add3A_429 : i32 to index
      %get3A_605 = arith.constant 112 : index
      %get3A_606 = tpu.vector_load %arg14[%get3A_604, %get3A_605] {strides = array<i32>} : memref<84x128xi32, #tpu.memory_space<vmem>>, vector<16xi32>,
      %get3A_607 = arith.index_cast %add3A_429 : i32 to index
      %get3A_608 = arith.constant 112 : index
      %get3A_609 = tpu.vector_load %arg15[%get3A_607, %get3A_608] {strides = array<i32>} : memref<84x128xi32, #tpu.memory_space<vmem>>, vector<16xi32>,
      %gather3A_610 = tpu.vector_load_idx %arg11[%get3A_606] : memref<10240xf32, #tpu.memory_space<vmem>>[vector<16xi32>], vector<16xf32>,
      %gather3A_611 = tpu.vector_load_idx %arg12[%get3A_609] : memref<10240xf32, #tpu.memory_space<vmem>>[vector<16xi32>], vector<16xf32>,
      %add3A_612 = arith.addf %gather3A_610, %gather3A_611 : vector<16xf32>
      %ge3A_613 = arith.constant 0.000000e+00 : f32
      %ge3A_614 = vector.broadcast %ge3A_613 : f32 to vector<16xf32>
      %ge3A_615 = arith.cmpf oge, %add3A_612, %ge3A_614 : vector<16xf32>
      %mul3A_616 = arith.constant 2.000000e-01 : f32
      %mul3A_617 = vector.broadcast %mul3A_616 : f32 to vector<16xf32>
      %mul3A_618 = arith.mulf %mul3A_617, %add3A_612 : vector<16xf32>
      %select_n3A_619 = arith.select %ge3A_615, %add3A_612, %mul3A_618 : vector<16xi1>, vector<16xf32>
      %sub3A_620 = arith.subf %select_n3A_619, %get3A_176 : vector<16xf32>
      %exp3A_621 = math.exp %sub3A_620 : vector<16xf32>
      %get3A_622 = arith.index_cast %add3A_429 : i32 to index
      %get3A_623 = arith.constant 112 : index
      %get3A_624 = tpu.vector_load %arg16[%get3A_622, %get3A_623] {strides = array<i32>} : memref<84x128xf32, #tpu.memory_space<vmem>>, vector<16xf32>,
      %mul3A_625 = arith.mulf %exp3A_621, %get3A_624 : vector<16xf32>
      %swap3A_626 = arith.constant 112 : index
      %swap3A_627 = tpu.vector_load %arg17[%swap3A_626] {strides = array<i32>} : memref<128xf32, #tpu.memory_space<vmem>>, vector<16xf32>,
      tpu.vector_store %arg17[%swap3A_626], %mul3A_625 {strides = array<i32>} : memref<128xf32, #tpu.memory_space<vmem>>, vector<16xf32>,
      %scan3A_628 = arith.constant 0 : i32
      %scan3A_629 = arith.constant 0 : i32
      %scan3A_630 = arith.constant 128 : i32
      %scan3A_631 = arith.addi %scan3A_629, %scan3A_630 : i32
      %scan3A_632 = arith.constant 1 : i32
      %scan3A_633 = scf.for %scan3A_644 = %scan3A_629 to %scan3A_631 step %scan3A_632 iter_args(%scan3A_645 = %scan3A_628) -> (i32)  : i32 {
        %broadcast_in_dim3A = vector.broadcast %scan3A_644 : i32 to vector<16xi32>
        %gather3A_646 = tpu.vector_load_idx %arg17[%broadcast_in_dim3A] : memref<128xf32, #tpu.memory_space<vmem>>[vector<16xi32>], vector<16xf32>,
        %get3A_647 = arith.index_cast %scan3A_644 : i32 to index
        %get3A_648 = arith.constant 0 : index
        %get3A_649 = tpu.vector_load %arg19[%get3A_647, %get3A_648] {strides = array<i32>} : memref<128x64xf32, #tpu.memory_space<vmem>>, vector<16xf32>,
        %mul3A_650 = arith.mulf %get3A_649, %gather3A_646 : vector<16xf32>
        %swap3A_651 = arith.index_cast %scan3A_644 : i32 to index
        %swap3A_652 = arith.constant 0 : index
        %swap3A_653 = tpu.vector_load %arg19[%swap3A_651, %swap3A_652] {strides = array<i32>} : memref<128x64xf32, #tpu.memory_space<vmem>>, vector<16xf32>,
        tpu.vector_store %arg19[%swap3A_651, %swap3A_652], %mul3A_650 {strides = array<i32>} : memref<128x64xf32, #tpu.memory_space<vmem>>, vector<16xf32>,
        %get3A_654 = arith.index_cast %scan3A_644 : i32 to index
        %get3A_655 = arith.constant 16 : index
        %get3A_656 = tpu.vector_load %arg19[%get3A_654, %get3A_655] {strides = array<i32>} : memref<128x64xf32, #tpu.memory_space<vmem>>, vector<16xf32>,
        %mul3A_657 = arith.mulf %get3A_656, %gather3A_646 : vector<16xf32>
        %swap3A_658 = arith.index_cast %scan3A_644 : i32 to index
        %swap3A_659 = arith.constant 16 : index
        %swap3A_660 = tpu.vector_load %arg19[%swap3A_658, %swap3A_659] {strides = array<i32>} : memref<128x64xf32, #tpu.memory_space<vmem>>, vector<16xf32>,
        tpu.vector_store %arg19[%swap3A_658, %swap3A_659], %mul3A_657 {strides = array<i32>} : memref<128x64xf32, #tpu.memory_space<vmem>>, vector<16xf32>,
        %get3A_661 = arith.index_cast %scan3A_644 : i32 to index
        %get3A_662 = arith.constant 32 : index
        %get3A_663 = tpu.vector_load %arg19[%get3A_661, %get3A_662] {strides = array<i32>} : memref<128x64xf32, #tpu.memory_space<vmem>>, vector<16xf32>,
        %mul3A_664 = arith.mulf %get3A_663, %gather3A_646 : vector<16xf32>
        %swap3A_665 = arith.index_cast %scan3A_644 : i32 to index
        %swap3A_666 = arith.constant 32 : index
        %swap3A_667 = tpu.vector_load %arg19[%swap3A_665, %swap3A_666] {strides = array<i32>} : memref<128x64xf32, #tpu.memory_space<vmem>>, vector<16xf32>,
        tpu.vector_store %arg19[%swap3A_665, %swap3A_666], %mul3A_664 {strides = array<i32>} : memref<128x64xf32, #tpu.memory_space<vmem>>, vector<16xf32>,
        %get3A_668 = arith.index_cast %scan3A_644 : i32 to index
        %get3A_669 = arith.constant 48 : index
        %get3A_670 = tpu.vector_load %arg19[%get3A_668, %get3A_669] {strides = array<i32>} : memref<128x64xf32, #tpu.memory_space<vmem>>, vector<16xf32>,
        %mul3A_671 = arith.mulf %get3A_670, %gather3A_646 : vector<16xf32>
        %swap3A_672 = arith.index_cast %scan3A_644 : i32 to index
        %swap3A_673 = arith.constant 48 : index
        %swap3A_674 = tpu.vector_load %arg19[%swap3A_672, %swap3A_673] {strides = array<i32>} : memref<128x64xf32, #tpu.memory_space<vmem>>, vector<16xf32>,
        tpu.vector_store %arg19[%swap3A_672, %swap3A_673], %mul3A_671 {strides = array<i32>} : memref<128x64xf32, #tpu.memory_space<vmem>>, vector<16xf32>,
        %scan3A_675 = arith.constant 0 : i32
        scf.yield %scan3A_675 : i32
      }
      %scan3A_634 = arith.constant 128 : i32
      "tpu.region"() ({
        %run_scoped3A = tpu.sem_alloc : memref<!tpu.dma_semaphore, #tpu.memory_space<semaphore_mem>>
        %dma_start3A_644 = arith.constant 0 : i32
        %dma_start3A_645 = tpu.memref_slice %arg15[%add3A_429, %dma_start3A_644] : memref<84x128xi32, #tpu.memory_space<vmem>> -> memref<1x128xi32, #tpu.memory_space<vmem>>
        %dma_start3A_646 = tpu.memref_squeeze %dma_start3A_645 : memref<1x128xi32, #tpu.memory_space<vmem>> -> memref<128xi32, #tpu.memory_space<vmem>>
        %dma_start3A_647 = arith.constant 0 : i32
        %dma_start3A_648 = arith.constant 0 : i32
        %dma_start3A_649 = tpu.memref_slice %arg22[%dma_start3A_647, %dma_start3A_648] : memref<10240x64xf32, #tpu.memory_space<vmem_shared>> -> memref<10240x64xf32, #tpu.memory_space<vmem_shared>>
        tpu.enqueue_indirect_dma source(%arg19 : memref<128x64xf32, #tpu.memory_space<vmem>>) target(%dma_start3A_649 : memref<10240x64xf32, #tpu.memory_space<vmem_shared>>) offsets(%dma_start3A_646 : memref<128xi32, #tpu.memory_space<vmem>>) semaphore(%run_scoped3A : memref<!tpu.dma_semaphore, #tpu.memory_space<semaphore_mem>>) {add = true}
        %dma_wait3A_650 = arith.constant 0 : i32
        %dma_wait3A_651 = tpu.memref_slice %arg15[%add3A_429, %dma_wait3A_650] : memref<84x128xi32, #tpu.memory_space<vmem>> -> memref<1x128xi32, #tpu.memory_space<vmem>>
        %dma_wait3A_652 = tpu.memref_squeeze %dma_wait3A_651 : memref<1x128xi32, #tpu.memory_space<vmem>> -> memref<128xi32, #tpu.memory_space<vmem>>
        %dma_wait3A_653 = arith.constant 0 : i32
        %dma_wait3A_654 = arith.constant 0 : i32
        %dma_wait3A_655 = tpu.memref_slice %arg22[%dma_wait3A_653, %dma_wait3A_654] : memref<10240x64xf32, #tpu.memory_space<vmem_shared>> -> memref<10240x64xf32, #tpu.memory_space<vmem_shared>>
        tpu.wait_indirect_dma semaphore(%run_scoped3A : memref<!tpu.dma_semaphore, #tpu.memory_space<semaphore_mem>>) src(%arg19 : memref<128x64xf32, #tpu.memory_space<vmem>>) dst(%dma_wait3A_655 : memref<10240x64xf32, #tpu.memory_space<vmem_shared>>)
        tpu.yield
      }) : () -> ()
      "tpu.region"() ({
        %run_scoped3A = tpu.sem_alloc : memref<!tpu.dma_semaphore, #tpu.memory_space<semaphore_mem>>
        %dma_start3A_644 = arith.constant 0 : i32
        %dma_start3A_645 = tpu.memref_slice %arg15[%add3A_429, %dma_start3A_644] : memref<84x128xi32, #tpu.memory_space<vmem>> -> memref<1x128xi32, #tpu.memory_space<vmem>>
        %dma_start3A_646 = tpu.memref_squeeze %dma_start3A_645 : memref<1x128xi32, #tpu.memory_space<vmem>> -> memref<128xi32, #tpu.memory_space<vmem>>
        %dma_start3A_647 = arith.constant 0 : i32
        %dma_start3A_648 = tpu.memref_slice %arg23[%dma_start3A_647] : memref<10240xf32, #tpu.memory_space<vmem_shared>> -> memref<10240xf32, #tpu.memory_space<vmem_shared>>
        tpu.enqueue_indirect_dma source(%arg17 : memref<128xf32, #tpu.memory_space<vmem>>) target(%dma_start3A_648 : memref<10240xf32, #tpu.memory_space<vmem_shared>>) offsets(%dma_start3A_646 : memref<128xi32, #tpu.memory_space<vmem>>) semaphore(%run_scoped3A : memref<!tpu.dma_semaphore, #tpu.memory_space<semaphore_mem>>) {add = true}
        %dma_wait3A_649 = arith.constant 0 : i32
        %dma_wait3A_650 = tpu.memref_slice %arg15[%add3A_429, %dma_wait3A_649] : memref<84x128xi32, #tpu.memory_space<vmem>> -> memref<1x128xi32, #tpu.memory_space<vmem>>
        %dma_wait3A_651 = tpu.memref_squeeze %dma_wait3A_650 : memref<1x128xi32, #tpu.memory_space<vmem>> -> memref<128xi32, #tpu.memory_space<vmem>>
        %dma_wait3A_652 = arith.constant 0 : i32
        %dma_wait3A_653 = tpu.memref_slice %arg23[%dma_wait3A_652] : memref<10240xf32, #tpu.memory_space<vmem_shared>> -> memref<10240xf32, #tpu.memory_space<vmem_shared>>
        tpu.wait_indirect_dma semaphore(%run_scoped3A : memref<!tpu.dma_semaphore, #tpu.memory_space<semaphore_mem>>) src(%arg17 : memref<128xf32, #tpu.memory_space<vmem>>) dst(%dma_wait3A_653 : memref<10240xf32, #tpu.memory_space<vmem_shared>>)
        tpu.yield
      }) : () -> ()
      %add3A_635 = arith.constant 2 : i32
      %add3A_636 = arith.addi %add3A_429, %add3A_635 : i32
      %dma_start3A_637 = arith.constant 0 : i32
      %dma_start3A_638 = tpu.memref_slice %arg14[%add3A_636, %dma_start3A_637] : memref<84x128xi32, #tpu.memory_space<vmem>> -> memref<1x128xi32, #tpu.memory_space<vmem>>
      %dma_start3A_639 = tpu.memref_squeeze %dma_start3A_638 : memref<1x128xi32, #tpu.memory_space<vmem>> -> memref<128xi32, #tpu.memory_space<vmem>>
      %dma_start3A_640 = arith.constant 0 : i32
      %dma_start3A_641 = arith.constant 0 : i32
      %dma_start3A_642 = tpu.memref_slice %arg2[%dma_start3A_640, %dma_start3A_641] : memref<10240x64xf32, #tpu.memory_space<hbm>> -> memref<10240x64xf32, #tpu.memory_space<hbm>>
      tpu.enqueue_indirect_dma source(%dma_start3A_642 : memref<10240x64xf32, #tpu.memory_space<hbm>>) target(%arg19 : memref<128x64xf32, #tpu.memory_space<vmem>>) offsets(%dma_start3A_639 : memref<128xi32, #tpu.memory_space<vmem>>) semaphore(%arg25 : memref<!tpu.dma_semaphore, #tpu.memory_space<semaphore_mem>>)
      %scan3A_643 = arith.constant 0 : i32
      scf.yield %scan3A_643 : i32
    }
    %scan3A_196 = arith.constant 41 : i32
    %dma_wait3A = arith.constant 0 : i32
    %dma_wait3A_197 = arith.constant 0 : i32
    %dma_wait3A_198 = tpu.memref_slice %arg14[%dma_wait3A, %dma_wait3A_197] : memref<84x128xi32, #tpu.memory_space<vmem>> -> memref<1x128xi32, #tpu.memory_space<vmem>>
    %dma_wait3A_199 = tpu.memref_squeeze %dma_wait3A_198 : memref<1x128xi32, #tpu.memory_space<vmem>> -> memref<128xi32, #tpu.memory_space<vmem>>
    %dma_wait3A_200 = arith.constant 0 : i32
    %dma_wait3A_201 = arith.constant 0 : i32
    %dma_wait3A_202 = tpu.memref_slice %arg2[%dma_wait3A_200, %dma_wait3A_201] : memref<10240x64xf32, #tpu.memory_space<hbm>> -> memref<10240x64xf32, #tpu.memory_space<hbm>>
    tpu.wait_indirect_dma semaphore(%arg24 : memref<!tpu.dma_semaphore, #tpu.memory_space<semaphore_mem>>) src(%dma_wait3A_202 : memref<10240x64xf32, #tpu.memory_space<hbm>>) dst(%arg18 : memref<128x64xf32, #tpu.memory_space<vmem>>)
    %dma_wait3A_203 = arith.constant 1 : i32
    %dma_wait3A_204 = arith.constant 0 : i32
    %dma_wait3A_205 = tpu.memref_slice %arg14[%dma_wait3A_203, %dma_wait3A_204] : memref<84x128xi32, #tpu.memory_space<vmem>> -> memref<1x128xi32, #tpu.memory_space<vmem>>
    %dma_wait3A_206 = tpu.memref_squeeze %dma_wait3A_205 : memref<1x128xi32, #tpu.memory_space<vmem>> -> memref<128xi32, #tpu.memory_space<vmem>>
    %dma_wait3A_207 = arith.constant 0 : i32
    %dma_wait3A_208 = arith.constant 0 : i32
    %dma_wait3A_209 = tpu.memref_slice %arg2[%dma_wait3A_207, %dma_wait3A_208] : memref<10240x64xf32, #tpu.memory_space<hbm>> -> memref<10240x64xf32, #tpu.memory_space<hbm>>
    tpu.wait_indirect_dma semaphore(%arg25 : memref<!tpu.dma_semaphore, #tpu.memory_space<semaphore_mem>>) src(%dma_wait3A_209 : memref<10240x64xf32, #tpu.memory_space<hbm>>) dst(%arg19 : memref<128x64xf32, #tpu.memory_space<vmem>>)
    %barrier3A_210 = arith.constant 0 : index
    tpu.barrier barrier_id(%barrier3A_210)
    %mul3A_211 = arith.constant 640 : i32
    %mul3A_212 = arith.muli %arg1, %mul3A_211 : i32
    "tpu.region"() ({
      %run_scoped3A = tpu.sem_alloc : memref<!tpu.dma_semaphore, #tpu.memory_space<semaphore_mem>>
      %dma_start3A_213 = arith.constant 0 : i32
      %dma_start3A_214 = tpu.memref_slice %arg9[%arg0, %mul3A_212, %dma_start3A_213] : memref<2x10240x64xf32, #tpu.memory_space<hbm>> -> memref<1x640x64xf32, #tpu.memory_space<hbm>>
      %dma_start3A_215 = tpu.memref_squeeze %dma_start3A_214 : memref<1x640x64xf32, #tpu.memory_space<hbm>> -> memref<640x64xf32, #tpu.memory_space<hbm>>
      %dma_start3A_216 = arith.constant 0 : i32
      %dma_start3A_217 = tpu.memref_slice %arg22[%mul3A_212, %dma_start3A_216] : memref<10240x64xf32, #tpu.memory_space<vmem_shared>> -> memref<640x64xf32, #tpu.memory_space<vmem_shared>>
      tpu.enqueue_dma source(%dma_start3A_217 : memref<640x64xf32, #tpu.memory_space<vmem_shared>>) target(%dma_start3A_215 : memref<640x64xf32, #tpu.memory_space<hbm>>) target_semaphore(%run_scoped3A : memref<!tpu.dma_semaphore, #tpu.memory_space<semaphore_mem>>)
      %dma_wait3A_218 = arith.constant 0 : i32
      %dma_wait3A_219 = tpu.memref_slice %arg9[%arg0, %mul3A_212, %dma_wait3A_218] : memref<2x10240x64xf32, #tpu.memory_space<hbm>> -> memref<1x640x64xf32, #tpu.memory_space<hbm>>
      %dma_wait3A_220 = tpu.memref_squeeze %dma_wait3A_219 : memref<1x640x64xf32, #tpu.memory_space<hbm>> -> memref<640x64xf32, #tpu.memory_space<hbm>>
      %dma_wait3A_221 = arith.constant 0 : i32
      %dma_wait3A_222 = tpu.memref_slice %arg22[%mul3A_212, %dma_wait3A_221] : memref<10240x64xf32, #tpu.memory_space<vmem_shared>> -> memref<640x64xf32, #tpu.memory_space<vmem_shared>>
      tpu.wait_dma2 semaphore(%run_scoped3A : memref<!tpu.dma_semaphore, #tpu.memory_space<semaphore_mem>>) src(%dma_wait3A_222 : memref<640x64xf32, #tpu.memory_space<vmem_shared>>) dst(%dma_wait3A_220 : memref<640x64xf32, #tpu.memory_space<hbm>>)
      tpu.yield
    }) : () -> ()
    "tpu.region"() ({
      %run_scoped3A = tpu.sem_alloc : memref<!tpu.dma_semaphore, #tpu.memory_space<semaphore_mem>>
      %dma_start3A_213 = tpu.memref_slice %arg10[%arg0, %mul3A_212] : memref<2x10240xf32, #tpu.memory_space<hbm>> -> memref<1x640xf32, #tpu.memory_space<hbm>>
      %dma_start3A_214 = tpu.memref_squeeze %dma_start3A_213 : memref<1x640xf32, #tpu.memory_space<hbm>> -> memref<640xf32, #tpu.memory_space<hbm>>
      %dma_start3A_215 = tpu.memref_slice %arg23[%mul3A_212] : memref<10240xf32, #tpu.memory_space<vmem_shared>> -> memref<640xf32, #tpu.memory_space<vmem_shared>>
      tpu.enqueue_dma source(%dma_start3A_215 : memref<640xf32, #tpu.memory_space<vmem_shared>>) target(%dma_start3A_214 : memref<640xf32, #tpu.memory_space<hbm>>) target_semaphore(%run_scoped3A : memref<!tpu.dma_semaphore, #tpu.memory_space<semaphore_mem>>)
      %dma_wait3A_216 = tpu.memref_slice %arg10[%arg0, %mul3A_212] : memref<2x10240xf32, #tpu.memory_space<hbm>> -> memref<1x640xf32, #tpu.memory_space<hbm>>
      %dma_wait3A_217 = tpu.memref_squeeze %dma_wait3A_216 : memref<1x640xf32, #tpu.memory_space<hbm>> -> memref<640xf32, #tpu.memory_space<hbm>>
      %dma_wait3A_218 = tpu.memref_slice %arg23[%mul3A_212] : memref<10240xf32, #tpu.memory_space<vmem_shared>> -> memref<640xf32, #tpu.memory_space<vmem_shared>>
      tpu.wait_dma2 semaphore(%run_scoped3A : memref<!tpu.dma_semaphore, #tpu.memory_space<semaphore_mem>>) src(%dma_wait3A_218 : memref<640xf32, #tpu.memory_space<vmem_shared>>) dst(%dma_wait3A_217 : memref<640xf32, #tpu.memory_space<hbm>>)
      tpu.yield
    }) : () -> ()
    return
  }
}

</mosaic_0001>

<sc_bundles>
// kernel: _sc_edge.3.cloned.1.call-start
scs
__scs_entry_jumppad:
0x0: {  	(pc) =	sbr.rel $0x88, $3  }
0x1: {  	(tag) =	ssettag $0x0;
	lr =	simm.s32 $0x1  }
0x2: {  	[smem:$0x3F9A] =	sst lr;
	_ =	strace $0xD0000000  }
0x3: {  	_ = 	snop  }
0x4: {  	_ = 	snop  }
0x5: {  	_ = 	snop  }
0x6: {  	_ = 	snop  }
0x7: {  	_ = 	snop  }
__scs_overlays_trampoline_lowered:
0x8: {  	[smem:$0x3FA9] =	sst s0  }
0x9: {  	[smem:$0x3FAA] =	sst s1  }
0xa: {  	[smem:$0x3FAB] =	sst s2  }
0xb: {  	[smem:$0x3FAC] =	sst s3  }
0xc: {  	[smem:$0x3FAD] =	sst s4  }
0xd: {  	[smem:$0x3FAE] =	sst s5  }
0xe: {  	[smem:$0x3FAF] =	sst s6  }
0xf: {  	[smem:$0x3FB0] =	sst s7  }
0x10: {  	[smem:$0x3FB1] =	sst s8  }
0x11: {  	[smem:$0x3FB2] =	sst s9;
	s0 =	simm.s32 @!p0 $0x0  }
0x12: {  	s1 =	sld [smem:$0x3F98];
	s0 =	simm.s32 @p0 $0x1  }
0x13: {  	[smem:$0x3FB3] =	sst s0;
	s0 =	simm.s32 @!p1 $0x0  }
0x14: {  	s2 =	sld [smem:$0x3F97];
	s0 =	simm.s32 @p1 $0x1  }
0x15: {  	[smem:$0x3FB4] =	sst s0;
	s0 =	simm.s32 @!p2 $0x0  }
0x16: {  	s3 =	sld [smem:$0x3FDB];
	s0 =	simm.s32 @p2 $0x1  }
0x17: {  	s4 =	simm.s32 $0x1BF5;
	[smem:$0x3FB6] =	sst s0  }
0x18: {  	s0 =	sld [smem:$0x3F99];
	_ =	swait.ge [sflag:s4], $0x0  }
0x19: {  	s7 =	sld [smem:$0x3F9A]  }
0x1a: {  	s8 =	sadd.s32 $0xFFFFE003, lr  }
0x1b: {  	s9 =	sadd.s32 $0xFFFFFEF7, lr;
	s5 =	simm.s32 $0xFFFFFFFF;
	p2 =	slt.u32 s8, $0xFFFFF086  }
0x1c: {  	p1 =	slt.u32 s9, $0xF7A;
	s5 =	simm.s32 @!p2 $0x0  }
0x1d: {  	s5 =	simm.s32 @p1 $0x1;
	p0 =	seq.s32 s7, s2  }
0x1e: {  	s7 =	smul.u32 @!p0 $0xF7A, s2;
	p2 =	seq.s32 @!p0 s5, $0x0  }
0x1f: {  	s9 =	smul.u32 $0xF7A, s1;
	s8 =	simm.s32 @!p0 $0x1BF5;
	p2 =	por !p2, p0  }
0x20: {  	[sflag:s8] =	ssyncset.s32 @!p0 $0xFFFFF086;
	s6 =	sadd.s32 @!p0 s3, s7;
	s7 =	simm.s32 @!p0 $0x108  }
0x21: {  	s3 =	sadd.s32 s3, s9;
	s6 =	sadd.s32 @!p0 $0x88, s6;
	s7 =	simm.s32 @p2 $0x1082  }
0x22: {  	[simem:s7], [sflag:s8] =	dma.local @!p0 [hbm:s6], $0xF7A  }
0x23: {  	s9 =	sor.u32 $0xD0000000, s2;
	s6 =	simm.s32 $0x108;
	_ =	swait.ge @!p0 [sflag:s8], $0x0  }
0x24: {  	s3 =	sadd.s32 $0x88, s3;
	s6 =	simm.s32 @!p1 $0x1082;
	[sflag:s4] =	ssyncset.s32 $0xFFFFF086  }
0x25: {  	[simem:s6], [sflag:s4] =	dma.local [hbm:s3], $0xF7A  }
0x26: {  	[smem:$0x3F9A] =	sst s1;
	(tag) =	ssettag s2;
	_ =	strace s9  }
0x27: {  	s1 =	sld [smem:$0x3FAA]  }
0x28: {  	s2 =	sld [smem:$0x3FAB]  }
0x29: {  	s4 =	sld [smem:$0x3FAD]  }
0x2a: {  	p0 =	seq.s32 s5, $0x0;
	s5 =	sld [smem:$0x3FAE]  }
0x2b: {  	s6 =	sld [smem:$0x3FAF]  }
0x2c: {  	s7 =	sld [smem:$0x3FB0]  }
0x2d: {  	s3 =	simm.s32 $0x108;
	s8 =	sld [smem:$0x3FB1]  }
0x2e: {  	s3 =	simm.s32 @!p0 $0x1082;
	s9 =	sld [smem:$0x3FB2]  }
0x2f: {  	lr =	sadd.s32 s0, s3;
	s0 =	sld [smem:$0x3FA9]  }
0x30: {  	s3 =	sld [smem:$0x3FAC]  }
0x31: {  	[smem:$0x3FB5] =	sst s10  }
0x32: {  	s10 =	sld [smem:$0x3FB3];
	_ =	sdelay $0x3  }
0x33: {  	p0 =	seq.s32 s10, $0x1;
	s10 =	sld [smem:$0x3FB5];
	_ =	sdelay $0x3  }
0x34: {  	[smem:$0x3FB5] =	sst s10  }
0x35: {  	s10 =	sld [smem:$0x3FB4];
	_ =	sdelay $0x3  }
0x36: {  	p1 =	seq.s32 s10, $0x1;
	s10 =	sld [smem:$0x3FB5];
	_ =	sdelay $0x3  }
0x37: {  	[smem:$0x3FB5] =	sst s10  }
0x38: {  	s10 =	sld [smem:$0x3FB6]  }
0x39: {  	_ = 	snop;
	(pc) =	sbr.ind lr, $3  }
0x3a: {  	_ = 	snop  }
0x3b: {  	_ = 	snop  }
0x3c: {  	p2 =	seq.s32 s10, $0x1;
	s10 =	sld [smem:$0x3FB5]  }
0x3d: {  	_ =	shalt  }
0x3e: {  	_ =	shalt  }
0x3f: {  	_ =	shalt  }
0x40: {  	_ =	shalt  }
0x41: {  	_ =	shalt  }
0x42: {  	_ =	shalt  }
0x43: {  	_ =	shalt  }
0x44: {  	_ =	shalt  }
0x45: {  	_ =	shalt  }
0x46: {  	_ =	shalt  }
0x47: {  	_ =	shalt  }
0x48: {  	_ =	shalt  }
0x49: {  	_ =	shalt  }
0x4a: {  	_ =	shalt  }
0x4b: {  	_ =	shalt  }
0x4c: {  	_ =	shalt  }
0x4d: {  	_ =	shalt  }
0x4e: {  	_ =	shalt  }
0x4f: {  	_ =	shalt  }
0x50: {  	_ =	shalt  }
0x51: {  	_ =	shalt  }
0x52: {  	_ =	shalt  }
0x53: {  	_ =	shalt  }
0x54: {  	_ =	shalt  }
0x55: {  	_ =	shalt  }
0x56: {  	_ =	shalt  }
0x57: {  	_ =	shalt  }
0x58: {  	_ =	shalt  }
0x59: {  	_ =	shalt  }
0x5a: {  	_ =	shalt  }
0x5b: {  	_ =	shalt  }
0x5c: {  	_ =	shalt  }
0x5d: {  	_ =	shalt  }
0x5e: {  	_ =	shalt  }
0x5f: {  	_ =	shalt  }
0x60: {  	_ =	shalt  }
0x61: {  	_ =	shalt  }
0x62: {  	_ =	shalt  }
0x63: {  	_ =	shalt  }
0x64: {  	_ =	shalt  }
0x65: {  	_ =	shalt  }
0x66: {  	_ =	shalt  }
0x67: {  	_ =	shalt  }
0x68: {  	_ =	shalt  }
0x69: {  	_ =	shalt  }
0x6a: {  	_ =	shalt  }
0x6b: {  	_ =	shalt  }
0x6c: {  	_ =	shalt  }
0x6d: {  	_ =	shalt  }
0x6e: {  	_ =	shalt  }
0x6f: {  	_ =	shalt  }
0x70: {  	_ =	shalt  }
0x71: {  	_ =	shalt  }
0x72: {  	_ =	shalt  }
0x73: {  	_ =	shalt  }
0x74: {  	_ =	shalt  }
0x75: {  	_ =	shalt  }
0x76: {  	_ =	shalt  }
0x77: {  	_ =	shalt  }
0x78: {  	_ =	shalt  }
0x79: {  	_ =	shalt  }
0x7a: {  	_ =	shalt  }
0x7b: {  	_ =	shalt  }
0x7c: {  	_ =	shalt  }
0x7d: {  	_ =	shalt  }
0x7e: {  	_ =	shalt  }
0x7f: {  	_ =	shalt  }
0x80: {  	_ =	shalt  }
0x81: {  	_ =	shalt  }
0x82: {  	_ =	shalt  }
0x83: {  	_ =	shalt  }
0x84: {  	_ =	shalt  }
0x85: {  	_ =	shalt  }
0x86: {  	_ =	shalt  }
0x87: {  	_ =	shalt  }
.Lfunc_end0:
.L_simem_size_0:
called_computation_lowered:
.L_overlay_start_0:
0x88: {  	s2 =	sld [smem:$0x3FD9]  }
0x89: {  	s3 =	sld [smem:$0x3FFE];
	_ =	sdelay $0x1  }
0x8a: {  	s1 =	srdreg.scid  }
0x8b: {  	s0 =	sand.u32 $0x1, s1  }
0x8c: {  	s14 =	sshll.u32 s0, $0xA;
	s2 =	sadd.s32 s3, s2  }
0x8d: {  	s2 =	sadd.s32 s2, s14  }
0x8e: {  	[smem:$0x3FC1] =	sst s2  }
0x8f: {  	_ = 	snop  }
0x90: {  	s2 =	sld [smem:$0x3FD0]  }
0x91: {  	s15 =	sld [smem:$0x3FC8]  }
0x92: {  	s4 =	sld [smem:$0x3FC7]  }
0x93: {  	s6 =	simm.s32 $0xA;
	s7 =	simm.s32 $0x10;
	s5 =	sld [smem:$0x3FC6]  }
0x94: {  	[smem:s7], [sflag:s6] =	dma.local [hbm:s2], $0x1  }
0x95: {  	_ =	swait.eq [sflag:s6], $0x1  }
0x96: {  	[sflag:s6] =	ssyncset.done $0x0  }
0x97: {  	[sflag:s6] =	ssyncadd.s32 $0xFFFFFFFF  }
0x98: {  	s16 =	sld [smem:$0x10];
	(tm) =	ssettm $0x1  }
0x99: {  	s17 =	sld [smem:$0x3FFB];
	_ =	sdelay $0x3  }
0x9a: {  	_ =	strace s17  }
0x9b: {  	s6 =	sld [smem:$0x3FFC];
	_ =	sdelay $0x3  }
0x9c: {  	_ =	strace s6  }
0x9d: {  	s6 =	sld [smem:$0x3FFD];
	_ =	sdelay $0x3  }
0x9e: {  	_ =	strace s6  }
0x9f: {  	_ =	strace $0x8FFFFFFF  }
0xa0: {  	s18 =	sld [smem:$0x3FDB];
	_ =	sdelay $0x1  }
0xa1: {  	s19 =	simm.s32 $_scs_section_size  }
0xa2: {  	s8 =	simm.s32 $_size__tile_overlayer_lowered;
	s9 =	simm.s32 $_tile_overlayer_lowered  }
0xa3: {  	s22 =	simm.s32 $0x1BFF;
	s21 =	sshll.u32 s9, $0x1;
	s6 =	sadd.s32 s19, s18  }
0xa4: {  	s10 =	simm.s32 $0x0;
	s20 =	sshll.u32 s8, $0x1;
	s8 =	sadd.s32 s21, s6  }
0xa5: {  	[timem:s10], [sflag:s22] =	dma.local [hbm:s8], s20  }
0xa6: {  	_ =	swait.ge [sflag:s22], s20  }
0xa7: {  	s7 =	ssub.s32 $0x0, s20;
	[sflag:s22] =	ssyncset.done $0x0  }
0xa8: {  	[sflag:s22] =	ssyncadd.s32 s7;
	_ =	sdelay $0x1  }
0xa9: {  	s23 =	simm.s32 $0x1B8B  }
0xaa: {  	_ =	swait.ge [sflag:s23], $0x1  }
0xab: {  	[sflag:s23] =	ssyncset.done $0x0  }
0xac: {  	s25 =	simm.s32 $0x1B8E;
	s24 =	sld [smem:$0x3FFE];
	[sflag:s23] =	ssyncadd.s32 $0xFFFFFFFF  }
0xad: {  	s26 =	simm.s32 $execute0_lowered;
	[smem:$0x3FD2] =	sst s25  }
0xae: {  	s8 =	sshll.u32 s26, $0x1;
	_ =	strace $0x80000046;
	[dreg:$0x1] =	wrdreg $0xFFFFFFFF  }
0xaf: {  	s28 =	simm.s32 $_size_execute0_lowered;
	s6 =	sadd.s32 s6, s8;
	[dreg:$0x0] =	wrdreg $0x0  }
0xb0: {  	s8 =	sshll.u32 s28, $0x1;
	[dreg:$0x2] =	wrdreg s6  }
0xb1: {  	[dreg:$0x3] =	wrdreg s8  }
0xb2: {  	[dreg:$0x4] =	wrdreg $0xC0  }
0xb3: {  	_ =	task [dreg:s10], $0x5FFFF  }
0xb4: {  	[dreg:$0x1] =	wrdreg $0xFFFFFFFF  }
0xb5: {  	[dreg:$0x0] =	wrdreg $0x60  }
0xb6: {  	[dreg:$0x2] =	wrdreg s24  }
0xb7: {  	[dreg:$0x3] =	wrdreg s15  }
0xb8: {  	[dreg:$0x4] =	wrdreg s4  }
0xb9: {  	[dreg:$0x5] =	wrdreg s5  }
0xba: {  	[dreg:$0x6] =	wrdreg s16  }
0xbb: {  	[dreg:$0x7] =	wrdreg $0x115100  }
0xbc: {  	[dreg:$0x8] =	wrdreg $0x1B5100  }
0xbd: {  	[dreg:$0x9] =	wrdreg $0x9  }
0xbe: {  	_ =	task.clear_ibuf [dreg:s10], $0xAFFFF;
	_ =	strace $0x90000046  }
0xbf: {  	s29 =	simm.s32 $0x9;
	_ =	strace $0x80000048  }
0xc0: {  	_ =	swait.ge [sflag:s29], $0x1  }
0xc1: {  	[sflag:s29] =	ssyncadd.s32 $0xFFFFFFFF  }
0xc2: {  	_ =	strace $0x90000048  }
0xc3: {  	_ =	sfence  }
0xc4: {  	s30 =	sld [smem:$0x0];
	_ =	sdelay $0x2  }
0xc5: {  	s31 =	sshll.u32 s1, $0xD;
	s1 =	sshrl.u32 s1, $0x2  }
0xc6: {  	s3 =	sand.u32 $0x4000, s31;
	s1 =	sadd.s32 s1, s30  }
0xc7: {  	s0 =	sor.u32 s3, s0;
	s1 =	sshll.u32 s1, $0x11  }
0xc8: {  	s0 =	sor.u32 s1, s0  }
0xc9: {  	s0 =	sadd.s32 $0x8F2B, s0  }
0xca: {  	[sflag:s0] =	ssyncadd.remote.s32 $0x1  }
0xcb: {  	_ =	sfence.sel $0xFFFF  }
0xcc: {  	[dreg:$0x0] =	wrdreg $0xFFFFFFFF;
	(pc) =	sbr.abs _section_cstart, $3  }
0xcd: {  	[dreg:$0x1] =	wrdreg $0xFFFFFFFF  }
0xce: {  	_ =	task.clear_ibuf [dreg:s10], $0x2FFFF;
	_ =	strace $0x9FFFFFFF  }
0xcf: {  	(tm) =	ssettm $0x7FFFFFFF  }
tec
execute0_lowered:
.L_overlay_start_1:
0x0: {  	(tag) =	ssettag $0x1  }
0x1: {  	s0 =	rddreg [dreg:$0x0]  }
0x2: {  	s1 =	rddreg [dreg:$0x4]  }
0x3: {  	s4 =	rddreg [dreg:$0x5];
	s13 =	stileid.u32  }
0x4: {  	s2 =	srdreg.scid;
	s10 =	smul.u32 $0x28000, s13  }
0x5: {  	s6 =	rddreg [dreg:$0x6];
	s7 =	simm.s32 $0x0;
	s2 =	sand.u32 $0x1, s2  }
0x6: {  	s3 =	sshll.u32 s13, $0x1;
	s5 =	smul.u32 $0x280, s13;
	s10 =	sshrl.u32 s10, $0x2  }
0x7: {  	[smem:$0x7FF] =	sst s7;
	s8 =	sadd.s32 $0x20600, s0;
	s10 =	sadd.s32 s10, s4  }
0x8: {  	s13 =	smul.u32 $0xA000, s13;
	s3 =	sor.u32 s2, s3;
	s20 =	sadd.s32 $0x400, s10  }
0x9: {  	_ =	strace $0x80000047;
	s21 =	sadd.s32 $0x800, s10;
	[dreg:$0x8] =	wrdreg s20  }
0xa: {  	s9 =	smul.u32 $0x2800, s2;
	s22 =	sadd.s32 $0xC00, s10;
	[dreg:$0x9] =	wrdreg s21  }
0xb: {  	s11 =	ssub.s32 $0x2, s2;
	s23 =	sadd.s32 $0x1000, s10;
	[dreg:$0xa] =	wrdreg s22  }
0xc: {  	s2 =	smul.u32 $0xA0000, s2;
	s24 =	sadd.s32 $0x1400, s10;
	[dreg:$0xb] =	wrdreg s23  }
0xd: {  	s3 =	smul.u32 $0x540, s3;
	s25 =	sadd.s32 $0x1800, s10;
	[dreg:$0xc] =	wrdreg s24  }
0xe: {  	s12 =	sshrl.u32 s11, $0x1;
	s26 =	sadd.s32 $0x1C00, s10;
	[dreg:$0xd] =	wrdreg s25  }
0xf: {  	s9 =	sadd.s32 s5, s9;
	s14 =	sadd.s32 $0x2400, s10;
	[dreg:$0xe] =	wrdreg s26  }
0x10: {  	s11 =	ssub.s32 s11, s12;
	s15 =	sadd.s32 $0x2800, s10;
	[dreg:$0x10] =	wrdreg s14  }
0x11: {  	s2 =	sadd.s32 s13, s2;
	s16 =	sadd.s32 $0x2C00, s10;
	[dreg:$0x12] =	wrdreg s15  }
0x12: {  	s3 =	sadd.s32 s3, s0;
	s17 =	sadd.s32 $0x3000, s10;
	[dreg:$0x13] =	wrdreg s16  }
0x13: {  	s9 =	sshrl.u32 s9, $0x3;
	s18 =	sadd.s32 $0x3400, s10;
	[dreg:$0x14] =	wrdreg s17  }
0x14: {  	s2 =	sshrl.u32 s2, $0x3;
	s19 =	sadd.s32 $0x3800, s10;
	[dreg:$0x15] =	wrdreg s18  }
0x15: {  	s12 =	sadd.s32 $0x5C00, s10;
	s0 =	sadd.s32 s9, s0;
	[dreg:$0x16] =	wrdreg s19  }
0x16: {  	s9 =	sadd.s32 s13, s4;
	s13 =	sadd.s32 $0x2000, s10;
	[dreg:$0x1f] =	wrdreg s12  }
0x17: {  	s1 =	sadd.s32 s1, s2;
	[dreg:$0xf] =	wrdreg s13  }
0x18: {  	s20 =	sadd.s32 $0x3C00, s10;
	[dreg:$0x11] =	wrdreg s1  }
0x19: {  	s21 =	sadd.s32 $0x4000, s10;
	[dreg:$0x17] =	wrdreg s20  }
0x1a: {  	s22 =	sadd.s32 $0x4400, s10;
	[dreg:$0x18] =	wrdreg s21  }
0x1b: {  	s23 =	sadd.s32 $0x4800, s10;
	[dreg:$0x19] =	wrdreg s22  }
0x1c: {  	s24 =	sadd.s32 $0x4C00, s10;
	[dreg:$0x1a] =	wrdreg s23  }
0x1d: {  	s25 =	sadd.s32 $0x5000, s10;
	[dreg:$0x1b] =	wrdreg s24  }
0x1e: {  	s26 =	sadd.s32 $0x5400, s10;
	[dreg:$0x1c] =	wrdreg s25  }
0x1f: {  	s2 =	sadd.s32 $0x5800, s10;
	[dreg:$0x1d] =	wrdreg s26  }
0x20: {  	s14 =	sadd.s32 $0x6400, s10;
	[dreg:$0x1e] =	wrdreg s2  }
0x21: {  	s15 =	sadd.s32 $0x6800, s10;
	[smem:$0x7F1] =	sst s14  }
0x22: {  	s16 =	sadd.s32 $0x6C00, s10;
	[smem:$0x7F2] =	sst s15  }
0x23: {  	s17 =	sadd.s32 $0x7000, s10;
	[smem:$0x7F3] =	sst s16  }
0x24: {  	s18 =	sadd.s32 $0x7400, s10;
	[smem:$0x7F4] =	sst s17  }
0x25: {  	s19 =	sadd.s32 $0x7800, s10;
	[smem:$0x7F5] =	sst s18  }
0x26: {  	s31 =	simm.s32 $0x10E90;
	s13 =	sadd.s32 $0x6000, s10;
	[smem:$0x7F6] =	sst s19  }
0x27: {  	s30 =	smax.u32 s11, $0x1;
	s20 =	sadd.s32 $0x7C00, s10;
	[smem:$0x7F0] =	sst s13  }
0x28: {  	s11 =	simm.s32 $0x1;
	s21 =	sadd.s32 $0x8000, s10;
	[smem:$0x7F7] =	sst s20  }
0x29: {  	s28 =	sadd.s32 $0x15E00, s3;
	s22 =	sadd.s32 $0x8400, s10;
	[smem:$0x7F8] =	sst s21  }
0x2a: {  	s12 =	simm.s32 $0xCE10;
	s23 =	sadd.s32 $0x8800, s10;
	[smem:$0x7F9] =	sst s22  }
0x2b: {  	s24 =	sadd.s32 $0x8C00, s10;
	s25 =	sadd.s32 $0x9000, s10;
	[smem:$0x7FA] =	sst s23  }
0x2c: {  	s26 =	sadd.s32 $0x9400, s10;
	s29 =	sadd.s32 $0x34600, s0;
	[smem:$0x7FB] =	sst s24  }
0x2d: {  	s0 =	simm.s32 $0x3;
	s1 =	simm.s32 $0x2800;
	[smem:$0x7FC] =	sst s25  }
0x2e: {  	s2 =	simm.s32 $0x5010;
	s14 =	simm.s32 $0x0;
	[smem:$0x7FD] =	sst s26  }
0x2f: {  	s22 =	sadd.s32 $0x9800, s10;
	s23 =	sadd.s32 $0x9C00, s10;
	s24 =	sadd.s32 s5, s6  }
0x30: {  	s25 =	sadd.s32 $0xE00, s3;
	s26 =	sadd.s32 $0xB600, s3;
	s3 =	simm.s32 $0x80  }
0x31: {  	v0 =	vimm.f32 $0.0e+00;
	s5 =	simm.s32 $0xCE90;
	s10 =	simm.s32 $0xEE90;
	s13 =	simm.s32 $0x2  }
.LBB2_1:
0x32: {  	[tilespmem:$0x10E90] =	vst v0  }
0x33: {  	[tilespmem:$0x10EA0] =	vst v0  }
0x34: {  	[tilespmem:$0x10EB0] =	vst v0  }
0x35: {  	[tilespmem:$0x10EC0] =	vst v0  }
0x36: {  	[tilespmem:$0x10ED0] =	vst v0  }
0x37: {  	[tilespmem:$0x10EE0] =	vst v0  }
0x38: {  	[tilespmem:$0x10EF0] =	vst v0  }
0x39: {  	[tilespmem:$0x10F00] =	vst v0  }
0x3a: {  	[tilespmem:$0x10F10] =	vst v0  }
0x3b: {  	[tilespmem:$0x10F20] =	vst v0  }
0x3c: {  	[tilespmem:$0x10F30] =	vst v0  }
0x3d: {  	[tilespmem:$0x10F40] =	vst v0  }
0x3e: {  	[tilespmem:$0x10F50] =	vst v0  }
0x3f: {  	[tilespmem:$0x10F60] =	vst v0  }
0x40: {  	[tilespmem:$0x10F70] =	vst v0  }
0x41: {  	[tilespmem:$0x10F80] =	vst v0  }
0x42: {  	[tilespmem:$0x10F90] =	vst v0  }
0x43: {  	[tilespmem:$0x10FA0] =	vst v0  }
0x44: {  	[tilespmem:$0x10FB0] =	vst v0  }
0x45: {  	[tilespmem:$0x10FC0] =	vst v0  }
0x46: {  	[tilespmem:$0x10FD0] =	vst v0  }
0x47: {  	[tilespmem:$0x10FE0] =	vst v0  }
0x48: {  	[tilespmem:$0x10FF0] =	vst v0  }
0x49: {  	[tilespmem:$0x11000] =	vst v0  }
0x4a: {  	[tilespmem:$0x11010] =	vst v0  }
0x4b: {  	[tilespmem:$0x11020] =	vst v0  }
0x4c: {  	[tilespmem:$0x11030] =	vst v0  }
0x4d: {  	[tilespmem:$0x11040] =	vst v0  }
0x4e: {  	[tilespmem:$0x11050] =	vst v0  }
0x4f: {  	[tilespmem:$0x11060] =	vst v0  }
0x50: {  	[tilespmem:$0x11070] =	vst v0  }
0x51: {  	[tilespmem:$0x11080] =	vst v0  }
0x52: {  	[tilespmem:$0x11090] =	vst v0  }
0x53: {  	[tilespmem:$0x110A0] =	vst v0  }
0x54: {  	[tilespmem:$0x110B0] =	vst v0  }
0x55: {  	[tilespmem:$0x110C0] =	vst v0  }
0x56: {  	[tilespmem:$0x110D0] =	vst v0  }
0x57: {  	[tilespmem:$0x110E0] =	vst v0  }
0x58: {  	[tilespmem:$0x110F0] =	vst v0  }
0x59: {  	[tilespmem:$0x11100] =	vst v0  }
0x5a: {  	[tilespmem:$0x11110] =	vst v0  }
0x5b: {  	[tilespmem:$0x11120] =	vst v0  }
0x5c: {  	[tilespmem:$0x11130] =	vst v0  }
0x5d: {  	[tilespmem:$0x11140] =	vst v0  }
0x5e: {  	[tilespmem:$0x11150] =	vst v0  }
0x5f: {  	[tilespmem:$0x11160] =	vst v0  }
0x60: {  	[tilespmem:$0x11170] =	vst v0  }
0x61: {  	[tilespmem:$0x11180] =	vst v0  }
0x62: {  	[tilespmem:$0x11190] =	vst v0  }
0x63: {  	[tilespmem:$0x111A0] =	vst v0  }
0x64: {  	[tilespmem:$0x111B0] =	vst v0  }
0x65: {  	[tilespmem:$0x111C0] =	vst v0  }
0x66: {  	[tilespmem:$0x111D0] =	vst v0  }
0x67: {  	[tilespmem:$0x111E0] =	vst v0  }
0x68: {  	[tilespmem:$0x111F0] =	vst v0  }
0x69: {  	[tilespmem:$0x11200] =	vst v0  }
0x6a: {  	[tilespmem:$0x11210] =	vst v0  }
0x6b: {  	[tilespmem:$0x11220] =	vst v0  }
0x6c: {  	[tilespmem:$0x11230] =	vst v0  }
0x6d: {  	[tilespmem:$0x11240] =	vst v0  }
0x6e: {  	[tilespmem:$0x11250] =	vst v0  }
0x6f: {  	[tilespmem:$0x11260] =	vst v0  }
0x70: {  	[tilespmem:$0x11270] =	vst v0  }
0x71: {  	[tilespmem:$0x11280] =	vst v0  }
0x72: {  	[tilespmem:$0x11290] =	vst v0  }
0x73: {  	[tilespmem:$0x112A0] =	vst v0  }
0x74: {  	[tilespmem:$0x112B0] =	vst v0  }
0x75: {  	[tilespmem:$0x112C0] =	vst v0  }
0x76: {  	[tilespmem:$0x112D0] =	vst v0  }
0x77: {  	[tilespmem:$0x112E0] =	vst v0  }
0x78: {  	[tilespmem:$0x112F0] =	vst v0  }
0x79: {  	[tilespmem:$0x11300] =	vst v0  }
0x7a: {  	[tilespmem:$0x11310] =	vst v0  }
0x7b: {  	[tilespmem:$0x11320] =	vst v0  }
0x7c: {  	[tilespmem:$0x11330] =	vst v0  }
0x7d: {  	[tilespmem:$0x11340] =	vst v0  }
0x7e: {  	[tilespmem:$0x11350] =	vst v0  }
0x7f: {  	[tilespmem:$0x11360] =	vst v0  }
0x80: {  	[tilespmem:$0x11370] =	vst v0  }
0x81: {  	[tilespmem:$0x11380] =	vst v0  }
0x82: {  	[tilespmem:$0x11390] =	vst v0  }
0x83: {  	[tilespmem:$0x113A0] =	vst v0  }
0x84: {  	[tilespmem:$0x113B0] =	vst v0  }
0x85: {  	[tilespmem:$0x113C0] =	vst v0  }
0x86: {  	[tilespmem:$0x113D0] =	vst v0  }
0x87: {  	[tilespmem:$0x113E0] =	vst v0  }
0x88: {  	[tilespmem:$0x113F0] =	vst v0  }
0x89: {  	[tilespmem:$0x11400] =	vst v0  }
0x8a: {  	[tilespmem:$0x11410] =	vst v0  }
0x8b: {  	[tilespmem:$0x11420] =	vst v0  }
0x8c: {  	[tilespmem:$0x11430] =	vst v0  }
0x8d: {  	[tilespmem:$0x11440] =	vst v0  }
0x8e: {  	[tilespmem:$0x11450] =	vst v0  }
0x8f: {  	[tilespmem:$0x11460] =	vst v0  }
0x90: {  	[tilespmem:$0x11470] =	vst v0  }
0x91: {  	[tilespmem:$0x11480] =	vst v0  }
0x92: {  	[tilespmem:$0x11490] =	vst v0  }
0x93: {  	[tilespmem:$0x114A0] =	vst v0  }
0x94: {  	[tilespmem:$0x114B0] =	vst v0  }
0x95: {  	[tilespmem:$0x114C0] =	vst v0  }
0x96: {  	[tilespmem:$0x114D0] =	vst v0  }
0x97: {  	[tilespmem:$0x114E0] =	vst v0  }
0x98: {  	[tilespmem:$0x114F0] =	vst v0  }
0x99: {  	[tilespmem:$0x11500] =	vst v0  }
0x9a: {  	[spmem:s9] =	stream.linear.scatter [tilespmem:s31], [sflag:$0x3], $0x400, $0x38;
	[tilespmem:$0x1B790] =	vst v63  }
0x9b: {  	_ =	swait.ge [sflag:s0], $0x400  }
0x9c: {  	[sflag:s0] =	ssyncset.done $0x0  }
0x9d: {  	s15 =	rddreg [dreg:$0x8];
	[sflag:s0] =	ssyncadd.s32 $0xFFFFFC00  }
0x9e: {  	[spmem:s15] =	stream.linear.scatter [tilespmem:s31], [sflag:$0x3], $0x400, $0x38;
	[tilespmem:$0x1B790] =	vst v63  }
0x9f: {  	_ =	swait.ge [sflag:s0], $0x400  }
0xa0: {  	[sflag:s0] =	ssyncset.done $0x0  }
0xa1: {  	s21 =	rddreg [dreg:$0x9];
	[sflag:s0] =	ssyncadd.s32 $0xFFFFFC00  }
0xa2: {  	[spmem:s21] =	stream.linear.scatter [tilespmem:s31], [sflag:$0x3], $0x400, $0x38;
	[tilespmem:$0x1B790] =	vst v63  }
0xa3: {  	_ =	swait.ge [sflag:s0], $0x400  }
0xa4: {  	[sflag:s0] =	ssyncset.done $0x0  }
0xa5: {  	s16 =	rddreg [dreg:$0xa];
	[sflag:s0] =	ssyncadd.s32 $0xFFFFFC00  }
0xa6: {  	[spmem:s16] =	stream.linear.scatter [tilespmem:s31], [sflag:$0x3], $0x400, $0x38;
	[tilespmem:$0x1B790] =	vst v63  }
0xa7: {  	_ =	swait.ge [sflag:s0], $0x400  }
0xa8: {  	[sflag:s0] =	ssyncset.done $0x0  }
0xa9: {  	s17 =	rddreg [dreg:$0xb];
	[sflag:s0] =	ssyncadd.s32 $0xFFFFFC00  }
0xaa: {  	[spmem:s17] =	stream.linear.scatter [tilespmem:s31], [sflag:$0x3], $0x400, $0x38;
	[tilespmem:$0x1B790] =	vst v63  }
0xab: {  	_ =	swait.ge [sflag:s0], $0x400  }
0xac: {  	[sflag:s0] =	ssyncset.done $0x0  }
0xad: {  	s18 =	rddreg [dreg:$0xc];
	[sflag:s0] =	ssyncadd.s32 $0xFFFFFC00  }
0xae: {  	[spmem:s18] =	stream.linear.scatter [tilespmem:s31], [sflag:$0x3], $0x400, $0x38;
	[tilespmem:$0x1B790] =	vst v63  }
0xaf: {  	_ =	swait.ge [sflag:s0], $0x400  }
0xb0: {  	[sflag:s0] =	ssyncset.done $0x0  }
0xb1: {  	s19 =	rddreg [dreg:$0xd];
	[sflag:s0] =	ssyncadd.s32 $0xFFFFFC00  }
0xb2: {  	[spmem:s19] =	stream.linear.scatter [tilespmem:s31], [sflag:$0x3], $0x400, $0x38;
	[tilespmem:$0x1B790] =	vst v63  }
0xb3: {  	_ =	swait.ge [sflag:s0], $0x400  }
0xb4: {  	[sflag:s0] =	ssyncset.done $0x0  }
0xb5: {  	s20 =	rddreg [dreg:$0xe];
	[sflag:s0] =	ssyncadd.s32 $0xFFFFFC00  }
0xb6: {  	[spmem:s20] =	stream.linear.scatter [tilespmem:s31], [sflag:$0x3], $0x400, $0x38;
	[tilespmem:$0x1B790] =	vst v63  }
0xb7: {  	_ =	swait.ge [sflag:s0], $0x400  }
0xb8: {  	[sflag:s0] =	ssyncset.done $0x0  }
0xb9: {  	s21 =	rddreg [dreg:$0xf];
	[sflag:s0] =	ssyncadd.s32 $0xFFFFFC00  }
0xba: {  	[spmem:s21] =	stream.linear.scatter [tilespmem:s31], [sflag:$0x3], $0x400, $0x38;
	[tilespmem:$0x1B790] =	vst v63  }
0xbb: {  	_ =	swait.ge [sflag:s0], $0x400  }
0xbc: {  	[sflag:s0] =	ssyncset.done $0x0  }
0xbd: {  	s16 =	rddreg [dreg:$0x10];
	[sflag:s0] =	ssyncadd.s32 $0xFFFFFC00  }
0xbe: {  	[spmem:s16] =	stream.linear.scatter [tilespmem:s31], [sflag:$0x3], $0x400, $0x38;
	[tilespmem:$0x1B790] =	vst v63  }
0xbf: {  	_ =	swait.ge [sflag:s0], $0x400  }
0xc0: {  	[sflag:s0] =	ssyncset.done $0x0  }
0xc1: {  	s17 =	rddreg [dreg:$0x12];
	[sflag:s0] =	ssyncadd.s32 $0xFFFFFC00  }
0xc2: {  	[spmem:s17] =	stream.linear.scatter [tilespmem:s31], [sflag:$0x3], $0x400, $0x38;
	[tilespmem:$0x1B790] =	vst v63  }
0xc3: {  	_ =	swait.ge [sflag:s0], $0x400  }
0xc4: {  	[sflag:s0] =	ssyncset.done $0x0  }
0xc5: {  	s18 =	rddreg [dreg:$0x13];
	[sflag:s0] =	ssyncadd.s32 $0xFFFFFC00  }
0xc6: {  	[spmem:s18] =	stream.linear.scatter [tilespmem:s31], [sflag:$0x3], $0x400, $0x38;
	[tilespmem:$0x1B790] =	vst v63  }
0xc7: {  	_ =	swait.ge [sflag:s0], $0x400  }
0xc8: {  	[sflag:s0] =	ssyncset.done $0x0  }
0xc9: {  	s19 =	rddreg [dreg:$0x14];
	[sflag:s0] =	ssyncadd.s32 $0xFFFFFC00  }
0xca: {  	[spmem:s19] =	stream.linear.scatter [tilespmem:s31], [sflag:$0x3], $0x400, $0x38;
	[tilespmem:$0x1B790] =	vst v63  }
0xcb: {  	_ =	swait.ge [sflag:s0], $0x400  }
0xcc: {  	[sflag:s0] =	ssyncset.done $0x0  }
0xcd: {  	s20 =	rddreg [dreg:$0x15];
	[sflag:s0] =	ssyncadd.s32 $0xFFFFFC00  }
0xce: {  	[spmem:s20] =	stream.linear.scatter [tilespmem:s31], [sflag:$0x3], $0x400, $0x38;
	[tilespmem:$0x1B790] =	vst v63  }
0xcf: {  	_ =	swait.ge [sflag:s0], $0x400  }
0xd0: {  	[sflag:s0] =	ssyncset.done $0x0  }
0xd1: {  	s21 =	rddreg [dreg:$0x16];
	[sflag:s0] =	ssyncadd.s32 $0xFFFFFC00  }
0xd2: {  	[spmem:s21] =	stream.linear.scatter [tilespmem:s31], [sflag:$0x3], $0x400, $0x38;
	[tilespmem:$0x1B790] =	vst v63  }
0xd3: {  	_ =	swait.ge [sflag:s0], $0x400  }
0xd4: {  	[sflag:s0] =	ssyncset.done $0x0  }
0xd5: {  	s16 =	rddreg [dreg:$0x17];
	[sflag:s0] =	ssyncadd.s32 $0xFFFFFC00  }
0xd6: {  	[spmem:s16] =	stream.linear.scatter [tilespmem:s31], [sflag:$0x3], $0x400, $0x38;
	[tilespmem:$0x1B790] =	vst v63  }
0xd7: {  	_ =	swait.ge [sflag:s0], $0x400  }
0xd8: {  	[sflag:s0] =	ssyncset.done $0x0  }
0xd9: {  	s17 =	rddreg [dreg:$0x18];
	[sflag:s0] =	ssyncadd.s32 $0xFFFFFC00  }
0xda: {  	[spmem:s17] =	stream.linear.scatter [tilespmem:s31], [sflag:$0x3], $0x400, $0x38;
	[tilespmem:$0x1B790] =	vst v63  }
0xdb: {  	_ =	swait.ge [sflag:s0], $0x400  }
0xdc: {  	[sflag:s0] =	ssyncset.done $0x0  }
0xdd: {  	s18 =	rddreg [dreg:$0x19];
	[sflag:s0] =	ssyncadd.s32 $0xFFFFFC00  }
0xde: {  	[spmem:s18] =	stream.linear.scatter [tilespmem:s31], [sflag:$0x3], $0x400, $0x38;
	[tilespmem:$0x1B790] =	vst v63  }
0xdf: {  	_ =	swait.ge [sflag:s0], $0x400  }
0xe0: {  	[sflag:s0] =	ssyncset.done $0x0  }
0xe1: {  	s19 =	rddreg [dreg:$0x1a];
	[sflag:s0] =	ssyncadd.s32 $0xFFFFFC00  }
0xe2: {  	[spmem:s19] =	stream.linear.scatter [tilespmem:s31], [sflag:$0x3], $0x400, $0x38;
	[tilespmem:$0x1B790] =	vst v63  }
0xe3: {  	_ =	swait.ge [sflag:s0], $0x400  }
0xe4: {  	[sflag:s0] =	ssyncset.done $0x0  }
0xe5: {  	s20 =	rddreg [dreg:$0x1b];
	[sflag:s0] =	ssyncadd.s32 $0xFFFFFC00  }
0xe6: {  	[spmem:s20] =	stream.linear.scatter [tilespmem:s31], [sflag:$0x3], $0x400, $0x38;
	[tilespmem:$0x1B790] =	vst v63  }
0xe7: {  	_ =	swait.ge [sflag:s0], $0x400  }
0xe8: {  	[sflag:s0] =	ssyncset.done $0x0  }
0xe9: {  	s21 =	rddreg [dreg:$0x1c];
	[sflag:s0] =	ssyncadd.s32 $0xFFFFFC00  }
0xea: {  	[spmem:s21] =	stream.linear.scatter [tilespmem:s31], [sflag:$0x3], $0x400, $0x38;
	[tilespmem:$0x1B790] =	vst v63  }
0xeb: {  	_ =	swait.ge [sflag:s0], $0x400  }
0xec: {  	[sflag:s0] =	ssyncset.done $0x0  }
0xed: {  	s16 =	rddreg [dreg:$0x1d];
	[sflag:s0] =	ssyncadd.s32 $0xFFFFFC00  }
0xee: {  	[spmem:s16] =	stream.linear.scatter [tilespmem:s31], [sflag:$0x3], $0x400, $0x38;
	[tilespmem:$0x1B790] =	vst v63  }
0xef: {  	_ =	swait.ge [sflag:s0], $0x400  }
0xf0: {  	[sflag:s0] =	ssyncset.done $0x0  }
0xf1: {  	s17 =	rddreg [dreg:$0x1e];
	[sflag:s0] =	ssyncadd.s32 $0xFFFFFC00  }
0xf2: {  	[spmem:s17] =	stream.linear.scatter [tilespmem:s31], [sflag:$0x3], $0x400, $0x38;
	[tilespmem:$0x1B790] =	vst v63  }
0xf3: {  	_ =	swait.ge [sflag:s0], $0x400  }
0xf4: {  	[sflag:s0] =	ssyncset.done $0x0  }
0xf5: {  	s18 =	rddreg [dreg:$0x1f];
	[sflag:s0] =	ssyncadd.s32 $0xFFFFFC00  }
0xf6: {  	[spmem:s18] =	stream.linear.scatter [tilespmem:s31], [sflag:$0x3], $0x400, $0x38;
	[tilespmem:$0x1B790] =	vst v63  }
0xf7: {  	_ =	swait.ge [sflag:s0], $0x400  }
0xf8: {  	s19 =	sld [smem:$0x7F0]  }
0xf9: {  	[sflag:s0] =	ssyncset.done $0x0  }
0xfa: {  	[sflag:s0] =	ssyncadd.s32 $0xFFFFFC00  }
0xfb: {  	[spmem:s19] =	stream.linear.scatter [tilespmem:s31], [sflag:$0x3], $0x400, $0x38;
	[tilespmem:$0x1B790] =	vst v63  }
0xfc: {  	_ =	swait.ge [sflag:s0], $0x400  }
0xfd: {  	s20 =	sld [smem:$0x7F1]  }
0xfe: {  	[sflag:s0] =	ssyncset.done $0x0  }
0xff: {  	[sflag:s0] =	ssyncadd.s32 $0xFFFFFC00  }
0x100: {  	[spmem:s20] =	stream.linear.scatter [tilespmem:s31], [sflag:$0x3], $0x400, $0x38;
	[tilespmem:$0x1B790] =	vst v63  }
0x101: {  	_ =	swait.ge [sflag:s0], $0x400  }
0x102: {  	s21 =	sld [smem:$0x7F2]  }
0x103: {  	[sflag:s0] =	ssyncset.done $0x0  }
0x104: {  	[sflag:s0] =	ssyncadd.s32 $0xFFFFFC00  }
0x105: {  	[spmem:s21] =	stream.linear.scatter [tilespmem:s31], [sflag:$0x3], $0x400, $0x38;
	[tilespmem:$0x1B790] =	vst v63  }
0x106: {  	_ =	swait.ge [sflag:s0], $0x400  }
0x107: {  	s16 =	sld [smem:$0x7F3]  }
0x108: {  	[sflag:s0] =	ssyncset.done $0x0  }
0x109: {  	[sflag:s0] =	ssyncadd.s32 $0xFFFFFC00  }
0x10a: {  	[spmem:s16] =	stream.linear.scatter [tilespmem:s31], [sflag:$0x3], $0x400, $0x38;
	[tilespmem:$0x1B790] =	vst v63  }
0x10b: {  	_ =	swait.ge [sflag:s0], $0x400  }
0x10c: {  	s17 =	sld [smem:$0x7F4]  }
0x10d: {  	[sflag:s0] =	ssyncset.done $0x0  }
0x10e: {  	[sflag:s0] =	ssyncadd.s32 $0xFFFFFC00  }
0x10f: {  	[spmem:s17] =	stream.linear.scatter [tilespmem:s31], [sflag:$0x3], $0x400, $0x38;
	[tilespmem:$0x1B790] =	vst v63  }
0x110: {  	_ =	swait.ge [sflag:s0], $0x400  }
0x111: {  	s18 =	sld [smem:$0x7F5]  }
0x112: {  	[sflag:s0] =	ssyncset.done $0x0  }
0x113: {  	[sflag:s0] =	ssyncadd.s32 $0xFFFFFC00  }
0x114: {  	[spmem:s18] =	stream.linear.scatter [tilespmem:s31], [sflag:$0x3], $0x400, $0x38;
	[tilespmem:$0x1B790] =	vst v63  }
0x115: {  	_ =	swait.ge [sflag:s0], $0x400  }
0x116: {  	s19 =	sld [smem:$0x7F6]  }
0x117: {  	[sflag:s0] =	ssyncset.done $0x0  }
0x118: {  	[sflag:s0] =	ssyncadd.s32 $0xFFFFFC00  }
0x119: {  	[spmem:s19] =	stream.linear.scatter [tilespmem:s31], [sflag:$0x3], $0x400, $0x38;
	[tilespmem:$0x1B790] =	vst v63  }
0x11a: {  	_ =	swait.ge [sflag:s0], $0x400  }
0x11b: {  	s20 =	sld [smem:$0x7F7]  }
0x11c: {  	[sflag:s0] =	ssyncset.done $0x0  }
0x11d: {  	[sflag:s0] =	ssyncadd.s32 $0xFFFFFC00  }
0x11e: {  	[spmem:s20] =	stream.linear.scatter [tilespmem:s31], [sflag:$0x3], $0x400, $0x38;
	[tilespmem:$0x1B790] =	vst v63  }
0x11f: {  	_ =	swait.ge [sflag:s0], $0x400  }
0x120: {  	s21 =	sld [smem:$0x7F8]  }
0x121: {  	[sflag:s0] =	ssyncset.done $0x0  }
0x122: {  	[sflag:s0] =	ssyncadd.s32 $0xFFFFFC00  }
0x123: {  	[spmem:s21] =	stream.linear.scatter [tilespmem:s31], [sflag:$0x3], $0x400, $0x38;
	[tilespmem:$0x1B790] =	vst v63  }
0x124: {  	_ =	swait.ge [sflag:s0], $0x400  }
0x125: {  	s16 =	sld [smem:$0x7F9]  }
0x126: {  	[sflag:s0] =	ssyncset.done $0x0  }
0x127: {  	[sflag:s0] =	ssyncadd.s32 $0xFFFFFC00  }
0x128: {  	[spmem:s16] =	stream.linear.scatter [tilespmem:s31], [sflag:$0x3], $0x400, $0x38;
	[tilespmem:$0x1B790] =	vst v63  }
0x129: {  	_ =	swait.ge [sflag:s0], $0x400  }
0x12a: {  	s17 =	sld [smem:$0x7FA]  }
0x12b: {  	[sflag:s0] =	ssyncset.done $0x0  }
0x12c: {  	[sflag:s0] =	ssyncadd.s32 $0xFFFFFC00  }
0x12d: {  	[spmem:s17] =	stream.linear.scatter [tilespmem:s31], [sflag:$0x3], $0x400, $0x38;
	[tilespmem:$0x1B790] =	vst v63  }
0x12e: {  	_ =	swait.ge [sflag:s0], $0x400  }
0x12f: {  	s18 =	sld [smem:$0x7FB]  }
0x130: {  	[sflag:s0] =	ssyncset.done $0x0  }
0x131: {  	[sflag:s0] =	ssyncadd.s32 $0xFFFFFC00  }
0x132: {  	[spmem:s18] =	stream.linear.scatter [tilespmem:s31], [sflag:$0x3], $0x400, $0x38;
	[tilespmem:$0x1B790] =	vst v63  }
0x133: {  	_ =	swait.ge [sflag:s0], $0x400  }
0x134: {  	s19 =	sld [smem:$0x7FC]  }
0x135: {  	[sflag:s0] =	ssyncset.done $0x0  }
0x136: {  	[sflag:s0] =	ssyncadd.s32 $0xFFFFFC00  }
0x137: {  	[spmem:s19] =	stream.linear.scatter [tilespmem:s31], [sflag:$0x3], $0x400, $0x38;
	[tilespmem:$0x1B790] =	vst v63  }
0x138: {  	_ =	swait.ge [sflag:s0], $0x400  }
0x139: {  	s20 =	sld [smem:$0x7FD]  }
0x13a: {  	[sflag:s0] =	ssyncset.done $0x0  }
0x13b: {  	[sflag:s0] =	ssyncadd.s32 $0xFFFFFC00  }
0x13c: {  	[spmem:s20] =	stream.linear.scatter [tilespmem:s31], [sflag:$0x3], $0x400, $0x38;
	[tilespmem:$0x1B790] =	vst v63  }
0x13d: {  	_ =	swait.ge [sflag:s0], $0x400  }
0x13e: {  	[sflag:s0] =	ssyncset.done $0x0  }
0x13f: {  	[sflag:s0] =	ssyncadd.s32 $0xFFFFFC00  }
0x140: {  	[spmem:s22] =	stream.linear.scatter [tilespmem:s31], [sflag:$0x3], $0x400, $0x38;
	[tilespmem:$0x1B790] =	vst v63  }
0x141: {  	_ =	swait.ge [sflag:s0], $0x400  }
0x142: {  	[sflag:s0] =	ssyncset.done $0x0  }
0x143: {  	[sflag:s0] =	ssyncadd.s32 $0xFFFFFC00  }
0x144: {  	[spmem:s23] =	stream.linear.scatter [tilespmem:s31], [sflag:$0x3], $0x400, $0x38;
	[tilespmem:$0x1B790] =	vst v63  }
0x145: {  	_ =	swait.ge [sflag:s0], $0x400  }
0x146: {  	[sflag:s0] =	ssyncset.done $0x0  }
0x147: {  	s21 =	simm.s32 $0x11290;
	[sflag:s0] =	ssyncadd.s32 $0xFFFFFC00  }
0x148: {  	[spmem:s24] =	stream.linear.scatter [tilespmem:s21], [sflag:$0x3], $0x280, $0x38;
	[tilespmem:$0x1B790] =	vst v63  }
0x149: {  	_ =	swait.ge [sflag:s0], $0x280  }
0x14a: {  	[sflag:s0] =	ssyncset.done $0x0  }
0x14b: {  	[sflag:s0] =	ssyncadd.s32 $0xFFFFFD80  }
0x14c: {  	s16 =	rddreg [dreg:$0x1]  }
0x14d: {  	[tilespmem:s7], [sflag:$0x3] =	stream.linear.gather [hbm4b:s16+s7], $0x2800, $0x38;
	[tilespmem:$0x1B790] =	vst v63  }
0x14e: {  	_ =	swait.ge [sflag:s0], $0x2800  }
0x14f: {  	[sflag:s0] =	ssyncset.done $0x0  }
0x150: {  	[sflag:s0] =	ssyncadd.s32 $0xFFFFD800  }
0x151: {  	s17 =	rddreg [dreg:$0x2]  }
0x152: {  	[tilespmem:s1], [sflag:$0x3] =	stream.linear.gather [hbm4b:s17+s7], $0x2800, $0x38;
	[tilespmem:$0x1B790] =	vst v63  }
0x153: {  	_ =	swait.ge [sflag:s0], $0x2800  }
0x154: {  	[sflag:s0] =	ssyncset.done $0x0  }
0x155: {  	[sflag:s0] =	ssyncadd.s32 $0xFFFFD800  }
0x156: {  	s16 =	simm.s32 $0x5000;
	s18 =	rddreg [dreg:$0x3]  }
0x157: {  	[tilespmem:s16], [sflag:$0x3] =	stream.linear.gather [hbm4b:s18+s7], $0x10, $0x38;
	[tilespmem:$0x1B790] =	vst v63  }
0x158: {  	_ =	swait.ge [sflag:s0], $0x10  }
0x159: {  	[sflag:s0] =	ssyncset.done $0x0  }
0x15a: {  	[sflag:s0] =	ssyncadd.s32 $0xFFFFFFF0  }
0x15b: {  	[tilespmem:s2], [sflag:$0x3] =	stream.linear.gather [hbm4b:s25+s7], $0x2A00, $0x38;
	[tilespmem:$0x1B790] =	vst v63  }
0x15c: {  	_ =	swait.ge [sflag:s0], $0x2A00  }
0x15d: {  	[sflag:s0] =	ssyncset.done $0x0  }
0x15e: {  	s19 =	simm.s32 $0x7A10;
	[sflag:s0] =	ssyncadd.s32 $0xFFFFD600  }
0x15f: {  	[tilespmem:s19], [sflag:$0x3] =	stream.linear.gather [hbm4b:s26+s7], $0x2A00, $0x38;
	[tilespmem:$0x1B790] =	vst v63  }
0x160: {  	_ =	swait.ge [sflag:s0], $0x2A00  }
0x161: {  	[sflag:s0] =	ssyncset.done $0x0  }
0x162: {  	s20 =	simm.s32 $0xA410;
	[sflag:s0] =	ssyncadd.s32 $0xFFFFD600  }
0x163: {  	[tilespmem:s20], [sflag:$0x3] =	stream.linear.gather [hbm4b:s28+s7], $0x2A00, $0x38;
	[tilespmem:$0x1B790] =	vst v63  }
0x164: {  	_ =	swait.ge [sflag:s0], $0x2A00  }
0x165: {  	[sflag:s0] =	ssyncset.done $0x0  }
0x166: {  	[sflag:s0] =	ssyncadd.s32 $0xFFFFD600  }
0x167: {  	[bflag:$0x0] =	sbarrier.arrive $0xFFFF  }
0x168: {  	v1 =	vld [tilespmem:$0x5000];
	[tilespmem:s5], [sflag:$0x1] =	stream.indirect.gather [hbm4b:s8+s3], $0x40, s2, s3, $0xb8  }
0x169: {  	s15 =	simm.s32 $0x0;
	s21 =	simm.s32 $0x5090  }
0x16a: {  	[tilespmem:s10], [sflag:$0x2] =	stream.indirect.gather [hbm4b:s8+s3], $0x40, s21, s3, $0xb8;
	[tilespmem:$0x1B790] =	vst v63  }
.LBB2_2:
0x16b: {  	_ =	swait.ge [sflag:s11], $0x2000  }
0x16c: {  	[sflag:s11] =	ssyncset.done $0x0  }
0x16d: {  	s16 =	sshll.u32 s15, $0x8;
	[sflag:s11] =	ssyncadd.s32 $0xFFFFE000  }
0x16e: {  	v2 =	vld [tilespmem:s16+$0x5010]  }
0x16f: {  	v3 =	vld [tilespmem:s16+$0x7A10];
	_ =	sdelay $0x5  }
0x170: {  	s17 =	simm.s32 $0x0  }
0x171: {  	v2 =	vld.idx.msk [tilespmem:v2+s17+$0x0], $0xffff  }
0x172: {  	v3 =	vld.idx.msk [tilespmem:v3+s1+$0x0], $0xffff;
	_ =	sdelay $0x4  }
0x173: {  	v2 =	vadd.f32 v3, v2;
	_ =	sdelay $0x1  }
0x174: {  	v3 =	vmul.f32 $2.000000030e-01, v2  }
0x175: {  	vm0 =	vge.f32 v2, $0.0e+00  }
0x176: {  	v2 =	vsel vm0, v2, v3  }
0x177: {  	v2 =	vsub.f32 v2, v1;
	_ =	sdelay $0x1  }
0x178: {  	v2 =	vmul.f32 $1.442695020e+00, v2;
	_ =	sdelay $0x1  }
0x179: {  	(erf) = vpow2.f32 v2;
	_ =	sdelay $0x4  }
0x17a: {  	v2 =	vld [tilespmem:s16+$0xA410];
	_ =	sdelay $0x3  }
0x17b: {  	v3 =	vpop (erf)  }
0x17c: {  	v2 =	vmul.f32 v3, v2;
	_ =	sdelay $0x1  }
0x17d: {  	[tilespmem:$0xCE10] =	vst v2  }
0x17e: {  	v2 =	vld [tilespmem:s16+$0x5020]  }
0x17f: {  	v3 =	vld [tilespmem:s16+$0x7A20];
	_ =	sdelay $0x6  }
0x180: {  	v2 =	vld.idx.msk [tilespmem:v2+s17+$0x0], $0xffff  }
0x181: {  	v3 =	vld.idx.msk [tilespmem:v3+s1+$0x0], $0xffff;
	_ =	sdelay $0x4  }
0x182: {  	v2 =	vadd.f32 v3, v2;
	_ =	sdelay $0x1  }
0x183: {  	v3 =	vmul.f32 $2.000000030e-01, v2  }
0x184: {  	vm9 =	vge.f32 v2, $0.0e+00  }
0x185: {  	v2 =	vsel vm9, v2, v3  }
0x186: {  	v2 =	vsub.f32 v2, v1;
	_ =	sdelay $0x1  }
0x187: {  	v2 =	vmul.f32 $1.442695020e+00, v2;
	_ =	sdelay $0x1  }
0x188: {  	(erf) = vpow2.f32 v2;
	_ =	sdelay $0x4  }
0x189: {  	v2 =	vld [tilespmem:s16+$0xA420];
	_ =	sdelay $0x3  }
0x18a: {  	v3 =	vpop (erf)  }
0x18b: {  	v2 =	vmul.f32 v3, v2;
	_ =	sdelay $0x1  }
0x18c: {  	[tilespmem:$0xCE20] =	vst v2  }
0x18d: {  	v2 =	vld [tilespmem:s16+$0x5030]  }
0x18e: {  	v3 =	vld [tilespmem:s16+$0x7A30];
	_ =	sdelay $0x6  }
0x18f: {  	v2 =	vld.idx.msk [tilespmem:v2+s17+$0x0], $0xffff  }
0x190: {  	v3 =	vld.idx.msk [tilespmem:v3+s1+$0x0], $0xffff;
	_ =	sdelay $0x4  }
0x191: {  	v2 =	vadd.f32 v3, v2;
	_ =	sdelay $0x1  }
0x192: {  	v3 =	vmul.f32 $2.000000030e-01, v2  }
0x193: {  	vm10 =	vge.f32 v2, $0.0e+00  }
0x194: {  	v2 =	vsel vm10, v2, v3  }
0x195: {  	v2 =	vsub.f32 v2, v1;
	_ =	sdelay $0x1  }
0x196: {  	v2 =	vmul.f32 $1.442695020e+00, v2;
	_ =	sdelay $0x1  }
0x197: {  	(erf) = vpow2.f32 v2;
	_ =	sdelay $0x4  }
0x198: {  	v2 =	vld [tilespmem:s16+$0xA430];
	_ =	sdelay $0x3  }
0x199: {  	v3 =	vpop (erf)  }
0x19a: {  	v2 =	vmul.f32 v3, v2;
	_ =	sdelay $0x1  }
0x19b: {  	[tilespmem:$0xCE30] =	vst v2  }
0x19c: {  	v2 =	vld [tilespmem:s16+$0x5040]  }
0x19d: {  	v3 =	vld [tilespmem:s16+$0x7A40];
	_ =	sdelay $0x6  }
0x19e: {  	v2 =	vld.idx.msk [tilespmem:v2+s17+$0x0], $0xffff  }
0x19f: {  	v3 =	vld.idx.msk [tilespmem:v3+s1+$0x0], $0xffff;
	_ =	sdelay $0x4  }
0x1a0: {  	v2 =	vadd.f32 v3, v2;
	_ =	sdelay $0x1  }
0x1a1: {  	v3 =	vmul.f32 $2.000000030e-01, v2  }
0x1a2: {  	vm11 =	vge.f32 v2, $0.0e+00  }
0x1a3: {  	v2 =	vsel vm11, v2, v3  }
0x1a4: {  	v2 =	vsub.f32 v2, v1;
	_ =	sdelay $0x1  }
0x1a5: {  	v2 =	vmul.f32 $1.442695020e+00, v2;
	_ =	sdelay $0x1  }
0x1a6: {  	(erf) = vpow2.f32 v2;
	_ =	sdelay $0x4  }
0x1a7: {  	v2 =	vld [tilespmem:s16+$0xA440];
	_ =	sdelay $0x3  }
0x1a8: {  	v3 =	vpop (erf)  }
0x1a9: {  	v2 =	vmul.f32 v3, v2;
	_ =	sdelay $0x1  }
0x1aa: {  	[tilespmem:$0xCE40] =	vst v2  }
0x1ab: {  	v2 =	vld [tilespmem:s16+$0x5050]  }
0x1ac: {  	v3 =	vld [tilespmem:s16+$0x7A50];
	_ =	sdelay $0x6  }
0x1ad: {  	v2 =	vld.idx.msk [tilespmem:v2+s17+$0x0], $0xffff  }
0x1ae: {  	v3 =	vld.idx.msk [tilespmem:v3+s1+$0x0], $0xffff;
	_ =	sdelay $0x4  }
0x1af: {  	v2 =	vadd.f32 v3, v2;
	_ =	sdelay $0x1  }
0x1b0: {  	v3 =	vmul.f32 $2.000000030e-01, v2  }
0x1b1: {  	vm12 =	vge.f32 v2, $0.0e+00  }
0x1b2: {  	v2 =	vsel vm12, v2, v3  }
0x1b3: {  	v2 =	vsub.f32 v2, v1;
	_ =	sdelay $0x1  }
0x1b4: {  	v2 =	vmul.f32 $1.442695020e+00, v2;
	_ =	sdelay $0x1  }
0x1b5: {  	(erf) = vpow2.f32 v2;
	_ =	sdelay $0x4  }
0x1b6: {  	v2 =	vld [tilespmem:s16+$0xA450];
	_ =	sdelay $0x3  }
0x1b7: {  	v3 =	vpop (erf)  }
0x1b8: {  	v2 =	vmul.f32 v3, v2;
	_ =	sdelay $0x1  }
0x1b9: {  	[tilespmem:$0xCE50] =	vst v2  }
0x1ba: {  	v2 =	vld [tilespmem:s16+$0x5060]  }
0x1bb: {  	v3 =	vld [tilespmem:s16+$0x7A60];
	_ =	sdelay $0x6  }
0x1bc: {  	v2 =	vld.idx.msk [tilespmem:v2+s17+$0x0], $0xffff  }
0x1bd: {  	v3 =	vld.idx.msk [tilespmem:v3+s1+$0x0], $0xffff;
	_ =	sdelay $0x4  }
0x1be: {  	v2 =	vadd.f32 v3, v2;
	_ =	sdelay $0x1  }
0x1bf: {  	v3 =	vmul.f32 $2.000000030e-01, v2  }
0x1c0: {  	vm13 =	vge.f32 v2, $0.0e+00  }
0x1c1: {  	v2 =	vsel vm13, v2, v3  }
0x1c2: {  	v2 =	vsub.f32 v2, v1;
	_ =	sdelay $0x1  }
0x1c3: {  	v2 =	vmul.f32 $1.442695020e+00, v2;
	_ =	sdelay $0x1  }
0x1c4: {  	(erf) = vpow2.f32 v2;
	_ =	sdelay $0x4  }
0x1c5: {  	v2 =	vld [tilespmem:s16+$0xA460];
	_ =	sdelay $0x3  }
0x1c6: {  	v3 =	vpop (erf)  }
0x1c7: {  	v2 =	vmul.f32 v3, v2;
	_ =	sdelay $0x1  }
0x1c8: {  	[tilespmem:$0xCE60] =	vst v2  }
0x1c9: {  	v2 =	vld [tilespmem:s16+$0x5070]  }
0x1ca: {  	v3 =	vld [tilespmem:s16+$0x7A70];
	_ =	sdelay $0x6  }
0x1cb: {  	v2 =	vld.idx.msk [tilespmem:v2+s17+$0x0], $0xffff  }
0x1cc: {  	v3 =	vld.idx.msk [tilespmem:v3+s1+$0x0], $0xffff;
	_ =	sdelay $0x4  }
0x1cd: {  	v2 =	vadd.f32 v3, v2;
	_ =	sdelay $0x1  }
0x1ce: {  	v3 =	vmul.f32 $2.000000030e-01, v2  }
0x1cf: {  	vm14 =	vge.f32 v2, $0.0e+00  }
0x1d0: {  	v2 =	vsel vm14, v2, v3  }
0x1d1: {  	v2 =	vsub.f32 v2, v1;
	_ =	sdelay $0x1  }
0x1d2: {  	v2 =	vmul.f32 $1.442695020e+00, v2;
	_ =	sdelay $0x1  }
0x1d3: {  	(erf) = vpow2.f32 v2;
	_ =	sdelay $0x4  }
0x1d4: {  	v2 =	vld [tilespmem:s16+$0xA470];
	_ =	sdelay $0x3  }
0x1d5: {  	v3 =	vpop (erf)  }
0x1d6: {  	v2 =	vmul.f32 v3, v2;
	_ =	sdelay $0x1  }
0x1d7: {  	[tilespmem:$0xCE70] =	vst v2  }
0x1d8: {  	v2 =	vld [tilespmem:s16+$0x5080]  }
0x1d9: {  	v3 =	vld [tilespmem:s16+$0x7A80];
	_ =	sdelay $0x6  }
0x1da: {  	v2 =	vld.idx.msk [tilespmem:v2+s17+$0x0], $0xffff  }
0x1db: {  	v3 =	vld.idx.msk [tilespmem:v3+s1+$0x0], $0xffff;
	_ =	sdelay $0x4  }
0x1dc: {  	v2 =	vadd.f32 v3, v2;
	_ =	sdelay $0x1  }
0x1dd: {  	v3 =	vmul.f32 $2.000000030e-01, v2  }
0x1de: {  	vm15 =	vge.f32 v2, $0.0e+00  }
0x1df: {  	v2 =	vsel vm15, v2, v3  }
0x1e0: {  	v2 =	vsub.f32 v2, v1;
	_ =	sdelay $0x1  }
0x1e1: {  	v2 =	vmul.f32 $1.442695020e+00, v2;
	_ =	sdelay $0x1  }
0x1e2: {  	(erf) = vpow2.f32 v2;
	_ =	sdelay $0x4  }
0x1e3: {  	v2 =	vld [tilespmem:s16+$0xA480];
	_ =	sdelay $0x3  }
0x1e4: {  	v3 =	vpop (erf)  }
0x1e5: {  	v2 =	vmul.f32 v3, v2;
	v3 =	vmov s17;
	_ =	sdelay $0x1  }
0x1e6: {  	s18 =	simm.s32 $0xCEB0;
	[tilespmem:$0xCE80] =	vst v2  }
0x1e7: {  	v4 =	vld [tilespmem:s18+$0xFFFFFFF0]  }
0x1e8: {  	v2 =	vld [tilespmem:s18+$0x10]  }
0x1e9: {  	v7 =	vld.idx.msk [tilespmem:v3+s12+$0x0], $0xffff  }
0x1ea: {  	v3 =	vld [tilespmem:s18+$0xFFFFFFE0]  }
0x1eb: {  	v8 =	vld [tilespmem:s18+$0x0];
	_ =	sdelay $0x3  }
0x1ec: {  	s20 =	simm.s32 $0x1;
	v3 =	vmul.f32 v3, v7;
	v6 =	vmul.f32 v2, v7  }
0x1ed: {  	s19 =	simm.s32 $0x2;
	s17 =	sadd.s32 $0x7A10, s16;
	v2 =	vmov s20;
	v5 =	vmul.f32 v4, v7;
	v4 =	vmul.f32 v8, v7;
	s20 =	simm.s32 $0xCEB0  }
.LBB2_3:
0x1ee: {  	p0 =	sne.s32 s19, $0x7F  }
0x1ef: {  	[tilespmem:s18+$0x10] =	vst v6;
	s20 =	sadd.s32 $0x40, s20;
	s21 =	smov.u32 s19;
	s19 =	sadd.s32 $0x1, s19  }
0x1f0: {  	[tilespmem:s18+$0xFFFFFFE0] =	vst v3  }
0x1f1: {  	v7 =	vld [tilespmem:s20+$0xFFFFFFF0];
	[tilespmem:s18+$0xFFFFFFF0] =	vst v5  }
0x1f2: {  	v5 =	vld [tilespmem:s20+$0x10];
	[tilespmem:s18+$0x0] =	vst v4;
	s18 =	smov.u32 s20  }
0x1f3: {  	v4 =	vld.idx.msk [tilespmem:v2+s12+$0x0], $0xffff  }
0x1f4: {  	v2 =	vld [tilespmem:s20+$0xFFFFFFE0]  }
0x1f5: {  	v8 =	vld [tilespmem:s20+$0x0]  }
.Ltmp0:
0x1f6: {  	(pc) =	sbr.rel @p0 .LBB2_3-.Ltmp0, $3  }
0x1f7: {  	_ =	sdelay $0x1  }
0x1f8: {  	v6 =	vmul.f32 v5, v4;
	v3 =	vmul.f32 v2, v4  }
0x1f9: {  	v5 =	vmul.f32 v7, v4;
	v2 =	vmov s21;
	v4 =	vmul.f32 v8, v4  }
0x1fa: {  	[tilespmem:s18+$0x10] =	vst v6  }
0x1fb: {  	s19 =	sadd.s32 $0x40, s20;
	[tilespmem:s18+$0xFFFFFFE0] =	vst v3  }
0x1fc: {  	v3 =	vld [tilespmem:s19+$0xFFFFFFF0];
	[tilespmem:s18+$0xFFFFFFF0] =	vst v5  }
0x1fd: {  	v5 =	vld [tilespmem:s19+$0x10];
	[tilespmem:s18+$0x0] =	vst v4  }
0x1fe: {  	v2 =	vld.idx.msk [tilespmem:v2+s12+$0x0], $0xffff  }
0x1ff: {  	v4 =	vld [tilespmem:s19+$0xFFFFFFE0];
	_ =	sdelay $0x1  }
0x200: {  	v6 =	vld [tilespmem:s19+$0x0];
	_ =	sdelay $0x1  }
0x201: {  	v5 =	vmul.f32 v5, v2  }
0x202: {  	v4 =	vmul.f32 v4, v2  }
0x203: {  	v3 =	vmul.f32 v3, v2;
	[tilespmem:s19+$0x10] =	vst v5  }
0x204: {  	v2 =	vmul.f32 v6, v2;
	[tilespmem:s19+$0xFFFFFFE0] =	vst v4  }
0x205: {  	[tilespmem:s19+$0xFFFFFFF0] =	vst v3  }
0x206: {  	[tilespmem:s19+$0x0] =	vst v2  }
0x207: {  	[spmem:s4] =	stream.indirect.scatter.add.f32 [tilespmem:s5], [sflag:$0x3], $0x40, s17, s3, $0xb8;
	[tilespmem:$0x1B790] =	vst v63  }
0x208: {  	_ =	swait.ge [sflag:s0], $0x2000  }
0x209: {  	[sflag:s0] =	ssyncset.done $0x0  }
0x20a: {  	[sflag:s0] =	ssyncadd.s32 $0xFFFFE000  }
0x20b: {  	[spmem:s6] =	stream.indirect.scatter.add.f32 [tilespmem:s12], [sflag:$0x3], $0x1, s17, s3, $0xb8;
	[tilespmem:$0x1B790] =	vst v63  }
0x20c: {  	_ =	swait.ge [sflag:s0], $0x80  }
0x20d: {  	s17 =	sand.u32 $0x3FFFFF00, s16;
	[sflag:s0] =	ssyncset.done $0x0  }
0x20e: {  	s19 =	sadd.s32 $0x5110, s17;
	[sflag:s0] =	ssyncadd.s32 $0xFFFFFF80  }
0x20f: {  	[tilespmem:s5], [sflag:$0x1] =	stream.indirect.gather [hbm4b:s8+s3], $0x40, s19, s3, $0xb8;
	[tilespmem:$0x1B790] =	vst v63  }
0x210: {  	_ =	swait.ge [sflag:s13], $0x2000  }
0x211: {  	[sflag:s13] =	ssyncset.done $0x0  }
0x212: {  	[sflag:s13] =	ssyncadd.s32 $0xFFFFE000  }
0x213: {  	v2 =	vld [tilespmem:s16+$0x5090]  }
0x214: {  	v3 =	vld [tilespmem:s16+$0x7A90];
	_ =	sdelay $0x5  }
0x215: {  	s20 =	simm.s32 $0x0  }
0x216: {  	v2 =	vld.idx.msk [tilespmem:v2+s20+$0x0], $0xffff  }
0x217: {  	v3 =	vld.idx.msk [tilespmem:v3+s1+$0x0], $0xffff;
	_ =	sdelay $0x4  }
0x218: {  	v2 =	vadd.f32 v3, v2;
	_ =	sdelay $0x1  }
0x219: {  	v3 =	vmul.f32 $2.000000030e-01, v2  }
0x21a: {  	vm0 =	vge.f32 v2, $0.0e+00  }
0x21b: {  	v2 =	vsel vm0, v2, v3  }
0x21c: {  	v2 =	vsub.f32 v2, v1;
	_ =	sdelay $0x1  }
0x21d: {  	v2 =	vmul.f32 $1.442695020e+00, v2;
	_ =	sdelay $0x1  }
0x21e: {  	(erf) = vpow2.f32 v2;
	_ =	sdelay $0x4  }
0x21f: {  	v2 =	vld [tilespmem:s16+$0xA490];
	_ =	sdelay $0x3  }
0x220: {  	v3 =	vpop (erf)  }
0x221: {  	v2 =	vmul.f32 v3, v2;
	_ =	sdelay $0x1  }
0x222: {  	[tilespmem:$0xCE10] =	vst v2  }
0x223: {  	v2 =	vld [tilespmem:s16+$0x50A0]  }
0x224: {  	v3 =	vld [tilespmem:s16+$0x7AA0];
	_ =	sdelay $0x6  }
0x225: {  	v2 =	vld.idx.msk [tilespmem:v2+s20+$0x0], $0xffff  }
0x226: {  	v3 =	vld.idx.msk [tilespmem:v3+s1+$0x0], $0xffff;
	_ =	sdelay $0x4  }
0x227: {  	v2 =	vadd.f32 v3, v2;
	_ =	sdelay $0x1  }
0x228: {  	v3 =	vmul.f32 $2.000000030e-01, v2  }
0x229: {  	vm9 =	vge.f32 v2, $0.0e+00  }
0x22a: {  	v2 =	vsel vm9, v2, v3  }
0x22b: {  	v2 =	vsub.f32 v2, v1;
	_ =	sdelay $0x1  }
0x22c: {  	v2 =	vmul.f32 $1.442695020e+00, v2;
	_ =	sdelay $0x1  }
0x22d: {  	(erf) = vpow2.f32 v2;
	_ =	sdelay $0x4  }
0x22e: {  	v2 =	vld [tilespmem:s16+$0xA4A0];
	_ =	sdelay $0x3  }
0x22f: {  	v3 =	vpop (erf)  }
0x230: {  	v2 =	vmul.f32 v3, v2;
	_ =	sdelay $0x1  }
0x231: {  	[tilespmem:$0xCE20] =	vst v2  }
0x232: {  	v2 =	vld [tilespmem:s16+$0x50B0]  }
0x233: {  	v3 =	vld [tilespmem:s16+$0x7AB0];
	_ =	sdelay $0x6  }
0x234: {  	v2 =	vld.idx.msk [tilespmem:v2+s20+$0x0], $0xffff  }
0x235: {  	v3 =	vld.idx.msk [tilespmem:v3+s1+$0x0], $0xffff;
	_ =	sdelay $0x4  }
0x236: {  	v2 =	vadd.f32 v3, v2;
	_ =	sdelay $0x1  }
0x237: {  	v3 =	vmul.f32 $2.000000030e-01, v2  }
0x238: {  	vm10 =	vge.f32 v2, $0.0e+00  }
0x239: {  	v2 =	vsel vm10, v2, v3  }
0x23a: {  	v2 =	vsub.f32 v2, v1;
	_ =	sdelay $0x1  }
0x23b: {  	v2 =	vmul.f32 $1.442695020e+00, v2;
	_ =	sdelay $0x1  }
0x23c: {  	(erf) = vpow2.f32 v2;
	_ =	sdelay $0x4  }
0x23d: {  	v2 =	vld [tilespmem:s16+$0xA4B0];
	_ =	sdelay $0x3  }
0x23e: {  	v3 =	vpop (erf)  }
0x23f: {  	v2 =	vmul.f32 v3, v2;
	_ =	sdelay $0x1  }
0x240: {  	[tilespmem:$0xCE30] =	vst v2  }
0x241: {  	v2 =	vld [tilespmem:s16+$0x50C0]  }
0x242: {  	v3 =	vld [tilespmem:s16+$0x7AC0];
	_ =	sdelay $0x6  }
0x243: {  	v2 =	vld.idx.msk [tilespmem:v2+s20+$0x0], $0xffff  }
0x244: {  	v3 =	vld.idx.msk [tilespmem:v3+s1+$0x0], $0xffff;
	_ =	sdelay $0x4  }
0x245: {  	v2 =	vadd.f32 v3, v2;
	_ =	sdelay $0x1  }
0x246: {  	v3 =	vmul.f32 $2.000000030e-01, v2  }
0x247: {  	vm11 =	vge.f32 v2, $0.0e+00  }
0x248: {  	v2 =	vsel vm11, v2, v3  }
0x249: {  	v2 =	vsub.f32 v2, v1;
	_ =	sdelay $0x1  }
0x24a: {  	v2 =	vmul.f32 $1.442695020e+00, v2;
	_ =	sdelay $0x1  }
0x24b: {  	(erf) = vpow2.f32 v2;
	_ =	sdelay $0x4  }
0x24c: {  	v2 =	vld [tilespmem:s16+$0xA4C0];
	_ =	sdelay $0x3  }
0x24d: {  	v3 =	vpop (erf)  }
0x24e: {  	v2 =	vmul.f32 v3, v2;
	_ =	sdelay $0x1  }
0x24f: {  	[tilespmem:$0xCE40] =	vst v2  }
0x250: {  	v2 =	vld [tilespmem:s16+$0x50D0]  }
0x251: {  	v3 =	vld [tilespmem:s16+$0x7AD0];
	_ =	sdelay $0x6  }
0x252: {  	v2 =	vld.idx.msk [tilespmem:v2+s20+$0x0], $0xffff  }
0x253: {  	v3 =	vld.idx.msk [tilespmem:v3+s1+$0x0], $0xffff;
	_ =	sdelay $0x4  }
0x254: {  	v2 =	vadd.f32 v3, v2;
	_ =	sdelay $0x1  }
0x255: {  	v3 =	vmul.f32 $2.000000030e-01, v2  }
0x256: {  	vm12 =	vge.f32 v2, $0.0e+00  }
0x257: {  	v2 =	vsel vm12, v2, v3  }
0x258: {  	v2 =	vsub.f32 v2, v1;
	_ =	sdelay $0x1  }
0x259: {  	v2 =	vmul.f32 $1.442695020e+00, v2;
	_ =	sdelay $0x1  }
0x25a: {  	(erf) = vpow2.f32 v2;
	_ =	sdelay $0x4  }
0x25b: {  	v2 =	vld [tilespmem:s16+$0xA4D0];
	_ =	sdelay $0x3  }
0x25c: {  	v3 =	vpop (erf)  }
0x25d: {  	v2 =	vmul.f32 v3, v2;
	_ =	sdelay $0x1  }
0x25e: {  	[tilespmem:$0xCE50] =	vst v2  }
0x25f: {  	v2 =	vld [tilespmem:s16+$0x50E0]  }
0x260: {  	v3 =	vld [tilespmem:s16+$0x7AE0];
	_ =	sdelay $0x6  }
0x261: {  	v2 =	vld.idx.msk [tilespmem:v2+s20+$0x0], $0xffff  }
0x262: {  	v3 =	vld.idx.msk [tilespmem:v3+s1+$0x0], $0xffff;
	_ =	sdelay $0x4  }
0x263: {  	v2 =	vadd.f32 v3, v2;
	_ =	sdelay $0x1  }
0x264: {  	v3 =	vmul.f32 $2.000000030e-01, v2  }
0x265: {  	vm13 =	vge.f32 v2, $0.0e+00  }
0x266: {  	v2 =	vsel vm13, v2, v3  }
0x267: {  	v2 =	vsub.f32 v2, v1;
	_ =	sdelay $0x1  }
0x268: {  	v2 =	vmul.f32 $1.442695020e+00, v2;
	_ =	sdelay $0x1  }
0x269: {  	(erf) = vpow2.f32 v2;
	_ =	sdelay $0x4  }
0x26a: {  	v2 =	vld [tilespmem:s16+$0xA4E0];
	_ =	sdelay $0x3  }
0x26b: {  	v3 =	vpop (erf)  }
0x26c: {  	v2 =	vmul.f32 v3, v2;
	_ =	sdelay $0x1  }
0x26d: {  	[tilespmem:$0xCE60] =	vst v2  }
0x26e: {  	v2 =	vld [tilespmem:s16+$0x50F0]  }
0x26f: {  	v3 =	vld [tilespmem:s16+$0x7AF0];
	_ =	sdelay $0x6  }
0x270: {  	v2 =	vld.idx.msk [tilespmem:v2+s20+$0x0], $0xffff  }
0x271: {  	v3 =	vld.idx.msk [tilespmem:v3+s1+$0x0], $0xffff;
	_ =	sdelay $0x4  }
0x272: {  	v2 =	vadd.f32 v3, v2;
	_ =	sdelay $0x1  }
0x273: {  	v3 =	vmul.f32 $2.000000030e-01, v2  }
0x274: {  	vm14 =	vge.f32 v2, $0.0e+00  }
0x275: {  	v2 =	vsel vm14, v2, v3  }
0x276: {  	v2 =	vsub.f32 v2, v1;
	_ =	sdelay $0x1  }
0x277: {  	v2 =	vmul.f32 $1.442695020e+00, v2;
	_ =	sdelay $0x1  }
0x278: {  	(erf) = vpow2.f32 v2;
	_ =	sdelay $0x4  }
0x279: {  	v2 =	vld [tilespmem:s16+$0xA4F0];
	_ =	sdelay $0x3  }
0x27a: {  	v3 =	vpop (erf)  }
0x27b: {  	v2 =	vmul.f32 v3, v2;
	_ =	sdelay $0x1  }
0x27c: {  	[tilespmem:$0xCE70] =	vst v2  }
0x27d: {  	v2 =	vld [tilespmem:s16+$0x5100]  }
0x27e: {  	v3 =	vld [tilespmem:s16+$0x7B00];
	_ =	sdelay $0x6  }
0x27f: {  	v2 =	vld.idx.msk [tilespmem:v2+s20+$0x0], $0xffff  }
0x280: {  	v3 =	vld.idx.msk [tilespmem:v3+s1+$0x0], $0xffff;
	_ =	sdelay $0x4  }
0x281: {  	v2 =	vadd.f32 v3, v2;
	_ =	sdelay $0x1  }
0x282: {  	v3 =	vmul.f32 $2.000000030e-01, v2  }
0x283: {  	vm15 =	vge.f32 v2, $0.0e+00  }
0x284: {  	v2 =	vsel vm15, v2, v3  }
0x285: {  	v2 =	vsub.f32 v2, v1;
	_ =	sdelay $0x1  }
0x286: {  	v2 =	vmul.f32 $1.442695020e+00, v2;
	_ =	sdelay $0x1  }
0x287: {  	(erf) = vpow2.f32 v2;
	_ =	sdelay $0x4  }
0x288: {  	v2 =	vld [tilespmem:s16+$0xA500];
	_ =	sdelay $0x3  }
0x289: {  	v3 =	vpop (erf)  }
0x28a: {  	v2 =	vmul.f32 v3, v2;
	v3 =	vmov s20;
	_ =	sdelay $0x1  }
0x28b: {  	s18 =	simm.s32 $0xEEB0;
	[tilespmem:$0xCE80] =	vst v2  }
0x28c: {  	v4 =	vld [tilespmem:s18+$0xFFFFFFF0]  }
0x28d: {  	v2 =	vld [tilespmem:s18+$0x10]  }
0x28e: {  	v7 =	vld.idx.msk [tilespmem:v3+s12+$0x0], $0xffff  }
0x28f: {  	v3 =	vld [tilespmem:s18+$0xFFFFFFE0]  }
0x290: {  	v8 =	vld [tilespmem:s18+$0x0];
	_ =	sdelay $0x3  }
0x291: {  	s21 =	simm.s32 $0x1;
	v3 =	vmul.f32 v3, v7;
	v6 =	vmul.f32 v2, v7  }
0x292: {  	s19 =	simm.s32 $0x2;
	s16 =	sadd.s32 $0x7A90, s16;
	s20 =	simm.s32 $0xEEB0;
	v2 =	vmov s21;
	v5 =	vmul.f32 v4, v7;
	v4 =	vmul.f32 v8, v7  }
.LBB2_5:
0x293: {  	p0 =	sne.s32 s19, $0x7F  }
0x294: {  	[tilespmem:s18+$0x10] =	vst v6;
	s20 =	sadd.s32 $0x40, s20;
	s21 =	smov.u32 s19;
	s19 =	sadd.s32 $0x1, s19  }
0x295: {  	[tilespmem:s18+$0xFFFFFFE0] =	vst v3  }
0x296: {  	v7 =	vld [tilespmem:s20+$0xFFFFFFF0];
	[tilespmem:s18+$0xFFFFFFF0] =	vst v5  }
0x297: {  	v5 =	vld [tilespmem:s20+$0x10];
	[tilespmem:s18+$0x0] =	vst v4;
	s18 =	smov.u32 s20  }
0x298: {  	v4 =	vld.idx.msk [tilespmem:v2+s12+$0x0], $0xffff  }
0x299: {  	v2 =	vld [tilespmem:s20+$0xFFFFFFE0]  }
0x29a: {  	v8 =	vld [tilespmem:s20+$0x0]  }
.Ltmp1:
0x29b: {  	(pc) =	sbr.rel @p0 .LBB2_5-.Ltmp1, $3  }
0x29c: {  	_ =	sdelay $0x1  }
0x29d: {  	v6 =	vmul.f32 v5, v4;
	v3 =	vmul.f32 v2, v4  }
0x29e: {  	v5 =	vmul.f32 v7, v4;
	v2 =	vmov s21;
	v4 =	vmul.f32 v8, v4  }
0x29f: {  	[tilespmem:s18+$0x10] =	vst v6  }
0x2a0: {  	s19 =	sadd.s32 $0x40, s20;
	[tilespmem:s18+$0xFFFFFFE0] =	vst v3  }
0x2a1: {  	v3 =	vld [tilespmem:s19+$0xFFFFFFF0];
	[tilespmem:s18+$0xFFFFFFF0] =	vst v5  }
0x2a2: {  	v5 =	vld [tilespmem:s19+$0x10];
	[tilespmem:s18+$0x0] =	vst v4  }
0x2a3: {  	v2 =	vld.idx.msk [tilespmem:v2+s12+$0x0], $0xffff  }
0x2a4: {  	v4 =	vld [tilespmem:s19+$0xFFFFFFE0];
	_ =	sdelay $0x1  }
0x2a5: {  	v6 =	vld [tilespmem:s19+$0x0];
	_ =	sdelay $0x1  }
0x2a6: {  	v5 =	vmul.f32 v5, v2  }
0x2a7: {  	v4 =	vmul.f32 v4, v2  }
0x2a8: {  	v3 =	vmul.f32 v3, v2;
	[tilespmem:s19+$0x10] =	vst v5  }
0x2a9: {  	v2 =	vmul.f32 v6, v2;
	[tilespmem:s19+$0xFFFFFFE0] =	vst v4  }
0x2aa: {  	[tilespmem:s19+$0xFFFFFFF0] =	vst v3  }
0x2ab: {  	[tilespmem:s19+$0x0] =	vst v2  }
0x2ac: {  	[spmem:s4] =	stream.indirect.scatter.add.f32 [tilespmem:s10], [sflag:$0x3], $0x40, s16, s3, $0xb8;
	[tilespmem:$0x1B790] =	vst v63  }
0x2ad: {  	_ =	swait.ge [sflag:s0], $0x2000  }
0x2ae: {  	s15 =	sadd.s32 $0x1, s15;
	[sflag:s0] =	ssyncset.done $0x0  }
0x2af: {  	p0 =	sne.s32 s15, $0x29;
	[sflag:s0] =	ssyncadd.s32 $0xFFFFE000  }
0x2b0: {  	[spmem:s6] =	stream.indirect.scatter.add.f32 [tilespmem:s12], [sflag:$0x3], $0x1, s16, s3, $0xb8;
	[tilespmem:$0x1B790] =	vst v63  }
.Ltmp2:
0x2b1: {  	_ = 	snop;
	(pc) =	sbr.rel @p0 .LBB2_2-.Ltmp2, $4  }
0x2b2: {  	_ =	swait.ge [sflag:s0], $0x80  }
0x2b3: {  	[sflag:s0] =	ssyncset.done $0x0  }
0x2b4: {  	s21 =	sadd.s32 $0x5190, s17;
	[sflag:s0] =	ssyncadd.s32 $0xFFFFFF80  }
0x2b5: {  	[tilespmem:s10], [sflag:$0x2] =	stream.indirect.gather [hbm4b:s8+s3], $0x40, s21, s3, $0xb8;
	[tilespmem:$0x1B790] =	vst v63  }
0x2b6: {  	_ =	swait.ge [sflag:s11], $0x2000  }
0x2b7: {  	[sflag:s11] =	ssyncset.done $0x0  }
0x2b8: {  	[sflag:s11] =	ssyncadd.s32 $0xFFFFE000  }
0x2b9: {  	_ =	swait.ge [sflag:s13], $0x2000  }
0x2ba: {  	[sflag:s13] =	ssyncset.done $0x0  }
0x2bb: {  	s15 =	stileid.u32;
	[sflag:s13] =	ssyncadd.s32 $0xFFFFE000  }
0x2bc: {  	s15 =	sshll.u32 s15, $0x6;
	[bflag:$0x0] =	sbarrier.arrive $0xFFFF  }
0x2bd: {  	s16 =	sshrl.u32 s9, $0x3;
	s15 =	sor.u32 $0x1C03, s15;
	s17 =	rddreg [dreg:$0x11]  }
0x2be: {  	[hbm:s17], [sflag:s15] =	dma.local [spmem:s16], $0x1400  }
0x2bf: {  	s14 =	sadd.s32 $0x1, s14;
	_ =	swait.ge [sflag:s0], $0x1400  }
0x2c0: {  	p0 =	sne.s32 s14, s30;
	[sflag:s0] =	ssyncset.done $0x0  }
.Ltmp3:
0x2c1: {  	s21 =	sshrl.u32 s24, $0x3;
	[sflag:s0] =	ssyncadd.s32 $0xFFFFEC00;
	(pc) =	sbr.rel @p0 .LBB2_1-.Ltmp3, $4  }
0x2c2: {  	[hbm:s29], [sflag:s15] =	dma.local [spmem:s21], $0x50  }
0x2c3: {  	_ =	swait.ge [sflag:s0], $0x50  }
0x2c4: {  	[sflag:s0] =	ssyncset.done $0x0  }
0x2c5: {  	[sflag:s0] =	ssyncadd.s32 $0xFFFFFFB0  }
0x2c6: {  	_ =	sfence.sel $0x180000  }
0x2c7: {  	[bflag:$0x0] =	sbarrier.arrive $0xFFFF  }
0x2c8: {  	_ =	strace $0x90000047  }
0x2c9: {  	s0 =	stileid.u32;
	[bflag:$0x2] =	sbarrier.arrive $0xFFFF  }
0x2ca: {  	p0 =	sne.s32 s0, $0x0;
	s0 =	rddreg [dreg:$0x7]  }
0x2cb: {  	s0 =	sadd.s32 @!p0 $0x100000, s0  }
0x2cc: {  	[sflag:s0] =	ssyncadd.tile.s32 @!p0 $0x1;
	_ =	shalt  }
.Lfunc_end2:
_tile_overlayer_lowered:
.L_overlay_start_2:
0x2cd: {  	(tag) =	ssettag $0x2  }
0x2ce: {  	s0 =	rddreg [dreg:$0x0];
	s2 =	stileid.u32  }
0x2cf: {  	s1 =	rddreg [dreg:$0x1];
	p0 =	sne.s32 s2, $0x0  }
0x2d0: {  	s3 =	rddreg [dreg:$0x2];
	[bflag:$0x3] =	sbarrier.arrive $0xFFFF;
	s2 =	simm.s32 @!p0 $0x1C03  }
0x2d1: {  	[timem:s3], [sflag:s2] =	dma.local @!p0 [hbm:s0], s1  }
0x2d2: {  	s0 =	simm.s32 @!p0 $0x3  }
0x2d3: {  	_ =	swait.ge @!p0 [sflag:s0], s1  }
0x2d4: {  	s1 =	ssub.s32 @!p0 $0x0, s1;
	[sflag:s0] =	ssyncset.done @!p0 $0x0  }
0x2d5: {  	[sflag:s0] =	ssyncadd.s32 @!p0 s1  }
0x2d6: {  	[bflag:$0x3] =	sbarrier.arrive $0xFFFF  }
0x2d7: {  	_ =	shalt  }

</sc_bundles>
